<compile_context>
chip_gen: v7x
topology: tpu7x:2x2x1
jax: 0.10.2.dev20260603
libtpu: 0.0.44.dev20260713+nightly
codegen_flags: <defaults>
</compile_context>

<pallas_src>
import functools

import jax
import jax.numpy as jnp
from jax import lax
from jax.experimental import pallas as pl
from jax.experimental.pallas import tpu as pltpu
from jax.experimental.pallas import tpu_sc as plsc

_S = 1000
_R = 1000
_B = 16384
_N = _S * _R
_NC = 1
_NS = 16
_NW = _NC * _NS
_BPW = _B // _NW
_JB = _BPW // 128
_L = 16

_HALF = 630000
_CHUNK = 23120
_MAIN8 = 180
_REM = 5
_XTRA_OFF = _HALF + _CHUNK * _NS
_NEG_INF = float("-inf")


def _lane_bcast_reduce(v, op):
    lanes = lax.iota(jnp.int32, _L)
    for s in (8, 4, 2, 1):
        p = v.at[lanes ^ s].get(mode="promise_in_bounds")
        v = op(v, p)
    return v


_sc_mesh = plsc.VectorSubcoreMesh(core_axis_name="c", subcore_axis_name="s",
                                  num_cores=_NC)


@functools.partial(
    pl.kernel,
    out_type=(
        jax.ShapeDtypeStruct((_B,), jnp.float32),
        jax.ShapeDtypeStruct((_NS, _L), jnp.float32),
        jax.ShapeDtypeStruct((_NS, _L), jnp.float32),
    ),
    mesh=_sc_mesh,
    scratch_types=[
        pltpu.VMEM((_CHUNK,), jnp.float32),
        pltpu.VMEM((80,), jnp.float32),
        pltpu.VMEM((_BPW,), jnp.int32),
        pltpu.VMEM((_BPW,), jnp.int32),
        pltpu.VMEM((_JB, 128), jnp.int32),
        pltpu.VMEM((_JB, 128), jnp.float32),
        pltpu.VMEM((_L,), jnp.float32),
        pltpu.VMEM((_L,), jnp.float32),
        pltpu.SemaphoreType.DMA,
        pltpu.SemaphoreType.DMA,
        pltpu.SemaphoreType.DMA,
    ],
)
def _sc_half(snd_hbm, rcv_hbm, wt_hbm, g_hbm, mp_hbm, zp_hbm,
             chunk_v, xtra_v, snd_v, rcv_v, idx_v, g_v, m16_v, z16_v,
             sem_c, sem_io, sem_g):
    c = lax.axis_index("c")
    t = lax.axis_index("s")
    wid = t * _NC + c
    base = wid * _BPW
    tbl = wt_hbm.at[0]

    off = _HALF + t * _CHUNK
    cp_c = pltpu.async_copy(tbl.at[pl.ds(off, _CHUNK)], chunk_v, sem_c)
    cp_x = pltpu.async_copy(tbl.at[pl.ds(_XTRA_OFF, 80)], xtra_v, sem_io)
    cp_s = pltpu.async_copy(snd_hbm.at[pl.ds(base, _BPW)], snd_v, sem_io)
    cp_r = pltpu.async_copy(rcv_hbm.at[pl.ds(base, _BPW)], rcv_v, sem_io)
    cp_s.wait()
    cp_r.wait()
    cp_x.wait()

    for j in range(_JB):
        for k in range(8):
            o = j * 128 + k * _L
            idx_v[j, pl.ds(k * _L, _L)] = snd_v[pl.ds(o, _L)] * _R + rcv_v[pl.ds(o, _L)]
    gathers = [
        pltpu.async_copy(tbl.at[idx_v.at[j]], g_v.at[j], sem_g)
        for j in range(_JB)
    ]

    has_x = t < 5
    xv = xtra_v[pl.ds((t % 5) * _L, _L)]

    def body_max(i, mrun):
        b = i * 128
        for k in range(8):
            mrun = jnp.maximum(mrun, chunk_v[pl.ds(b + k * _L, _L)])
        return mrun

    cp_c.wait()
    mrun = lax.fori_loop(0, _MAIN8, body_max,
                         jnp.full((_L,), _NEG_INF, jnp.float32))
    for k in range(_REM):
        mrun = jnp.maximum(mrun, chunk_v[pl.ds(_MAIN8 * 128 + k * _L, _L)])
    mrun = jnp.where(has_x, jnp.maximum(mrun, xv), mrun)
    mvec = _lane_bcast_reduce(mrun, jnp.maximum)

    def body_sum(i, zrun):
        b = i * 128
        for k in range(8):
            zrun = zrun + jnp.exp(chunk_v[pl.ds(b + k * _L, _L)] - mvec)
        return zrun

    zrun = lax.fori_loop(0, _MAIN8, body_sum, jnp.zeros((_L,), jnp.float32))
    for k in range(_REM):
        zrun = zrun + jnp.exp(chunk_v[pl.ds(_MAIN8 * 128 + k * _L, _L)] - mvec)
    zrun = zrun + jnp.where(has_x, jnp.exp(xv - mvec),
                            jnp.zeros((_L,), jnp.float32))
    zvec = _lane_bcast_reduce(zrun, jnp.add)

    m16_v[...] = mvec
    z16_v[...] = zvec
    pltpu.sync_copy(m16_v, mp_hbm.at[t])
    pltpu.sync_copy(z16_v, zp_hbm.at[t])

    for j, cp in enumerate(gathers):
        cp.wait()
        pltpu.sync_copy(g_v.at[j], g_hbm.at[pl.ds(base + j * 128, 128)])


def _stats_body(w_ref, m_ref, z_ref):
    x = w_ref[...][:, :_HALF]
    m = jnp.max(x)
    z = jnp.sum(jnp.exp(x - m))
    for j in range(_L):
        m_ref[j] = m
        z_ref[j] = z


_stats_tc = pl.pallas_call(
    _stats_body,
    out_shape=(
        jax.ShapeDtypeStruct((_L,), jnp.float32),
        jax.ShapeDtypeStruct((_L,), jnp.float32),
    ),
    in_specs=[pl.BlockSpec(memory_space=pltpu.VMEM)],
    out_specs=(
        pl.BlockSpec(memory_space=pltpu.SMEM),
        pl.BlockSpec(memory_space=pltpu.SMEM),
    ),
)


def _finalize_body(g_ref, m_ref, z_ref, mp_ref, zp_ref, o_ref):
    m_tc = m_ref[0]
    z_tc = z_ref[0]
    mp = mp_ref[...][:, :1]
    zp = zp_ref[...][:, :1]
    gm = jnp.maximum(m_tc, jnp.max(mp))
    gz = z_tc * jnp.exp(m_tc - gm) + jnp.sum(zp * jnp.exp(mp - gm))
    o_ref[...] = jnp.exp(g_ref[...] - gm) * (1.0 / gz)


_finalize_tc = pl.pallas_call(
    _finalize_body,
    out_shape=jax.ShapeDtypeStruct((_B,), jnp.float32),
    in_specs=[
        pl.BlockSpec(memory_space=pltpu.VMEM),
        pl.BlockSpec(memory_space=pltpu.SMEM),
        pl.BlockSpec(memory_space=pltpu.SMEM),
        pl.BlockSpec(memory_space=pltpu.VMEM),
        pl.BlockSpec(memory_space=pltpu.VMEM),
    ],
    out_specs=pl.BlockSpec(memory_space=pltpu.VMEM),
)


def kernel(sender_idx, receiver_idx, commentary_weight):
    wt = commentary_weight.T
    g_raw, mp, zp = _sc_half(sender_idx.astype(jnp.int32),
                             receiver_idx.astype(jnp.int32), wt)
    m16, z16 = _stats_tc(wt)
    return _finalize_tc(g_raw, m16, z16, mp, zp)

# --- scband reference (transcript-rebuilt; emitter-appended) ---
"""Pipeline reference for scband-grid-commentary-network-69114613729665 (READ-ONLY COPY).

The authoritative reference and input builder live on the scoring server;
editing this copy changes nothing except your own understanding.
"""

import jax, jax.numpy as jnp
import numpy as np

NUM_SENDERS = 1000
NUM_RECEIVERS = 1000
BATCH = 16384


def setup_inputs(seed: int = 0) -> dict:
    key = jax.random.key(seed)
    k1, k2, k3 = jax.random.split(key, 3)
    sender_idx = jax.random.randint(k1, (BATCH,), 0, NUM_SENDERS, dtype=jnp.int64 if jax.config.jax_enable_x64 else jnp.int32)
    receiver_idx = jax.random.randint(k2, (BATCH,), 0, NUM_RECEIVERS, dtype=jnp.int64 if jax.config.jax_enable_x64 else jnp.int32)
    commentary_weight = jax.random.normal(k3, (NUM_SENDERS * NUM_RECEIVERS, 1), dtype=jnp.float32)
    return {"sender_idx": sender_idx, "receiver_idx": receiver_idx, "commentary_weight": commentary_weight}


def reference(sender_idx, receiver_idx, commentary_weight):
    # softmax over the full embedding table along dim 0 (rows)
    rel_weights = jax.nn.softmax(commentary_weight, axis=0)  # [S*R, 1]
    flat_idx = sender_idx * NUM_RECEIVERS + receiver_idx      # [B]
    rel_flat = jnp.squeeze(rel_weights)                       # [S*R]
    return jnp.take(rel_flat, flat_idx, axis=0)               # [B]

if __name__ == "__main__":
    import jax
    _d = setup_inputs()
    print(jax.jit(kernel)(*tuple(_d.values())))

</pallas_src>

<mosaic_0001>
#map = affine_map<(d0, d1) -> (0)>
#map1 = affine_map<(d0, d1) -> (0, 0)>
module attributes {stable_mosaic.version = 14 : i64} {
  func.func @_sc_half(%arg0: i32, %arg1: i32, %arg2: memref<16384xi32, #tpu.memory_space<hbm>>, %arg3: memref<16384xi32, #tpu.memory_space<hbm>>, %arg4: memref<1x1000000xf32, #tpu.memory_space<hbm>>, %arg5: memref<16384xf32, #tpu.memory_space<hbm>>, %arg6: memref<16x16xf32, #tpu.memory_space<hbm>>, %arg7: memref<16x16xf32, #tpu.memory_space<hbm>>, %arg8: memref<23120xf32, #tpu.memory_space<vmem>>, %arg9: memref<80xf32, #tpu.memory_space<vmem>>, %arg10: memref<1024xi32, #tpu.memory_space<vmem>>, %arg11: memref<1024xi32, #tpu.memory_space<vmem>>, %arg12: memref<8x128xi32, #tpu.memory_space<vmem>>, %arg13: memref<8x128xf32, #tpu.memory_space<vmem>>, %arg14: memref<16xf32, #tpu.memory_space<vmem>>, %arg15: memref<16xf32, #tpu.memory_space<vmem>>, %arg16: memref<!tpu.dma_semaphore, #tpu.memory_space<semaphore_mem>>, %arg17: memref<!tpu.dma_semaphore, #tpu.memory_space<semaphore_mem>>, %arg18: memref<!tpu.dma_semaphore, #tpu.memory_space<semaphore_mem>>) attributes {dimension_semantics = [#tpu.dimension_semantics<core_parallel>, #tpu.dimension_semantics<subcore_parallel>], iteration_bounds = array<i64: 1, 16>, scalar_prefetch = 0 : i64, scratch_operands = 11 : i64, tpu.core_type = #tpu.core_type<sc_vector_subcore>, window_params = [{transform_indices = #map}, {transform_indices = #map}, {transform_indices = #map1}, {transform_indices = #map}, {transform_indices = #map1}, {transform_indices = #map1}]} {
    %mul3A = arith.constant 1 : i32
    %mul3A_0 = arith.muli %arg1, %mul3A : i32
    %add3A = arith.addi %mul3A_0, %arg0 : i32
    %mul3A_1 = arith.constant 1024 : i32
    %mul3A_2 = arith.muli %add3A, %mul3A_1 : i32
    %mul3A_3 = arith.constant 23120 : i32
    %mul3A_4 = arith.muli %arg1, %mul3A_3 : i32
    %add3A_5 = arith.constant 630000 : i32
    %add3A_6 = arith.addi %add3A_5, %mul3A_4 : i32
    %dma_start3A = arith.constant 0 : i32
    %dma_start3A_7 = arith.constant 0 : i32
    %dma_start3A_8 = tpu.memref_slice %arg4[%dma_start3A, %dma_start3A_7] : memref<1x1000000xf32, #tpu.memory_space<hbm>> -> memref<1x1000000xf32, #tpu.memory_space<hbm>>
    %dma_start3A_9 = tpu.memref_squeeze %dma_start3A_8 : memref<1x1000000xf32, #tpu.memory_space<hbm>> -> memref<1000000xf32, #tpu.memory_space<hbm>>
    %dma_start3A_10 = tpu.memref_slice %dma_start3A_9[%add3A_6] : memref<1000000xf32, #tpu.memory_space<hbm>> -> memref<23120xf32, #tpu.memory_space<hbm>>
    %dma_start3A_11 = arith.constant 0 : i32
    %dma_start3A_12 = tpu.memref_slice %arg4[%dma_start3A, %dma_start3A_11] : memref<1x1000000xf32, #tpu.memory_space<hbm>> -> memref<1x1000000xf32, #tpu.memory_space<hbm>>
    %dma_start3A_13 = tpu.memref_squeeze %dma_start3A_12 : memref<1x1000000xf32, #tpu.memory_space<hbm>> -> memref<1000000xf32, #tpu.memory_space<hbm>>
    %dma_start3A_14 = tpu.memref_slice %dma_start3A_13[%add3A_6] : memref<1000000xf32, #tpu.memory_space<hbm>> -> memref<23120xf32, #tpu.memory_space<hbm>>
    tpu.enqueue_dma source(%dma_start3A_14 : memref<23120xf32, #tpu.memory_space<hbm>>) target(%arg8 : memref<23120xf32, #tpu.memory_space<vmem>>) target_semaphore(%arg16 : memref<!tpu.dma_semaphore, #tpu.memory_space<semaphore_mem>>)
    %dma_start3A_15 = arith.constant 0 : i32
    %dma_start3A_16 = arith.constant 0 : i32
    %dma_start3A_17 = tpu.memref_slice %arg4[%dma_start3A_15, %dma_start3A_16] : memref<1x1000000xf32, #tpu.memory_space<hbm>> -> memref<1x1000000xf32, #tpu.memory_space<hbm>>
    %dma_start3A_18 = tpu.memref_squeeze %dma_start3A_17 : memref<1x1000000xf32, #tpu.memory_space<hbm>> -> memref<1000000xf32, #tpu.memory_space<hbm>>
    %dma_start3A_19 = arith.constant 999920 : i32
    %dma_start3A_20 = tpu.memref_slice %dma_start3A_18[%dma_start3A_19] : memref<1000000xf32, #tpu.memory_space<hbm>> -> memref<80xf32, #tpu.memory_space<hbm>>
    %dma_start3A_21 = arith.constant 0 : i32
    %dma_start3A_22 = tpu.memref_slice %arg4[%dma_start3A_15, %dma_start3A_21] : memref<1x1000000xf32, #tpu.memory_space<hbm>> -> memref<1x1000000xf32, #tpu.memory_space<hbm>>
    %dma_start3A_23 = tpu.memref_squeeze %dma_start3A_22 : memref<1x1000000xf32, #tpu.memory_space<hbm>> -> memref<1000000xf32, #tpu.memory_space<hbm>>
    %dma_start3A_24 = arith.constant 999920 : i32
    %dma_start3A_25 = tpu.memref_slice %dma_start3A_23[%dma_start3A_24] : memref<1000000xf32, #tpu.memory_space<hbm>> -> memref<80xf32, #tpu.memory_space<hbm>>
    tpu.enqueue_dma source(%dma_start3A_25 : memref<80xf32, #tpu.memory_space<hbm>>) target(%arg9 : memref<80xf32, #tpu.memory_space<vmem>>) target_semaphore(%arg17 : memref<!tpu.dma_semaphore, #tpu.memory_space<semaphore_mem>>)
    %dma_start3A_26 = tpu.memref_slice %arg2[%mul3A_2] : memref<16384xi32, #tpu.memory_space<hbm>> -> memref<1024xi32, #tpu.memory_space<hbm>>
    %dma_start3A_27 = tpu.memref_slice %arg2[%mul3A_2] : memref<16384xi32, #tpu.memory_space<hbm>> -> memref<1024xi32, #tpu.memory_space<hbm>>
    tpu.enqueue_dma source(%dma_start3A_27 : memref<1024xi32, #tpu.memory_space<hbm>>) target(%arg10 : memref<1024xi32, #tpu.memory_space<vmem>>) target_semaphore(%arg17 : memref<!tpu.dma_semaphore, #tpu.memory_space<semaphore_mem>>)
    %dma_start3A_28 = tpu.memref_slice %arg3[%mul3A_2] : memref<16384xi32, #tpu.memory_space<hbm>> -> memref<1024xi32, #tpu.memory_space<hbm>>
    %dma_start3A_29 = tpu.memref_slice %arg3[%mul3A_2] : memref<16384xi32, #tpu.memory_space<hbm>> -> memref<1024xi32, #tpu.memory_space<hbm>>
    tpu.enqueue_dma source(%dma_start3A_29 : memref<1024xi32, #tpu.memory_space<hbm>>) target(%arg11 : memref<1024xi32, #tpu.memory_space<vmem>>) target_semaphore(%arg17 : memref<!tpu.dma_semaphore, #tpu.memory_space<semaphore_mem>>)
    %dma_wait3A = tpu.memref_slice %arg2[%mul3A_2] : memref<16384xi32, #tpu.memory_space<hbm>> -> memref<1024xi32, #tpu.memory_space<hbm>>
    %dma_wait3A_30 = tpu.memref_slice %arg2[%mul3A_2] : memref<16384xi32, #tpu.memory_space<hbm>> -> memref<1024xi32, #tpu.memory_space<hbm>>
    tpu.wait_dma2 semaphore(%arg17 : memref<!tpu.dma_semaphore, #tpu.memory_space<semaphore_mem>>) src(%dma_wait3A_30 : memref<1024xi32, #tpu.memory_space<hbm>>) dst(%arg10 : memref<1024xi32, #tpu.memory_space<vmem>>)
    %dma_wait3A_31 = tpu.memref_slice %arg3[%mul3A_2] : memref<16384xi32, #tpu.memory_space<hbm>> -> memref<1024xi32, #tpu.memory_space<hbm>>
    %dma_wait3A_32 = tpu.memref_slice %arg3[%mul3A_2] : memref<16384xi32, #tpu.memory_space<hbm>> -> memref<1024xi32, #tpu.memory_space<hbm>>
    tpu.wait_dma2 semaphore(%arg17 : memref<!tpu.dma_semaphore, #tpu.memory_space<semaphore_mem>>) src(%dma_wait3A_32 : memref<1024xi32, #tpu.memory_space<hbm>>) dst(%arg11 : memref<1024xi32, #tpu.memory_space<vmem>>)
    %dma_wait3A_33 = arith.constant 0 : i32
    %dma_wait3A_34 = arith.constant 0 : i32
    %dma_wait3A_35 = tpu.memref_slice %arg4[%dma_wait3A_33, %dma_wait3A_34] : memref<1x1000000xf32, #tpu.memory_space<hbm>> -> memref<1x1000000xf32, #tpu.memory_space<hbm>>
    %dma_wait3A_36 = tpu.memref_squeeze %dma_wait3A_35 : memref<1x1000000xf32, #tpu.memory_space<hbm>> -> memref<1000000xf32, #tpu.memory_space<hbm>>
    %dma_wait3A_37 = arith.constant 999920 : i32
    %dma_wait3A_38 = tpu.memref_slice %dma_wait3A_36[%dma_wait3A_37] : memref<1000000xf32, #tpu.memory_space<hbm>> -> memref<80xf32, #tpu.memory_space<hbm>>
    %dma_wait3A_39 = arith.constant 0 : i32
    %dma_wait3A_40 = tpu.memref_slice %arg4[%dma_wait3A_33, %dma_wait3A_39] : memref<1x1000000xf32, #tpu.memory_space<hbm>> -> memref<1x1000000xf32, #tpu.memory_space<hbm>>
    %dma_wait3A_41 = tpu.memref_squeeze %dma_wait3A_40 : memref<1x1000000xf32, #tpu.memory_space<hbm>> -> memref<1000000xf32, #tpu.memory_space<hbm>>
    %dma_wait3A_42 = arith.constant 999920 : i32
    %dma_wait3A_43 = tpu.memref_slice %dma_wait3A_41[%dma_wait3A_42] : memref<1000000xf32, #tpu.memory_space<hbm>> -> memref<80xf32, #tpu.memory_space<hbm>>
    tpu.wait_dma2 semaphore(%arg17 : memref<!tpu.dma_semaphore, #tpu.memory_space<semaphore_mem>>) src(%dma_wait3A_43 : memref<80xf32, #tpu.memory_space<hbm>>) dst(%arg9 : memref<80xf32, #tpu.memory_space<vmem>>)
    %get3A = arith.constant 0 : index
    %get3A_44 = tpu.vector_load %arg10[%get3A] {strides = array<i32>} : memref<1024xi32, #tpu.memory_space<vmem>>, vector<16xi32>,
    %get3A_45 = vector.shape_cast %get3A_44 : vector<16xi32> to vector<16xi32>
    %mul3A_46 = arith.constant 1000 : i32
    %mul3A_47 = vector.broadcast %mul3A_46 : i32 to vector<16xi32>
    %mul3A_48 = arith.muli %get3A_45, %mul3A_47 : vector<16xi32>
    %get3A_49 = arith.constant 0 : index
    %get3A_50 = tpu.vector_load %arg11[%get3A_49] {strides = array<i32>} : memref<1024xi32, #tpu.memory_space<vmem>>, vector<16xi32>,
    %get3A_51 = vector.shape_cast %get3A_50 : vector<16xi32> to vector<16xi32>
    %add3A_52 = arith.addi %mul3A_48, %get3A_51 : vector<16xi32>
    %swap3A = arith.constant 0 : i32
    %swap3A_53 = arith.index_cast %swap3A : i32 to index
    %swap3A_54 = arith.constant 0 : index
    %swap3A_55 = tpu.vector_load %arg12[%swap3A_53, %swap3A_54] {strides = array<i32>} : memref<8x128xi32, #tpu.memory_space<vmem>>, vector<1x16xi32>,
    %swap3A_56 = vector.shape_cast %swap3A_55 : vector<1x16xi32> to vector<16xi32>
    %swap3A_57 = vector.shape_cast %add3A_52 : vector<16xi32> to vector<1x16xi32>
    tpu.vector_store %arg12[%swap3A_53, %swap3A_54], %swap3A_57 {strides = array<i32>} : memref<8x128xi32, #tpu.memory_space<vmem>>, vector<1x16xi32>,
    %get3A_58 = arith.constant 16 : index
    %get3A_59 = tpu.vector_load %arg10[%get3A_58] {strides = array<i32>} : memref<1024xi32, #tpu.memory_space<vmem>>, vector<16xi32>,
    %get3A_60 = vector.shape_cast %get3A_59 : vector<16xi32> to vector<16xi32>
    %mul3A_61 = arith.constant 1000 : i32
    %mul3A_62 = vector.broadcast %mul3A_61 : i32 to vector<16xi32>
    %mul3A_63 = arith.muli %get3A_60, %mul3A_62 : vector<16xi32>
    %get3A_64 = arith.constant 16 : index
    %get3A_65 = tpu.vector_load %arg11[%get3A_64] {strides = array<i32>} : memref<1024xi32, #tpu.memory_space<vmem>>, vector<16xi32>,
    %get3A_66 = vector.shape_cast %get3A_65 : vector<16xi32> to vector<16xi32>
    %add3A_67 = arith.addi %mul3A_63, %get3A_66 : vector<16xi32>
    %swap3A_68 = arith.constant 0 : i32
    %swap3A_69 = arith.index_cast %swap3A_68 : i32 to index
    %swap3A_70 = arith.constant 16 : index
    %swap3A_71 = tpu.vector_load %arg12[%swap3A_69, %swap3A_70] {strides = array<i32>} : memref<8x128xi32, #tpu.memory_space<vmem>>, vector<1x16xi32>,
    %swap3A_72 = vector.shape_cast %swap3A_71 : vector<1x16xi32> to vector<16xi32>
    %swap3A_73 = vector.shape_cast %add3A_67 : vector<16xi32> to vector<1x16xi32>
    tpu.vector_store %arg12[%swap3A_69, %swap3A_70], %swap3A_73 {strides = array<i32>} : memref<8x128xi32, #tpu.memory_space<vmem>>, vector<1x16xi32>,
    %get3A_74 = arith.constant 32 : index
    %get3A_75 = tpu.vector_load %arg10[%get3A_74] {strides = array<i32>} : memref<1024xi32, #tpu.memory_space<vmem>>, vector<16xi32>,
    %get3A_76 = vector.shape_cast %get3A_75 : vector<16xi32> to vector<16xi32>
    %mul3A_77 = arith.constant 1000 : i32
    %mul3A_78 = vector.broadcast %mul3A_77 : i32 to vector<16xi32>
    %mul3A_79 = arith.muli %get3A_76, %mul3A_78 : vector<16xi32>
    %get3A_80 = arith.constant 32 : index
    %get3A_81 = tpu.vector_load %arg11[%get3A_80] {strides = array<i32>} : memref<1024xi32, #tpu.memory_space<vmem>>, vector<16xi32>,
    %get3A_82 = vector.shape_cast %get3A_81 : vector<16xi32> to vector<16xi32>
    %add3A_83 = arith.addi %mul3A_79, %get3A_82 : vector<16xi32>
    %swap3A_84 = arith.constant 0 : i32
    %swap3A_85 = arith.index_cast %swap3A_84 : i32 to index
    %swap3A_86 = arith.constant 32 : index
    %swap3A_87 = tpu.vector_load %arg12[%swap3A_85, %swap3A_86] {strides = array<i32>} : memref<8x128xi32, #tpu.memory_space<vmem>>, vector<1x16xi32>,
    %swap3A_88 = vector.shape_cast %swap3A_87 : vector<1x16xi32> to vector<16xi32>
    %swap3A_89 = vector.shape_cast %add3A_83 : vector<16xi32> to vector<1x16xi32>
    tpu.vector_store %arg12[%swap3A_85, %swap3A_86], %swap3A_89 {strides = array<i32>} : memref<8x128xi32, #tpu.memory_space<vmem>>, vector<1x16xi32>,
    %get3A_90 = arith.constant 48 : index
    %get3A_91 = tpu.vector_load %arg10[%get3A_90] {strides = array<i32>} : memref<1024xi32, #tpu.memory_space<vmem>>, vector<16xi32>,
    %get3A_92 = vector.shape_cast %get3A_91 : vector<16xi32> to vector<16xi32>
    %mul3A_93 = arith.constant 1000 : i32
    %mul3A_94 = vector.broadcast %mul3A_93 : i32 to vector<16xi32>
    %mul3A_95 = arith.muli %get3A_92, %mul3A_94 : vector<16xi32>
    %get3A_96 = arith.constant 48 : index
    %get3A_97 = tpu.vector_load %arg11[%get3A_96] {strides = array<i32>} : memref<1024xi32, #tpu.memory_space<vmem>>, vector<16xi32>,
    %get3A_98 = vector.shape_cast %get3A_97 : vector<16xi32> to vector<16xi32>
    %add3A_99 = arith.addi %mul3A_95, %get3A_98 : vector<16xi32>
    %swap3A_100 = arith.constant 0 : i32
    %swap3A_101 = arith.index_cast %swap3A_100 : i32 to index
    %swap3A_102 = arith.constant 48 : index
    %swap3A_103 = tpu.vector_load %arg12[%swap3A_101, %swap3A_102] {strides = array<i32>} : memref<8x128xi32, #tpu.memory_space<vmem>>, vector<1x16xi32>,
    %swap3A_104 = vector.shape_cast %swap3A_103 : vector<1x16xi32> to vector<16xi32>
    %swap3A_105 = vector.shape_cast %add3A_99 : vector<16xi32> to vector<1x16xi32>
    tpu.vector_store %arg12[%swap3A_101, %swap3A_102], %swap3A_105 {strides = array<i32>} : memref<8x128xi32, #tpu.memory_space<vmem>>, vector<1x16xi32>,
    %get3A_106 = arith.constant 64 : index
    %get3A_107 = tpu.vector_load %arg10[%get3A_106] {strides = array<i32>} : memref<1024xi32, #tpu.memory_space<vmem>>, vector<16xi32>,
    %get3A_108 = vector.shape_cast %get3A_107 : vector<16xi32> to vector<16xi32>
    %mul3A_109 = arith.constant 1000 : i32
    %mul3A_110 = vector.broadcast %mul3A_109 : i32 to vector<16xi32>
    %mul3A_111 = arith.muli %get3A_108, %mul3A_110 : vector<16xi32>
    %get3A_112 = arith.constant 64 : index
    %get3A_113 = tpu.vector_load %arg11[%get3A_112] {strides = array<i32>} : memref<1024xi32, #tpu.memory_space<vmem>>, vector<16xi32>,
    %get3A_114 = vector.shape_cast %get3A_113 : vector<16xi32> to vector<16xi32>
    %add3A_115 = arith.addi %mul3A_111, %get3A_114 : vector<16xi32>
    %swap3A_116 = arith.constant 0 : i32
    %swap3A_117 = arith.index_cast %swap3A_116 : i32 to index
    %swap3A_118 = arith.constant 64 : index
    %swap3A_119 = tpu.vector_load %arg12[%swap3A_117, %swap3A_118] {strides = array<i32>} : memref<8x128xi32, #tpu.memory_space<vmem>>, vector<1x16xi32>,
    %swap3A_120 = vector.shape_cast %swap3A_119 : vector<1x16xi32> to vector<16xi32>
    %swap3A_121 = vector.shape_cast %add3A_115 : vector<16xi32> to vector<1x16xi32>
    tpu.vector_store %arg12[%swap3A_117, %swap3A_118], %swap3A_121 {strides = array<i32>} : memref<8x128xi32, #tpu.memory_space<vmem>>, vector<1x16xi32>,
    %get3A_122 = arith.constant 80 : index
    %get3A_123 = tpu.vector_load %arg10[%get3A_122] {strides = array<i32>} : memref<1024xi32, #tpu.memory_space<vmem>>, vector<16xi32>,
    %get3A_124 = vector.shape_cast %get3A_123 : vector<16xi32> to vector<16xi32>
    %mul3A_125 = arith.constant 1000 : i32
    %mul3A_126 = vector.broadcast %mul3A_125 : i32 to vector<16xi32>
    %mul3A_127 = arith.muli %get3A_124, %mul3A_126 : vector<16xi32>
    %get3A_128 = arith.constant 80 : index
    %get3A_129 = tpu.vector_load %arg11[%get3A_128] {strides = array<i32>} : memref<1024xi32, #tpu.memory_space<vmem>>, vector<16xi32>,
    %get3A_130 = vector.shape_cast %get3A_129 : vector<16xi32> to vector<16xi32>
    %add3A_131 = arith.addi %mul3A_127, %get3A_130 : vector<16xi32>
    %swap3A_132 = arith.constant 0 : i32
    %swap3A_133 = arith.index_cast %swap3A_132 : i32 to index
    %swap3A_134 = arith.constant 80 : index
    %swap3A_135 = tpu.vector_load %arg12[%swap3A_133, %swap3A_134] {strides = array<i32>} : memref<8x128xi32, #tpu.memory_space<vmem>>, vector<1x16xi32>,
    %swap3A_136 = vector.shape_cast %swap3A_135 : vector<1x16xi32> to vector<16xi32>
    %swap3A_137 = vector.shape_cast %add3A_131 : vector<16xi32> to vector<1x16xi32>
    tpu.vector_store %arg12[%swap3A_133, %swap3A_134], %swap3A_137 {strides = array<i32>} : memref<8x128xi32, #tpu.memory_space<vmem>>, vector<1x16xi32>,
    %get3A_138 = arith.constant 96 : index
    %get3A_139 = tpu.vector_load %arg10[%get3A_138] {strides = array<i32>} : memref<1024xi32, #tpu.memory_space<vmem>>, vector<16xi32>,
    %get3A_140 = vector.shape_cast %get3A_139 : vector<16xi32> to vector<16xi32>
    %mul3A_141 = arith.constant 1000 : i32
    %mul3A_142 = vector.broadcast %mul3A_141 : i32 to vector<16xi32>
    %mul3A_143 = arith.muli %get3A_140, %mul3A_142 : vector<16xi32>
    %get3A_144 = arith.constant 96 : index
    %get3A_145 = tpu.vector_load %arg11[%get3A_144] {strides = array<i32>} : memref<1024xi32, #tpu.memory_space<vmem>>, vector<16xi32>,
    %get3A_146 = vector.shape_cast %get3A_145 : vector<16xi32> to vector<16xi32>
    %add3A_147 = arith.addi %mul3A_143, %get3A_146 : vector<16xi32>
    %swap3A_148 = arith.constant 0 : i32
    %swap3A_149 = arith.index_cast %swap3A_148 : i32 to index
    %swap3A_150 = arith.constant 96 : index
    %swap3A_151 = tpu.vector_load %arg12[%swap3A_149, %swap3A_150] {strides = array<i32>} : memref<8x128xi32, #tpu.memory_space<vmem>>, vector<1x16xi32>,
    %swap3A_152 = vector.shape_cast %swap3A_151 : vector<1x16xi32> to vector<16xi32>
    %swap3A_153 = vector.shape_cast %add3A_147 : vector<16xi32> to vector<1x16xi32>
    tpu.vector_store %arg12[%swap3A_149, %swap3A_150], %swap3A_153 {strides = array<i32>} : memref<8x128xi32, #tpu.memory_space<vmem>>, vector<1x16xi32>,
    %get3A_154 = arith.constant 112 : index
    %get3A_155 = tpu.vector_load %arg10[%get3A_154] {strides = array<i32>} : memref<1024xi32, #tpu.memory_space<vmem>>, vector<16xi32>,
    %get3A_156 = vector.shape_cast %get3A_155 : vector<16xi32> to vector<16xi32>
    %mul3A_157 = arith.constant 1000 : i32
    %mul3A_158 = vector.broadcast %mul3A_157 : i32 to vector<16xi32>
    %mul3A_159 = arith.muli %get3A_156, %mul3A_158 : vector<16xi32>
    %get3A_160 = arith.constant 112 : index
    %get3A_161 = tpu.vector_load %arg11[%get3A_160] {strides = array<i32>} : memref<1024xi32, #tpu.memory_space<vmem>>, vector<16xi32>,
    %get3A_162 = vector.shape_cast %get3A_161 : vector<16xi32> to vector<16xi32>
    %add3A_163 = arith.addi %mul3A_159, %get3A_162 : vector<16xi32>
    %swap3A_164 = arith.constant 0 : i32
    %swap3A_165 = arith.index_cast %swap3A_164 : i32 to index
    %swap3A_166 = arith.constant 112 : index
    %swap3A_167 = tpu.vector_load %arg12[%swap3A_165, %swap3A_166] {strides = array<i32>} : memref<8x128xi32, #tpu.memory_space<vmem>>, vector<1x16xi32>,
    %swap3A_168 = vector.shape_cast %swap3A_167 : vector<1x16xi32> to vector<16xi32>
    %swap3A_169 = vector.shape_cast %add3A_163 : vector<16xi32> to vector<1x16xi32>
    tpu.vector_store %arg12[%swap3A_165, %swap3A_166], %swap3A_169 {strides = array<i32>} : memref<8x128xi32, #tpu.memory_space<vmem>>, vector<1x16xi32>,
    %get3A_170 = arith.constant 128 : index
    %get3A_171 = tpu.vector_load %arg10[%get3A_170] {strides = array<i32>} : memref<1024xi32, #tpu.memory_space<vmem>>, vector<16xi32>,
    %get3A_172 = vector.shape_cast %get3A_171 : vector<16xi32> to vector<16xi32>
    %mul3A_173 = arith.constant 1000 : i32
    %mul3A_174 = vector.broadcast %mul3A_173 : i32 to vector<16xi32>
    %mul3A_175 = arith.muli %get3A_172, %mul3A_174 : vector<16xi32>
    %get3A_176 = arith.constant 128 : index
    %get3A_177 = tpu.vector_load %arg11[%get3A_176] {strides = array<i32>} : memref<1024xi32, #tpu.memory_space<vmem>>, vector<16xi32>,
    %get3A_178 = vector.shape_cast %get3A_177 : vector<16xi32> to vector<16xi32>
    %add3A_179 = arith.addi %mul3A_175, %get3A_178 : vector<16xi32>
    %swap3A_180 = arith.constant 1 : i32
    %swap3A_181 = arith.index_cast %swap3A_180 : i32 to index
    %swap3A_182 = arith.constant 0 : index
    %swap3A_183 = tpu.vector_load %arg12[%swap3A_181, %swap3A_182] {strides = array<i32>} : memref<8x128xi32, #tpu.memory_space<vmem>>, vector<1x16xi32>,
    %swap3A_184 = vector.shape_cast %swap3A_183 : vector<1x16xi32> to vector<16xi32>
    %swap3A_185 = vector.shape_cast %add3A_179 : vector<16xi32> to vector<1x16xi32>
    tpu.vector_store %arg12[%swap3A_181, %swap3A_182], %swap3A_185 {strides = array<i32>} : memref<8x128xi32, #tpu.memory_space<vmem>>, vector<1x16xi32>,
    %get3A_186 = arith.constant 144 : index
    %get3A_187 = tpu.vector_load %arg10[%get3A_186] {strides = array<i32>} : memref<1024xi32, #tpu.memory_space<vmem>>, vector<16xi32>,
    %get3A_188 = vector.shape_cast %get3A_187 : vector<16xi32> to vector<16xi32>
    %mul3A_189 = arith.constant 1000 : i32
    %mul3A_190 = vector.broadcast %mul3A_189 : i32 to vector<16xi32>
    %mul3A_191 = arith.muli %get3A_188, %mul3A_190 : vector<16xi32>
    %get3A_192 = arith.constant 144 : index
    %get3A_193 = tpu.vector_load %arg11[%get3A_192] {strides = array<i32>} : memref<1024xi32, #tpu.memory_space<vmem>>, vector<16xi32>,
    %get3A_194 = vector.shape_cast %get3A_193 : vector<16xi32> to vector<16xi32>
    %add3A_195 = arith.addi %mul3A_191, %get3A_194 : vector<16xi32>
    %swap3A_196 = arith.constant 1 : i32
    %swap3A_197 = arith.index_cast %swap3A_196 : i32 to index
    %swap3A_198 = arith.constant 16 : index
    %swap3A_199 = tpu.vector_load %arg12[%swap3A_197, %swap3A_198] {strides = array<i32>} : memref<8x128xi32, #tpu.memory_space<vmem>>, vector<1x16xi32>,
    %swap3A_200 = vector.shape_cast %swap3A_199 : vector<1x16xi32> to vector<16xi32>
    %swap3A_201 = vector.shape_cast %add3A_195 : vector<16xi32> to vector<1x16xi32>
    tpu.vector_store %arg12[%swap3A_197, %swap3A_198], %swap3A_201 {strides = array<i32>} : memref<8x128xi32, #tpu.memory_space<vmem>>, vector<1x16xi32>,
    %get3A_202 = arith.constant 160 : index
    %get3A_203 = tpu.vector_load %arg10[%get3A_202] {strides = array<i32>} : memref<1024xi32, #tpu.memory_space<vmem>>, vector<16xi32>,
    %get3A_204 = vector.shape_cast %get3A_203 : vector<16xi32> to vector<16xi32>
    %mul3A_205 = arith.constant 1000 : i32
    %mul3A_206 = vector.broadcast %mul3A_205 : i32 to vector<16xi32>
    %mul3A_207 = arith.muli %get3A_204, %mul3A_206 : vector<16xi32>
    %get3A_208 = arith.constant 160 : index
    %get3A_209 = tpu.vector_load %arg11[%get3A_208] {strides = array<i32>} : memref<1024xi32, #tpu.memory_space<vmem>>, vector<16xi32>,
    %get3A_210 = vector.shape_cast %get3A_209 : vector<16xi32> to vector<16xi32>
    %add3A_211 = arith.addi %mul3A_207, %get3A_210 : vector<16xi32>
    %swap3A_212 = arith.constant 1 : i32
    %swap3A_213 = arith.index_cast %swap3A_212 : i32 to index
    %swap3A_214 = arith.constant 32 : index
    %swap3A_215 = tpu.vector_load %arg12[%swap3A_213, %swap3A_214] {strides = array<i32>} : memref<8x128xi32, #tpu.memory_space<vmem>>, vector<1x16xi32>,
    %swap3A_216 = vector.shape_cast %swap3A_215 : vector<1x16xi32> to vector<16xi32>
    %swap3A_217 = vector.shape_cast %add3A_211 : vector<16xi32> to vector<1x16xi32>
    tpu.vector_store %arg12[%swap3A_213, %swap3A_214], %swap3A_217 {strides = array<i32>} : memref<8x128xi32, #tpu.memory_space<vmem>>, vector<1x16xi32>,
    %get3A_218 = arith.constant 176 : index
    %get3A_219 = tpu.vector_load %arg10[%get3A_218] {strides = array<i32>} : memref<1024xi32, #tpu.memory_space<vmem>>, vector<16xi32>,
    %get3A_220 = vector.shape_cast %get3A_219 : vector<16xi32> to vector<16xi32>
    %mul3A_221 = arith.constant 1000 : i32
    %mul3A_222 = vector.broadcast %mul3A_221 : i32 to vector<16xi32>
    %mul3A_223 = arith.muli %get3A_220, %mul3A_222 : vector<16xi32>
    %get3A_224 = arith.constant 176 : index
    %get3A_225 = tpu.vector_load %arg11[%get3A_224] {strides = array<i32>} : memref<1024xi32, #tpu.memory_space<vmem>>, vector<16xi32>,
    %get3A_226 = vector.shape_cast %get3A_225 : vector<16xi32> to vector<16xi32>
    %add3A_227 = arith.addi %mul3A_223, %get3A_226 : vector<16xi32>
    %swap3A_228 = arith.constant 1 : i32
    %swap3A_229 = arith.index_cast %swap3A_228 : i32 to index
    %swap3A_230 = arith.constant 48 : index
    %swap3A_231 = tpu.vector_load %arg12[%swap3A_229, %swap3A_230] {strides = array<i32>} : memref<8x128xi32, #tpu.memory_space<vmem>>, vector<1x16xi32>,
    %swap3A_232 = vector.shape_cast %swap3A_231 : vector<1x16xi32> to vector<16xi32>
    %swap3A_233 = vector.shape_cast %add3A_227 : vector<16xi32> to vector<1x16xi32>
    tpu.vector_store %arg12[%swap3A_229, %swap3A_230], %swap3A_233 {strides = array<i32>} : memref<8x128xi32, #tpu.memory_space<vmem>>, vector<1x16xi32>,
    %get3A_234 = arith.constant 192 : index
    %get3A_235 = tpu.vector_load %arg10[%get3A_234] {strides = array<i32>} : memref<1024xi32, #tpu.memory_space<vmem>>, vector<16xi32>,
    %get3A_236 = vector.shape_cast %get3A_235 : vector<16xi32> to vector<16xi32>
    %mul3A_237 = arith.constant 1000 : i32
    %mul3A_238 = vector.broadcast %mul3A_237 : i32 to vector<16xi32>
    %mul3A_239 = arith.muli %get3A_236, %mul3A_238 : vector<16xi32>
    %get3A_240 = arith.constant 192 : index
    %get3A_241 = tpu.vector_load %arg11[%get3A_240] {strides = array<i32>} : memref<1024xi32, #tpu.memory_space<vmem>>, vector<16xi32>,
    %get3A_242 = vector.shape_cast %get3A_241 : vector<16xi32> to vector<16xi32>
    %add3A_243 = arith.addi %mul3A_239, %get3A_242 : vector<16xi32>
    %swap3A_244 = arith.constant 1 : i32
    %swap3A_245 = arith.index_cast %swap3A_244 : i32 to index
    %swap3A_246 = arith.constant 64 : index
    %swap3A_247 = tpu.vector_load %arg12[%swap3A_245, %swap3A_246] {strides = array<i32>} : memref<8x128xi32, #tpu.memory_space<vmem>>, vector<1x16xi32>,
    %swap3A_248 = vector.shape_cast %swap3A_247 : vector<1x16xi32> to vector<16xi32>
    %swap3A_249 = vector.shape_cast %add3A_243 : vector<16xi32> to vector<1x16xi32>
    tpu.vector_store %arg12[%swap3A_245, %swap3A_246], %swap3A_249 {strides = array<i32>} : memref<8x128xi32, #tpu.memory_space<vmem>>, vector<1x16xi32>,
    %get3A_250 = arith.constant 208 : index
    %get3A_251 = tpu.vector_load %arg10[%get3A_250] {strides = array<i32>} : memref<1024xi32, #tpu.memory_space<vmem>>, vector<16xi32>,
    %get3A_252 = vector.shape_cast %get3A_251 : vector<16xi32> to vector<16xi32>
    %mul3A_253 = arith.constant 1000 : i32
    %mul3A_254 = vector.broadcast %mul3A_253 : i32 to vector<16xi32>
    %mul3A_255 = arith.muli %get3A_252, %mul3A_254 : vector<16xi32>
    %get3A_256 = arith.constant 208 : index
    %get3A_257 = tpu.vector_load %arg11[%get3A_256] {strides = array<i32>} : memref<1024xi32, #tpu.memory_space<vmem>>, vector<16xi32>,
    %get3A_258 = vector.shape_cast %get3A_257 : vector<16xi32> to vector<16xi32>
    %add3A_259 = arith.addi %mul3A_255, %get3A_258 : vector<16xi32>
    %swap3A_260 = arith.constant 1 : i32
    %swap3A_261 = arith.index_cast %swap3A_260 : i32 to index
    %swap3A_262 = arith.constant 80 : index
    %swap3A_263 = tpu.vector_load %arg12[%swap3A_261, %swap3A_262] {strides = array<i32>} : memref<8x128xi32, #tpu.memory_space<vmem>>, vector<1x16xi32>,
    %swap3A_264 = vector.shape_cast %swap3A_263 : vector<1x16xi32> to vector<16xi32>
    %swap3A_265 = vector.shape_cast %add3A_259 : vector<16xi32> to vector<1x16xi32>
    tpu.vector_store %arg12[%swap3A_261, %swap3A_262], %swap3A_265 {strides = array<i32>} : memref<8x128xi32, #tpu.memory_space<vmem>>, vector<1x16xi32>,
    %get3A_266 = arith.constant 224 : index
    %get3A_267 = tpu.vector_load %arg10[%get3A_266] {strides = array<i32>} : memref<1024xi32, #tpu.memory_space<vmem>>, vector<16xi32>,
    %get3A_268 = vector.shape_cast %get3A_267 : vector<16xi32> to vector<16xi32>
    %mul3A_269 = arith.constant 1000 : i32
    %mul3A_270 = vector.broadcast %mul3A_269 : i32 to vector<16xi32>
    %mul3A_271 = arith.muli %get3A_268, %mul3A_270 : vector<16xi32>
    %get3A_272 = arith.constant 224 : index
    %get3A_273 = tpu.vector_load %arg11[%get3A_272] {strides = array<i32>} : memref<1024xi32, #tpu.memory_space<vmem>>, vector<16xi32>,
    %get3A_274 = vector.shape_cast %get3A_273 : vector<16xi32> to vector<16xi32>
    %add3A_275 = arith.addi %mul3A_271, %get3A_274 : vector<16xi32>
    %swap3A_276 = arith.constant 1 : i32
    %swap3A_277 = arith.index_cast %swap3A_276 : i32 to index
    %swap3A_278 = arith.constant 96 : index
    %swap3A_279 = tpu.vector_load %arg12[%swap3A_277, %swap3A_278] {strides = array<i32>} : memref<8x128xi32, #tpu.memory_space<vmem>>, vector<1x16xi32>,
    %swap3A_280 = vector.shape_cast %swap3A_279 : vector<1x16xi32> to vector<16xi32>
    %swap3A_281 = vector.shape_cast %add3A_275 : vector<16xi32> to vector<1x16xi32>
    tpu.vector_store %arg12[%swap3A_277, %swap3A_278], %swap3A_281 {strides = array<i32>} : memref<8x128xi32, #tpu.memory_space<vmem>>, vector<1x16xi32>,
    %get3A_282 = arith.constant 240 : index
    %get3A_283 = tpu.vector_load %arg10[%get3A_282] {strides = array<i32>} : memref<1024xi32, #tpu.memory_space<vmem>>, vector<16xi32>,
    %get3A_284 = vector.shape_cast %get3A_283 : vector<16xi32> to vector<16xi32>
    %mul3A_285 = arith.constant 1000 : i32
    %mul3A_286 = vector.broadcast %mul3A_285 : i32 to vector<16xi32>
    %mul3A_287 = arith.muli %get3A_284, %mul3A_286 : vector<16xi32>
    %get3A_288 = arith.constant 240 : index
    %get3A_289 = tpu.vector_load %arg11[%get3A_288] {strides = array<i32>} : memref<1024xi32, #tpu.memory_space<vmem>>, vector<16xi32>,
    %get3A_290 = vector.shape_cast %get3A_289 : vector<16xi32> to vector<16xi32>
    %add3A_291 = arith.addi %mul3A_287, %get3A_290 : vector<16xi32>
    %swap3A_292 = arith.constant 1 : i32
    %swap3A_293 = arith.index_cast %swap3A_292 : i32 to index
    %swap3A_294 = arith.constant 112 : index
    %swap3A_295 = tpu.vector_load %arg12[%swap3A_293, %swap3A_294] {strides = array<i32>} : memref<8x128xi32, #tpu.memory_space<vmem>>, vector<1x16xi32>,
    %swap3A_296 = vector.shape_cast %swap3A_295 : vector<1x16xi32> to vector<16xi32>
    %swap3A_297 = vector.shape_cast %add3A_291 : vector<16xi32> to vector<1x16xi32>
    tpu.vector_store %arg12[%swap3A_293, %swap3A_294], %swap3A_297 {strides = array<i32>} : memref<8x128xi32, #tpu.memory_space<vmem>>, vector<1x16xi32>,
    %get3A_298 = arith.constant 256 : index
    %get3A_299 = tpu.vector_load %arg10[%get3A_298] {strides = array<i32>} : memref<1024xi32, #tpu.memory_space<vmem>>, vector<16xi32>,
    %get3A_300 = vector.shape_cast %get3A_299 : vector<16xi32> to vector<16xi32>
    %mul3A_301 = arith.constant 1000 : i32
    %mul3A_302 = vector.broadcast %mul3A_301 : i32 to vector<16xi32>
    %mul3A_303 = arith.muli %get3A_300, %mul3A_302 : vector<16xi32>
    %get3A_304 = arith.constant 256 : index
    %get3A_305 = tpu.vector_load %arg11[%get3A_304] {strides = array<i32>} : memref<1024xi32, #tpu.memory_space<vmem>>, vector<16xi32>,
    %get3A_306 = vector.shape_cast %get3A_305 : vector<16xi32> to vector<16xi32>
    %add3A_307 = arith.addi %mul3A_303, %get3A_306 : vector<16xi32>
    %swap3A_308 = arith.constant 2 : i32
    %swap3A_309 = arith.index_cast %swap3A_308 : i32 to index
    %swap3A_310 = arith.constant 0 : index
    %swap3A_311 = tpu.vector_load %arg12[%swap3A_309, %swap3A_310] {strides = array<i32>} : memref<8x128xi32, #tpu.memory_space<vmem>>, vector<1x16xi32>,
    %swap3A_312 = vector.shape_cast %swap3A_311 : vector<1x16xi32> to vector<16xi32>
    %swap3A_313 = vector.shape_cast %add3A_307 : vector<16xi32> to vector<1x16xi32>
    tpu.vector_store %arg12[%swap3A_309, %swap3A_310], %swap3A_313 {strides = array<i32>} : memref<8x128xi32, #tpu.memory_space<vmem>>, vector<1x16xi32>,
    %get3A_314 = arith.constant 272 : index
    %get3A_315 = tpu.vector_load %arg10[%get3A_314] {strides = array<i32>} : memref<1024xi32, #tpu.memory_space<vmem>>, vector<16xi32>,
    %get3A_316 = vector.shape_cast %get3A_315 : vector<16xi32> to vector<16xi32>
    %mul3A_317 = arith.constant 1000 : i32
    %mul3A_318 = vector.broadcast %mul3A_317 : i32 to vector<16xi32>
    %mul3A_319 = arith.muli %get3A_316, %mul3A_318 : vector<16xi32>
    %get3A_320 = arith.constant 272 : index
    %get3A_321 = tpu.vector_load %arg11[%get3A_320] {strides = array<i32>} : memref<1024xi32, #tpu.memory_space<vmem>>, vector<16xi32>,
    %get3A_322 = vector.shape_cast %get3A_321 : vector<16xi32> to vector<16xi32>
    %add3A_323 = arith.addi %mul3A_319, %get3A_322 : vector<16xi32>
    %swap3A_324 = arith.constant 2 : i32
    %swap3A_325 = arith.index_cast %swap3A_324 : i32 to index
    %swap3A_326 = arith.constant 16 : index
    %swap3A_327 = tpu.vector_load %arg12[%swap3A_325, %swap3A_326] {strides = array<i32>} : memref<8x128xi32, #tpu.memory_space<vmem>>, vector<1x16xi32>,
    %swap3A_328 = vector.shape_cast %swap3A_327 : vector<1x16xi32> to vector<16xi32>
    %swap3A_329 = vector.shape_cast %add3A_323 : vector<16xi32> to vector<1x16xi32>
    tpu.vector_store %arg12[%swap3A_325, %swap3A_326], %swap3A_329 {strides = array<i32>} : memref<8x128xi32, #tpu.memory_space<vmem>>, vector<1x16xi32>,
    %get3A_330 = arith.constant 288 : index
    %get3A_331 = tpu.vector_load %arg10[%get3A_330] {strides = array<i32>} : memref<1024xi32, #tpu.memory_space<vmem>>, vector<16xi32>,
    %get3A_332 = vector.shape_cast %get3A_331 : vector<16xi32> to vector<16xi32>
    %mul3A_333 = arith.constant 1000 : i32
    %mul3A_334 = vector.broadcast %mul3A_333 : i32 to vector<16xi32>
    %mul3A_335 = arith.muli %get3A_332, %mul3A_334 : vector<16xi32>
    %get3A_336 = arith.constant 288 : index
    %get3A_337 = tpu.vector_load %arg11[%get3A_336] {strides = array<i32>} : memref<1024xi32, #tpu.memory_space<vmem>>, vector<16xi32>,
    %get3A_338 = vector.shape_cast %get3A_337 : vector<16xi32> to vector<16xi32>
    %add3A_339 = arith.addi %mul3A_335, %get3A_338 : vector<16xi32>
    %swap3A_340 = arith.constant 2 : i32
    %swap3A_341 = arith.index_cast %swap3A_340 : i32 to index
    %swap3A_342 = arith.constant 32 : index
    %swap3A_343 = tpu.vector_load %arg12[%swap3A_341, %swap3A_342] {strides = array<i32>} : memref<8x128xi32, #tpu.memory_space<vmem>>, vector<1x16xi32>,
    %swap3A_344 = vector.shape_cast %swap3A_343 : vector<1x16xi32> to vector<16xi32>
    %swap3A_345 = vector.shape_cast %add3A_339 : vector<16xi32> to vector<1x16xi32>
    tpu.vector_store %arg12[%swap3A_341, %swap3A_342], %swap3A_345 {strides = array<i32>} : memref<8x128xi32, #tpu.memory_space<vmem>>, vector<1x16xi32>,
    %get3A_346 = arith.constant 304 : index
    %get3A_347 = tpu.vector_load %arg10[%get3A_346] {strides = array<i32>} : memref<1024xi32, #tpu.memory_space<vmem>>, vector<16xi32>,
    %get3A_348 = vector.shape_cast %get3A_347 : vector<16xi32> to vector<16xi32>
    %mul3A_349 = arith.constant 1000 : i32
    %mul3A_350 = vector.broadcast %mul3A_349 : i32 to vector<16xi32>
    %mul3A_351 = arith.muli %get3A_348, %mul3A_350 : vector<16xi32>
    %get3A_352 = arith.constant 304 : index
    %get3A_353 = tpu.vector_load %arg11[%get3A_352] {strides = array<i32>} : memref<1024xi32, #tpu.memory_space<vmem>>, vector<16xi32>,
    %get3A_354 = vector.shape_cast %get3A_353 : vector<16xi32> to vector<16xi32>
    %add3A_355 = arith.addi %mul3A_351, %get3A_354 : vector<16xi32>
    %swap3A_356 = arith.constant 2 : i32
    %swap3A_357 = arith.index_cast %swap3A_356 : i32 to index
    %swap3A_358 = arith.constant 48 : index
    %swap3A_359 = tpu.vector_load %arg12[%swap3A_357, %swap3A_358] {strides = array<i32>} : memref<8x128xi32, #tpu.memory_space<vmem>>, vector<1x16xi32>,
    %swap3A_360 = vector.shape_cast %swap3A_359 : vector<1x16xi32> to vector<16xi32>
    %swap3A_361 = vector.shape_cast %add3A_355 : vector<16xi32> to vector<1x16xi32>
    tpu.vector_store %arg12[%swap3A_357, %swap3A_358], %swap3A_361 {strides = array<i32>} : memref<8x128xi32, #tpu.memory_space<vmem>>, vector<1x16xi32>,
    %get3A_362 = arith.constant 320 : index
    %get3A_363 = tpu.vector_load %arg10[%get3A_362] {strides = array<i32>} : memref<1024xi32, #tpu.memory_space<vmem>>, vector<16xi32>,
    %get3A_364 = vector.shape_cast %get3A_363 : vector<16xi32> to vector<16xi32>
    %mul3A_365 = arith.constant 1000 : i32
    %mul3A_366 = vector.broadcast %mul3A_365 : i32 to vector<16xi32>
    %mul3A_367 = arith.muli %get3A_364, %mul3A_366 : vector<16xi32>
    %get3A_368 = arith.constant 320 : index
    %get3A_369 = tpu.vector_load %arg11[%get3A_368] {strides = array<i32>} : memref<1024xi32, #tpu.memory_space<vmem>>, vector<16xi32>,
    %get3A_370 = vector.shape_cast %get3A_369 : vector<16xi32> to vector<16xi32>
    %add3A_371 = arith.addi %mul3A_367, %get3A_370 : vector<16xi32>
    %swap3A_372 = arith.constant 2 : i32
    %swap3A_373 = arith.index_cast %swap3A_372 : i32 to index
    %swap3A_374 = arith.constant 64 : index
    %swap3A_375 = tpu.vector_load %arg12[%swap3A_373, %swap3A_374] {strides = array<i32>} : memref<8x128xi32, #tpu.memory_space<vmem>>, vector<1x16xi32>,
    %swap3A_376 = vector.shape_cast %swap3A_375 : vector<1x16xi32> to vector<16xi32>
    %swap3A_377 = vector.shape_cast %add3A_371 : vector<16xi32> to vector<1x16xi32>
    tpu.vector_store %arg12[%swap3A_373, %swap3A_374], %swap3A_377 {strides = array<i32>} : memref<8x128xi32, #tpu.memory_space<vmem>>, vector<1x16xi32>,
    %get3A_378 = arith.constant 336 : index
    %get3A_379 = tpu.vector_load %arg10[%get3A_378] {strides = array<i32>} : memref<1024xi32, #tpu.memory_space<vmem>>, vector<16xi32>,
    %get3A_380 = vector.shape_cast %get3A_379 : vector<16xi32> to vector<16xi32>
    %mul3A_381 = arith.constant 1000 : i32
    %mul3A_382 = vector.broadcast %mul3A_381 : i32 to vector<16xi32>
    %mul3A_383 = arith.muli %get3A_380, %mul3A_382 : vector<16xi32>
    %get3A_384 = arith.constant 336 : index
    %get3A_385 = tpu.vector_load %arg11[%get3A_384] {strides = array<i32>} : memref<1024xi32, #tpu.memory_space<vmem>>, vector<16xi32>,
    %get3A_386 = vector.shape_cast %get3A_385 : vector<16xi32> to vector<16xi32>
    %add3A_387 = arith.addi %mul3A_383, %get3A_386 : vector<16xi32>
    %swap3A_388 = arith.constant 2 : i32
    %swap3A_389 = arith.index_cast %swap3A_388 : i32 to index
    %swap3A_390 = arith.constant 80 : index
    %swap3A_391 = tpu.vector_load %arg12[%swap3A_389, %swap3A_390] {strides = array<i32>} : memref<8x128xi32, #tpu.memory_space<vmem>>, vector<1x16xi32>,
    %swap3A_392 = vector.shape_cast %swap3A_391 : vector<1x16xi32> to vector<16xi32>
    %swap3A_393 = vector.shape_cast %add3A_387 : vector<16xi32> to vector<1x16xi32>
    tpu.vector_store %arg12[%swap3A_389, %swap3A_390], %swap3A_393 {strides = array<i32>} : memref<8x128xi32, #tpu.memory_space<vmem>>, vector<1x16xi32>,
    %get3A_394 = arith.constant 352 : index
    %get3A_395 = tpu.vector_load %arg10[%get3A_394] {strides = array<i32>} : memref<1024xi32, #tpu.memory_space<vmem>>, vector<16xi32>,
    %get3A_396 = vector.shape_cast %get3A_395 : vector<16xi32> to vector<16xi32>
    %mul3A_397 = arith.constant 1000 : i32
    %mul3A_398 = vector.broadcast %mul3A_397 : i32 to vector<16xi32>
    %mul3A_399 = arith.muli %get3A_396, %mul3A_398 : vector<16xi32>
    %get3A_400 = arith.constant 352 : index
    %get3A_401 = tpu.vector_load %arg11[%get3A_400] {strides = array<i32>} : memref<1024xi32, #tpu.memory_space<vmem>>, vector<16xi32>,
    %get3A_402 = vector.shape_cast %get3A_401 : vector<16xi32> to vector<16xi32>
    %add3A_403 = arith.addi %mul3A_399, %get3A_402 : vector<16xi32>
    %swap3A_404 = arith.constant 2 : i32
    %swap3A_405 = arith.index_cast %swap3A_404 : i32 to index
    %swap3A_406 = arith.constant 96 : index
    %swap3A_407 = tpu.vector_load %arg12[%swap3A_405, %swap3A_406] {strides = array<i32>} : memref<8x128xi32, #tpu.memory_space<vmem>>, vector<1x16xi32>,
    %swap3A_408 = vector.shape_cast %swap3A_407 : vector<1x16xi32> to vector<16xi32>
    %swap3A_409 = vector.shape_cast %add3A_403 : vector<16xi32> to vector<1x16xi32>
    tpu.vector_store %arg12[%swap3A_405, %swap3A_406], %swap3A_409 {strides = array<i32>} : memref<8x128xi32, #tpu.memory_space<vmem>>, vector<1x16xi32>,
    %get3A_410 = arith.constant 368 : index
    %get3A_411 = tpu.vector_load %arg10[%get3A_410] {strides = array<i32>} : memref<1024xi32, #tpu.memory_space<vmem>>, vector<16xi32>,
    %get3A_412 = vector.shape_cast %get3A_411 : vector<16xi32> to vector<16xi32>
    %mul3A_413 = arith.constant 1000 : i32
    %mul3A_414 = vector.broadcast %mul3A_413 : i32 to vector<16xi32>
    %mul3A_415 = arith.muli %get3A_412, %mul3A_414 : vector<16xi32>
    %get3A_416 = arith.constant 368 : index
    %get3A_417 = tpu.vector_load %arg11[%get3A_416] {strides = array<i32>} : memref<1024xi32, #tpu.memory_space<vmem>>, vector<16xi32>,
    %get3A_418 = vector.shape_cast %get3A_417 : vector<16xi32> to vector<16xi32>
    %add3A_419 = arith.addi %mul3A_415, %get3A_418 : vector<16xi32>
    %swap3A_420 = arith.constant 2 : i32
    %swap3A_421 = arith.index_cast %swap3A_420 : i32 to index
    %swap3A_422 = arith.constant 112 : index
    %swap3A_423 = tpu.vector_load %arg12[%swap3A_421, %swap3A_422] {strides = array<i32>} : memref<8x128xi32, #tpu.memory_space<vmem>>, vector<1x16xi32>,
    %swap3A_424 = vector.shape_cast %swap3A_423 : vector<1x16xi32> to vector<16xi32>
    %swap3A_425 = vector.shape_cast %add3A_419 : vector<16xi32> to vector<1x16xi32>
    tpu.vector_store %arg12[%swap3A_421, %swap3A_422], %swap3A_425 {strides = array<i32>} : memref<8x128xi32, #tpu.memory_space<vmem>>, vector<1x16xi32>,
    %get3A_426 = arith.constant 384 : index
    %get3A_427 = tpu.vector_load %arg10[%get3A_426] {strides = array<i32>} : memref<1024xi32, #tpu.memory_space<vmem>>, vector<16xi32>,
    %get3A_428 = vector.shape_cast %get3A_427 : vector<16xi32> to vector<16xi32>
    %mul3A_429 = arith.constant 1000 : i32
    %mul3A_430 = vector.broadcast %mul3A_429 : i32 to vector<16xi32>
    %mul3A_431 = arith.muli %get3A_428, %mul3A_430 : vector<16xi32>
    %get3A_432 = arith.constant 384 : index
    %get3A_433 = tpu.vector_load %arg11[%get3A_432] {strides = array<i32>} : memref<1024xi32, #tpu.memory_space<vmem>>, vector<16xi32>,
    %get3A_434 = vector.shape_cast %get3A_433 : vector<16xi32> to vector<16xi32>
    %add3A_435 = arith.addi %mul3A_431, %get3A_434 : vector<16xi32>
    %swap3A_436 = arith.constant 3 : i32
    %swap3A_437 = arith.index_cast %swap3A_436 : i32 to index
    %swap3A_438 = arith.constant 0 : index
    %swap3A_439 = tpu.vector_load %arg12[%swap3A_437, %swap3A_438] {strides = array<i32>} : memref<8x128xi32, #tpu.memory_space<vmem>>, vector<1x16xi32>,
    %swap3A_440 = vector.shape_cast %swap3A_439 : vector<1x16xi32> to vector<16xi32>
    %swap3A_441 = vector.shape_cast %add3A_435 : vector<16xi32> to vector<1x16xi32>
    tpu.vector_store %arg12[%swap3A_437, %swap3A_438], %swap3A_441 {strides = array<i32>} : memref<8x128xi32, #tpu.memory_space<vmem>>, vector<1x16xi32>,
    %get3A_442 = arith.constant 400 : index
    %get3A_443 = tpu.vector_load %arg10[%get3A_442] {strides = array<i32>} : memref<1024xi32, #tpu.memory_space<vmem>>, vector<16xi32>,
    %get3A_444 = vector.shape_cast %get3A_443 : vector<16xi32> to vector<16xi32>
    %mul3A_445 = arith.constant 1000 : i32
    %mul3A_446 = vector.broadcast %mul3A_445 : i32 to vector<16xi32>
    %mul3A_447 = arith.muli %get3A_444, %mul3A_446 : vector<16xi32>
    %get3A_448 = arith.constant 400 : index
    %get3A_449 = tpu.vector_load %arg11[%get3A_448] {strides = array<i32>} : memref<1024xi32, #tpu.memory_space<vmem>>, vector<16xi32>,
    %get3A_450 = vector.shape_cast %get3A_449 : vector<16xi32> to vector<16xi32>
    %add3A_451 = arith.addi %mul3A_447, %get3A_450 : vector<16xi32>
    %swap3A_452 = arith.constant 3 : i32
    %swap3A_453 = arith.index_cast %swap3A_452 : i32 to index
    %swap3A_454 = arith.constant 16 : index
    %swap3A_455 = tpu.vector_load %arg12[%swap3A_453, %swap3A_454] {strides = array<i32>} : memref<8x128xi32, #tpu.memory_space<vmem>>, vector<1x16xi32>,
    %swap3A_456 = vector.shape_cast %swap3A_455 : vector<1x16xi32> to vector<16xi32>
    %swap3A_457 = vector.shape_cast %add3A_451 : vector<16xi32> to vector<1x16xi32>
    tpu.vector_store %arg12[%swap3A_453, %swap3A_454], %swap3A_457 {strides = array<i32>} : memref<8x128xi32, #tpu.memory_space<vmem>>, vector<1x16xi32>,
    %get3A_458 = arith.constant 416 : index
    %get3A_459 = tpu.vector_load %arg10[%get3A_458] {strides = array<i32>} : memref<1024xi32, #tpu.memory_space<vmem>>, vector<16xi32>,
    %get3A_460 = vector.shape_cast %get3A_459 : vector<16xi32> to vector<16xi32>
    %mul3A_461 = arith.constant 1000 : i32
    %mul3A_462 = vector.broadcast %mul3A_461 : i32 to vector<16xi32>
    %mul3A_463 = arith.muli %get3A_460, %mul3A_462 : vector<16xi32>
    %get3A_464 = arith.constant 416 : index
    %get3A_465 = tpu.vector_load %arg11[%get3A_464] {strides = array<i32>} : memref<1024xi32, #tpu.memory_space<vmem>>, vector<16xi32>,
    %get3A_466 = vector.shape_cast %get3A_465 : vector<16xi32> to vector<16xi32>
    %add3A_467 = arith.addi %mul3A_463, %get3A_466 : vector<16xi32>
    %swap3A_468 = arith.constant 3 : i32
    %swap3A_469 = arith.index_cast %swap3A_468 : i32 to index
    %swap3A_470 = arith.constant 32 : index
    %swap3A_471 = tpu.vector_load %arg12[%swap3A_469, %swap3A_470] {strides = array<i32>} : memref<8x128xi32, #tpu.memory_space<vmem>>, vector<1x16xi32>,
    %swap3A_472 = vector.shape_cast %swap3A_471 : vector<1x16xi32> to vector<16xi32>
    %swap3A_473 = vector.shape_cast %add3A_467 : vector<16xi32> to vector<1x16xi32>
    tpu.vector_store %arg12[%swap3A_469, %swap3A_470], %swap3A_473 {strides = array<i32>} : memref<8x128xi32, #tpu.memory_space<vmem>>, vector<1x16xi32>,
    %get3A_474 = arith.constant 432 : index
    %get3A_475 = tpu.vector_load %arg10[%get3A_474] {strides = array<i32>} : memref<1024xi32, #tpu.memory_space<vmem>>, vector<16xi32>,
    %get3A_476 = vector.shape_cast %get3A_475 : vector<16xi32> to vector<16xi32>
    %mul3A_477 = arith.constant 1000 : i32
    %mul3A_478 = vector.broadcast %mul3A_477 : i32 to vector<16xi32>
    %mul3A_479 = arith.muli %get3A_476, %mul3A_478 : vector<16xi32>
    %get3A_480 = arith.constant 432 : index
    %get3A_481 = tpu.vector_load %arg11[%get3A_480] {strides = array<i32>} : memref<1024xi32, #tpu.memory_space<vmem>>, vector<16xi32>,
    %get3A_482 = vector.shape_cast %get3A_481 : vector<16xi32> to vector<16xi32>
    %add3A_483 = arith.addi %mul3A_479, %get3A_482 : vector<16xi32>
    %swap3A_484 = arith.constant 3 : i32
    %swap3A_485 = arith.index_cast %swap3A_484 : i32 to index
    %swap3A_486 = arith.constant 48 : index
    %swap3A_487 = tpu.vector_load %arg12[%swap3A_485, %swap3A_486] {strides = array<i32>} : memref<8x128xi32, #tpu.memory_space<vmem>>, vector<1x16xi32>,
    %swap3A_488 = vector.shape_cast %swap3A_487 : vector<1x16xi32> to vector<16xi32>
    %swap3A_489 = vector.shape_cast %add3A_483 : vector<16xi32> to vector<1x16xi32>
    tpu.vector_store %arg12[%swap3A_485, %swap3A_486], %swap3A_489 {strides = array<i32>} : memref<8x128xi32, #tpu.memory_space<vmem>>, vector<1x16xi32>,
    %get3A_490 = arith.constant 448 : index
    %get3A_491 = tpu.vector_load %arg10[%get3A_490] {strides = array<i32>} : memref<1024xi32, #tpu.memory_space<vmem>>, vector<16xi32>,
    %get3A_492 = vector.shape_cast %get3A_491 : vector<16xi32> to vector<16xi32>
    %mul3A_493 = arith.constant 1000 : i32
    %mul3A_494 = vector.broadcast %mul3A_493 : i32 to vector<16xi32>
    %mul3A_495 = arith.muli %get3A_492, %mul3A_494 : vector<16xi32>
    %get3A_496 = arith.constant 448 : index
    %get3A_497 = tpu.vector_load %arg11[%get3A_496] {strides = array<i32>} : memref<1024xi32, #tpu.memory_space<vmem>>, vector<16xi32>,
    %get3A_498 = vector.shape_cast %get3A_497 : vector<16xi32> to vector<16xi32>
    %add3A_499 = arith.addi %mul3A_495, %get3A_498 : vector<16xi32>
    %swap3A_500 = arith.constant 3 : i32
    %swap3A_501 = arith.index_cast %swap3A_500 : i32 to index
    %swap3A_502 = arith.constant 64 : index
    %swap3A_503 = tpu.vector_load %arg12[%swap3A_501, %swap3A_502] {strides = array<i32>} : memref<8x128xi32, #tpu.memory_space<vmem>>, vector<1x16xi32>,
    %swap3A_504 = vector.shape_cast %swap3A_503 : vector<1x16xi32> to vector<16xi32>
    %swap3A_505 = vector.shape_cast %add3A_499 : vector<16xi32> to vector<1x16xi32>
    tpu.vector_store %arg12[%swap3A_501, %swap3A_502], %swap3A_505 {strides = array<i32>} : memref<8x128xi32, #tpu.memory_space<vmem>>, vector<1x16xi32>,
    %get3A_506 = arith.constant 464 : index
    %get3A_507 = tpu.vector_load %arg10[%get3A_506] {strides = array<i32>} : memref<1024xi32, #tpu.memory_space<vmem>>, vector<16xi32>,
    %get3A_508 = vector.shape_cast %get3A_507 : vector<16xi32> to vector<16xi32>
    %mul3A_509 = arith.constant 1000 : i32
    %mul3A_510 = vector.broadcast %mul3A_509 : i32 to vector<16xi32>
    %mul3A_511 = arith.muli %get3A_508, %mul3A_510 : vector<16xi32>
    %get3A_512 = arith.constant 464 : index
    %get3A_513 = tpu.vector_load %arg11[%get3A_512] {strides = array<i32>} : memref<1024xi32, #tpu.memory_space<vmem>>, vector<16xi32>,
    %get3A_514 = vector.shape_cast %get3A_513 : vector<16xi32> to vector<16xi32>
    %add3A_515 = arith.addi %mul3A_511, %get3A_514 : vector<16xi32>
    %swap3A_516 = arith.constant 3 : i32
    %swap3A_517 = arith.index_cast %swap3A_516 : i32 to index
    %swap3A_518 = arith.constant 80 : index
    %swap3A_519 = tpu.vector_load %arg12[%swap3A_517, %swap3A_518] {strides = array<i32>} : memref<8x128xi32, #tpu.memory_space<vmem>>, vector<1x16xi32>,
    %swap3A_520 = vector.shape_cast %swap3A_519 : vector<1x16xi32> to vector<16xi32>
    %swap3A_521 = vector.shape_cast %add3A_515 : vector<16xi32> to vector<1x16xi32>
    tpu.vector_store %arg12[%swap3A_517, %swap3A_518], %swap3A_521 {strides = array<i32>} : memref<8x128xi32, #tpu.memory_space<vmem>>, vector<1x16xi32>,
    %get3A_522 = arith.constant 480 : index
    %get3A_523 = tpu.vector_load %arg10[%get3A_522] {strides = array<i32>} : memref<1024xi32, #tpu.memory_space<vmem>>, vector<16xi32>,
    %get3A_524 = vector.shape_cast %get3A_523 : vector<16xi32> to vector<16xi32>
    %mul3A_525 = arith.constant 1000 : i32
    %mul3A_526 = vector.broadcast %mul3A_525 : i32 to vector<16xi32>
    %mul3A_527 = arith.muli %get3A_524, %mul3A_526 : vector<16xi32>
    %get3A_528 = arith.constant 480 : index
    %get3A_529 = tpu.vector_load %arg11[%get3A_528] {strides = array<i32>} : memref<1024xi32, #tpu.memory_space<vmem>>, vector<16xi32>,
    %get3A_530 = vector.shape_cast %get3A_529 : vector<16xi32> to vector<16xi32>
    %add3A_531 = arith.addi %mul3A_527, %get3A_530 : vector<16xi32>
    %swap3A_532 = arith.constant 3 : i32
    %swap3A_533 = arith.index_cast %swap3A_532 : i32 to index
    %swap3A_534 = arith.constant 96 : index
    %swap3A_535 = tpu.vector_load %arg12[%swap3A_533, %swap3A_534] {strides = array<i32>} : memref<8x128xi32, #tpu.memory_space<vmem>>, vector<1x16xi32>,
    %swap3A_536 = vector.shape_cast %swap3A_535 : vector<1x16xi32> to vector<16xi32>
    %swap3A_537 = vector.shape_cast %add3A_531 : vector<16xi32> to vector<1x16xi32>
    tpu.vector_store %arg12[%swap3A_533, %swap3A_534], %swap3A_537 {strides = array<i32>} : memref<8x128xi32, #tpu.memory_space<vmem>>, vector<1x16xi32>,
    %get3A_538 = arith.constant 496 : index
    %get3A_539 = tpu.vector_load %arg10[%get3A_538] {strides = array<i32>} : memref<1024xi32, #tpu.memory_space<vmem>>, vector<16xi32>,
    %get3A_540 = vector.shape_cast %get3A_539 : vector<16xi32> to vector<16xi32>
    %mul3A_541 = arith.constant 1000 : i32
    %mul3A_542 = vector.broadcast %mul3A_541 : i32 to vector<16xi32>
    %mul3A_543 = arith.muli %get3A_540, %mul3A_542 : vector<16xi32>
    %get3A_544 = arith.constant 496 : index
    %get3A_545 = tpu.vector_load %arg11[%get3A_544] {strides = array<i32>} : memref<1024xi32, #tpu.memory_space<vmem>>, vector<16xi32>,
    %get3A_546 = vector.shape_cast %get3A_545 : vector<16xi32> to vector<16xi32>
    %add3A_547 = arith.addi %mul3A_543, %get3A_546 : vector<16xi32>
    %swap3A_548 = arith.constant 3 : i32
    %swap3A_549 = arith.index_cast %swap3A_548 : i32 to index
    %swap3A_550 = arith.constant 112 : index
    %swap3A_551 = tpu.vector_load %arg12[%swap3A_549, %swap3A_550] {strides = array<i32>} : memref<8x128xi32, #tpu.memory_space<vmem>>, vector<1x16xi32>,
    %swap3A_552 = vector.shape_cast %swap3A_551 : vector<1x16xi32> to vector<16xi32>
    %swap3A_553 = vector.shape_cast %add3A_547 : vector<16xi32> to vector<1x16xi32>
    tpu.vector_store %arg12[%swap3A_549, %swap3A_550], %swap3A_553 {strides = array<i32>} : memref<8x128xi32, #tpu.memory_space<vmem>>, vector<1x16xi32>,
    %get3A_554 = arith.constant 512 : index
    %get3A_555 = tpu.vector_load %arg10[%get3A_554] {strides = array<i32>} : memref<1024xi32, #tpu.memory_space<vmem>>, vector<16xi32>,
    %get3A_556 = vector.shape_cast %get3A_555 : vector<16xi32> to vector<16xi32>
    %mul3A_557 = arith.constant 1000 : i32
    %mul3A_558 = vector.broadcast %mul3A_557 : i32 to vector<16xi32>
    %mul3A_559 = arith.muli %get3A_556, %mul3A_558 : vector<16xi32>
    %get3A_560 = arith.constant 512 : index
    %get3A_561 = tpu.vector_load %arg11[%get3A_560] {strides = array<i32>} : memref<1024xi32, #tpu.memory_space<vmem>>, vector<16xi32>,
    %get3A_562 = vector.shape_cast %get3A_561 : vector<16xi32> to vector<16xi32>
    %add3A_563 = arith.addi %mul3A_559, %get3A_562 : vector<16xi32>
    %swap3A_564 = arith.constant 4 : i32
    %swap3A_565 = arith.index_cast %swap3A_564 : i32 to index
    %swap3A_566 = arith.constant 0 : index
    %swap3A_567 = tpu.vector_load %arg12[%swap3A_565, %swap3A_566] {strides = array<i32>} : memref<8x128xi32, #tpu.memory_space<vmem>>, vector<1x16xi32>,
    %swap3A_568 = vector.shape_cast %swap3A_567 : vector<1x16xi32> to vector<16xi32>
    %swap3A_569 = vector.shape_cast %add3A_563 : vector<16xi32> to vector<1x16xi32>
    tpu.vector_store %arg12[%swap3A_565, %swap3A_566], %swap3A_569 {strides = array<i32>} : memref<8x128xi32, #tpu.memory_space<vmem>>, vector<1x16xi32>,
    %get3A_570 = arith.constant 528 : index
    %get3A_571 = tpu.vector_load %arg10[%get3A_570] {strides = array<i32>} : memref<1024xi32, #tpu.memory_space<vmem>>, vector<16xi32>,
    %get3A_572 = vector.shape_cast %get3A_571 : vector<16xi32> to vector<16xi32>
    %mul3A_573 = arith.constant 1000 : i32
    %mul3A_574 = vector.broadcast %mul3A_573 : i32 to vector<16xi32>
    %mul3A_575 = arith.muli %get3A_572, %mul3A_574 : vector<16xi32>
    %get3A_576 = arith.constant 528 : index
    %get3A_577 = tpu.vector_load %arg11[%get3A_576] {strides = array<i32>} : memref<1024xi32, #tpu.memory_space<vmem>>, vector<16xi32>,
    %get3A_578 = vector.shape_cast %get3A_577 : vector<16xi32> to vector<16xi32>
    %add3A_579 = arith.addi %mul3A_575, %get3A_578 : vector<16xi32>
    %swap3A_580 = arith.constant 4 : i32
    %swap3A_581 = arith.index_cast %swap3A_580 : i32 to index
    %swap3A_582 = arith.constant 16 : index
    %swap3A_583 = tpu.vector_load %arg12[%swap3A_581, %swap3A_582] {strides = array<i32>} : memref<8x128xi32, #tpu.memory_space<vmem>>, vector<1x16xi32>,
    %swap3A_584 = vector.shape_cast %swap3A_583 : vector<1x16xi32> to vector<16xi32>
    %swap3A_585 = vector.shape_cast %add3A_579 : vector<16xi32> to vector<1x16xi32>
    tpu.vector_store %arg12[%swap3A_581, %swap3A_582], %swap3A_585 {strides = array<i32>} : memref<8x128xi32, #tpu.memory_space<vmem>>, vector<1x16xi32>,
    %get3A_586 = arith.constant 544 : index
    %get3A_587 = tpu.vector_load %arg10[%get3A_586] {strides = array<i32>} : memref<1024xi32, #tpu.memory_space<vmem>>, vector<16xi32>,
    %get3A_588 = vector.shape_cast %get3A_587 : vector<16xi32> to vector<16xi32>
    %mul3A_589 = arith.constant 1000 : i32
    %mul3A_590 = vector.broadcast %mul3A_589 : i32 to vector<16xi32>
    %mul3A_591 = arith.muli %get3A_588, %mul3A_590 : vector<16xi32>
    %get3A_592 = arith.constant 544 : index
    %get3A_593 = tpu.vector_load %arg11[%get3A_592] {strides = array<i32>} : memref<1024xi32, #tpu.memory_space<vmem>>, vector<16xi32>,
    %get3A_594 = vector.shape_cast %get3A_593 : vector<16xi32> to vector<16xi32>
    %add3A_595 = arith.addi %mul3A_591, %get3A_594 : vector<16xi32>
    %swap3A_596 = arith.constant 4 : i32
    %swap3A_597 = arith.index_cast %swap3A_596 : i32 to index
    %swap3A_598 = arith.constant 32 : index
    %swap3A_599 = tpu.vector_load %arg12[%swap3A_597, %swap3A_598] {strides = array<i32>} : memref<8x128xi32, #tpu.memory_space<vmem>>, vector<1x16xi32>,
    %swap3A_600 = vector.shape_cast %swap3A_599 : vector<1x16xi32> to vector<16xi32>
    %swap3A_601 = vector.shape_cast %add3A_595 : vector<16xi32> to vector<1x16xi32>
    tpu.vector_store %arg12[%swap3A_597, %swap3A_598], %swap3A_601 {strides = array<i32>} : memref<8x128xi32, #tpu.memory_space<vmem>>, vector<1x16xi32>,
    %get3A_602 = arith.constant 560 : index
    %get3A_603 = tpu.vector_load %arg10[%get3A_602] {strides = array<i32>} : memref<1024xi32, #tpu.memory_space<vmem>>, vector<16xi32>,
    %get3A_604 = vector.shape_cast %get3A_603 : vector<16xi32> to vector<16xi32>
    %mul3A_605 = arith.constant 1000 : i32
    %mul3A_606 = vector.broadcast %mul3A_605 : i32 to vector<16xi32>
    %mul3A_607 = arith.muli %get3A_604, %mul3A_606 : vector<16xi32>
    %get3A_608 = arith.constant 560 : index
    %get3A_609 = tpu.vector_load %arg11[%get3A_608] {strides = array<i32>} : memref<1024xi32, #tpu.memory_space<vmem>>, vector<16xi32>,
    %get3A_610 = vector.shape_cast %get3A_609 : vector<16xi32> to vector<16xi32>
    %add3A_611 = arith.addi %mul3A_607, %get3A_610 : vector<16xi32>
    %swap3A_612 = arith.constant 4 : i32
    %swap3A_613 = arith.index_cast %swap3A_612 : i32 to index
    %swap3A_614 = arith.constant 48 : index
    %swap3A_615 = tpu.vector_load %arg12[%swap3A_613, %swap3A_614] {strides = array<i32>} : memref<8x128xi32, #tpu.memory_space<vmem>>, vector<1x16xi32>,
    %swap3A_616 = vector.shape_cast %swap3A_615 : vector<1x16xi32> to vector<16xi32>
    %swap3A_617 = vector.shape_cast %add3A_611 : vector<16xi32> to vector<1x16xi32>
    tpu.vector_store %arg12[%swap3A_613, %swap3A_614], %swap3A_617 {strides = array<i32>} : memref<8x128xi32, #tpu.memory_space<vmem>>, vector<1x16xi32>,
    %get3A_618 = arith.constant 576 : index
    %get3A_619 = tpu.vector_load %arg10[%get3A_618] {strides = array<i32>} : memref<1024xi32, #tpu.memory_space<vmem>>, vector<16xi32>,
    %get3A_620 = vector.shape_cast %get3A_619 : vector<16xi32> to vector<16xi32>
    %mul3A_621 = arith.constant 1000 : i32
    %mul3A_622 = vector.broadcast %mul3A_621 : i32 to vector<16xi32>
    %mul3A_623 = arith.muli %get3A_620, %mul3A_622 : vector<16xi32>
    %get3A_624 = arith.constant 576 : index
    %get3A_625 = tpu.vector_load %arg11[%get3A_624] {strides = array<i32>} : memref<1024xi32, #tpu.memory_space<vmem>>, vector<16xi32>,
    %get3A_626 = vector.shape_cast %get3A_625 : vector<16xi32> to vector<16xi32>
    %add3A_627 = arith.addi %mul3A_623, %get3A_626 : vector<16xi32>
    %swap3A_628 = arith.constant 4 : i32
    %swap3A_629 = arith.index_cast %swap3A_628 : i32 to index
    %swap3A_630 = arith.constant 64 : index
    %swap3A_631 = tpu.vector_load %arg12[%swap3A_629, %swap3A_630] {strides = array<i32>} : memref<8x128xi32, #tpu.memory_space<vmem>>, vector<1x16xi32>,
    %swap3A_632 = vector.shape_cast %swap3A_631 : vector<1x16xi32> to vector<16xi32>
    %swap3A_633 = vector.shape_cast %add3A_627 : vector<16xi32> to vector<1x16xi32>
    tpu.vector_store %arg12[%swap3A_629, %swap3A_630], %swap3A_633 {strides = array<i32>} : memref<8x128xi32, #tpu.memory_space<vmem>>, vector<1x16xi32>,
    %get3A_634 = arith.constant 592 : index
    %get3A_635 = tpu.vector_load %arg10[%get3A_634] {strides = array<i32>} : memref<1024xi32, #tpu.memory_space<vmem>>, vector<16xi32>,
    %get3A_636 = vector.shape_cast %get3A_635 : vector<16xi32> to vector<16xi32>
    %mul3A_637 = arith.constant 1000 : i32
    %mul3A_638 = vector.broadcast %mul3A_637 : i32 to vector<16xi32>
    %mul3A_639 = arith.muli %get3A_636, %mul3A_638 : vector<16xi32>
    %get3A_640 = arith.constant 592 : index
    %get3A_641 = tpu.vector_load %arg11[%get3A_640] {strides = array<i32>} : memref<1024xi32, #tpu.memory_space<vmem>>, vector<16xi32>,
    %get3A_642 = vector.shape_cast %get3A_641 : vector<16xi32> to vector<16xi32>
    %add3A_643 = arith.addi %mul3A_639, %get3A_642 : vector<16xi32>
    %swap3A_644 = arith.constant 4 : i32
    %swap3A_645 = arith.index_cast %swap3A_644 : i32 to index
    %swap3A_646 = arith.constant 80 : index
    %swap3A_647 = tpu.vector_load %arg12[%swap3A_645, %swap3A_646] {strides = array<i32>} : memref<8x128xi32, #tpu.memory_space<vmem>>, vector<1x16xi32>,
    %swap3A_648 = vector.shape_cast %swap3A_647 : vector<1x16xi32> to vector<16xi32>
    %swap3A_649 = vector.shape_cast %add3A_643 : vector<16xi32> to vector<1x16xi32>
    tpu.vector_store %arg12[%swap3A_645, %swap3A_646], %swap3A_649 {strides = array<i32>} : memref<8x128xi32, #tpu.memory_space<vmem>>, vector<1x16xi32>,
    %get3A_650 = arith.constant 608 : index
    %get3A_651 = tpu.vector_load %arg10[%get3A_650] {strides = array<i32>} : memref<1024xi32, #tpu.memory_space<vmem>>, vector<16xi32>,
    %get3A_652 = vector.shape_cast %get3A_651 : vector<16xi32> to vector<16xi32>
    %mul3A_653 = arith.constant 1000 : i32
    %mul3A_654 = vector.broadcast %mul3A_653 : i32 to vector<16xi32>
    %mul3A_655 = arith.muli %get3A_652, %mul3A_654 : vector<16xi32>
    %get3A_656 = arith.constant 608 : index
    %get3A_657 = tpu.vector_load %arg11[%get3A_656] {strides = array<i32>} : memref<1024xi32, #tpu.memory_space<vmem>>, vector<16xi32>,
    %get3A_658 = vector.shape_cast %get3A_657 : vector<16xi32> to vector<16xi32>
    %add3A_659 = arith.addi %mul3A_655, %get3A_658 : vector<16xi32>
    %swap3A_660 = arith.constant 4 : i32
    %swap3A_661 = arith.index_cast %swap3A_660 : i32 to index
    %swap3A_662 = arith.constant 96 : index
    %swap3A_663 = tpu.vector_load %arg12[%swap3A_661, %swap3A_662] {strides = array<i32>} : memref<8x128xi32, #tpu.memory_space<vmem>>, vector<1x16xi32>,
    %swap3A_664 = vector.shape_cast %swap3A_663 : vector<1x16xi32> to vector<16xi32>
    %swap3A_665 = vector.shape_cast %add3A_659 : vector<16xi32> to vector<1x16xi32>
    tpu.vector_store %arg12[%swap3A_661, %swap3A_662], %swap3A_665 {strides = array<i32>} : memref<8x128xi32, #tpu.memory_space<vmem>>, vector<1x16xi32>,
    %get3A_666 = arith.constant 624 : index
    %get3A_667 = tpu.vector_load %arg10[%get3A_666] {strides = array<i32>} : memref<1024xi32, #tpu.memory_space<vmem>>, vector<16xi32>,
    %get3A_668 = vector.shape_cast %get3A_667 : vector<16xi32> to vector<16xi32>
    %mul3A_669 = arith.constant 1000 : i32
    %mul3A_670 = vector.broadcast %mul3A_669 : i32 to vector<16xi32>
    %mul3A_671 = arith.muli %get3A_668, %mul3A_670 : vector<16xi32>
    %get3A_672 = arith.constant 624 : index
    %get3A_673 = tpu.vector_load %arg11[%get3A_672] {strides = array<i32>} : memref<1024xi32, #tpu.memory_space<vmem>>, vector<16xi32>,
    %get3A_674 = vector.shape_cast %get3A_673 : vector<16xi32> to vector<16xi32>
    %add3A_675 = arith.addi %mul3A_671, %get3A_674 : vector<16xi32>
    %swap3A_676 = arith.constant 4 : i32
    %swap3A_677 = arith.index_cast %swap3A_676 : i32 to index
    %swap3A_678 = arith.constant 112 : index
    %swap3A_679 = tpu.vector_load %arg12[%swap3A_677, %swap3A_678] {strides = array<i32>} : memref<8x128xi32, #tpu.memory_space<vmem>>, vector<1x16xi32>,
    %swap3A_680 = vector.shape_cast %swap3A_679 : vector<1x16xi32> to vector<16xi32>
    %swap3A_681 = vector.shape_cast %add3A_675 : vector<16xi32> to vector<1x16xi32>
    tpu.vector_store %arg12[%swap3A_677, %swap3A_678], %swap3A_681 {strides = array<i32>} : memref<8x128xi32, #tpu.memory_space<vmem>>, vector<1x16xi32>,
    %get3A_682 = arith.constant 640 : index
    %get3A_683 = tpu.vector_load %arg10[%get3A_682] {strides = array<i32>} : memref<1024xi32, #tpu.memory_space<vmem>>, vector<16xi32>,
    %get3A_684 = vector.shape_cast %get3A_683 : vector<16xi32> to vector<16xi32>
    %mul3A_685 = arith.constant 1000 : i32
    %mul3A_686 = vector.broadcast %mul3A_685 : i32 to vector<16xi32>
    %mul3A_687 = arith.muli %get3A_684, %mul3A_686 : vector<16xi32>
    %get3A_688 = arith.constant 640 : index
    %get3A_689 = tpu.vector_load %arg11[%get3A_688] {strides = array<i32>} : memref<1024xi32, #tpu.memory_space<vmem>>, vector<16xi32>,
    %get3A_690 = vector.shape_cast %get3A_689 : vector<16xi32> to vector<16xi32>
    %add3A_691 = arith.addi %mul3A_687, %get3A_690 : vector<16xi32>
    %swap3A_692 = arith.constant 5 : i32
    %swap3A_693 = arith.index_cast %swap3A_692 : i32 to index
    %swap3A_694 = arith.constant 0 : index
    %swap3A_695 = tpu.vector_load %arg12[%swap3A_693, %swap3A_694] {strides = array<i32>} : memref<8x128xi32, #tpu.memory_space<vmem>>, vector<1x16xi32>,
    %swap3A_696 = vector.shape_cast %swap3A_695 : vector<1x16xi32> to vector<16xi32>
    %swap3A_697 = vector.shape_cast %add3A_691 : vector<16xi32> to vector<1x16xi32>
    tpu.vector_store %arg12[%swap3A_693, %swap3A_694], %swap3A_697 {strides = array<i32>} : memref<8x128xi32, #tpu.memory_space<vmem>>, vector<1x16xi32>,
    %get3A_698 = arith.constant 656 : index
    %get3A_699 = tpu.vector_load %arg10[%get3A_698] {strides = array<i32>} : memref<1024xi32, #tpu.memory_space<vmem>>, vector<16xi32>,
    %get3A_700 = vector.shape_cast %get3A_699 : vector<16xi32> to vector<16xi32>
    %mul3A_701 = arith.constant 1000 : i32
    %mul3A_702 = vector.broadcast %mul3A_701 : i32 to vector<16xi32>
    %mul3A_703 = arith.muli %get3A_700, %mul3A_702 : vector<16xi32>
    %get3A_704 = arith.constant 656 : index
    %get3A_705 = tpu.vector_load %arg11[%get3A_704] {strides = array<i32>} : memref<1024xi32, #tpu.memory_space<vmem>>, vector<16xi32>,
    %get3A_706 = vector.shape_cast %get3A_705 : vector<16xi32> to vector<16xi32>
    %add3A_707 = arith.addi %mul3A_703, %get3A_706 : vector<16xi32>
    %swap3A_708 = arith.constant 5 : i32
    %swap3A_709 = arith.index_cast %swap3A_708 : i32 to index
    %swap3A_710 = arith.constant 16 : index
    %swap3A_711 = tpu.vector_load %arg12[%swap3A_709, %swap3A_710] {strides = array<i32>} : memref<8x128xi32, #tpu.memory_space<vmem>>, vector<1x16xi32>,
    %swap3A_712 = vector.shape_cast %swap3A_711 : vector<1x16xi32> to vector<16xi32>
    %swap3A_713 = vector.shape_cast %add3A_707 : vector<16xi32> to vector<1x16xi32>
    tpu.vector_store %arg12[%swap3A_709, %swap3A_710], %swap3A_713 {strides = array<i32>} : memref<8x128xi32, #tpu.memory_space<vmem>>, vector<1x16xi32>,
    %get3A_714 = arith.constant 672 : index
    %get3A_715 = tpu.vector_load %arg10[%get3A_714] {strides = array<i32>} : memref<1024xi32, #tpu.memory_space<vmem>>, vector<16xi32>,
    %get3A_716 = vector.shape_cast %get3A_715 : vector<16xi32> to vector<16xi32>
    %mul3A_717 = arith.constant 1000 : i32
    %mul3A_718 = vector.broadcast %mul3A_717 : i32 to vector<16xi32>
    %mul3A_719 = arith.muli %get3A_716, %mul3A_718 : vector<16xi32>
    %get3A_720 = arith.constant 672 : index
    %get3A_721 = tpu.vector_load %arg11[%get3A_720] {strides = array<i32>} : memref<1024xi32, #tpu.memory_space<vmem>>, vector<16xi32>,
    %get3A_722 = vector.shape_cast %get3A_721 : vector<16xi32> to vector<16xi32>
    %add3A_723 = arith.addi %mul3A_719, %get3A_722 : vector<16xi32>
    %swap3A_724 = arith.constant 5 : i32
    %swap3A_725 = arith.index_cast %swap3A_724 : i32 to index
    %swap3A_726 = arith.constant 32 : index
    %swap3A_727 = tpu.vector_load %arg12[%swap3A_725, %swap3A_726] {strides = array<i32>} : memref<8x128xi32, #tpu.memory_space<vmem>>, vector<1x16xi32>,
    %swap3A_728 = vector.shape_cast %swap3A_727 : vector<1x16xi32> to vector<16xi32>
    %swap3A_729 = vector.shape_cast %add3A_723 : vector<16xi32> to vector<1x16xi32>
    tpu.vector_store %arg12[%swap3A_725, %swap3A_726], %swap3A_729 {strides = array<i32>} : memref<8x128xi32, #tpu.memory_space<vmem>>, vector<1x16xi32>,
    %get3A_730 = arith.constant 688 : index
    %get3A_731 = tpu.vector_load %arg10[%get3A_730] {strides = array<i32>} : memref<1024xi32, #tpu.memory_space<vmem>>, vector<16xi32>,
    %get3A_732 = vector.shape_cast %get3A_731 : vector<16xi32> to vector<16xi32>
    %mul3A_733 = arith.constant 1000 : i32
    %mul3A_734 = vector.broadcast %mul3A_733 : i32 to vector<16xi32>
    %mul3A_735 = arith.muli %get3A_732, %mul3A_734 : vector<16xi32>
    %get3A_736 = arith.constant 688 : index
    %get3A_737 = tpu.vector_load %arg11[%get3A_736] {strides = array<i32>} : memref<1024xi32, #tpu.memory_space<vmem>>, vector<16xi32>,
    %get3A_738 = vector.shape_cast %get3A_737 : vector<16xi32> to vector<16xi32>
    %add3A_739 = arith.addi %mul3A_735, %get3A_738 : vector<16xi32>
    %swap3A_740 = arith.constant 5 : i32
    %swap3A_741 = arith.index_cast %swap3A_740 : i32 to index
    %swap3A_742 = arith.constant 48 : index
    %swap3A_743 = tpu.vector_load %arg12[%swap3A_741, %swap3A_742] {strides = array<i32>} : memref<8x128xi32, #tpu.memory_space<vmem>>, vector<1x16xi32>,
    %swap3A_744 = vector.shape_cast %swap3A_743 : vector<1x16xi32> to vector<16xi32>
    %swap3A_745 = vector.shape_cast %add3A_739 : vector<16xi32> to vector<1x16xi32>
    tpu.vector_store %arg12[%swap3A_741, %swap3A_742], %swap3A_745 {strides = array<i32>} : memref<8x128xi32, #tpu.memory_space<vmem>>, vector<1x16xi32>,
    %get3A_746 = arith.constant 704 : index
    %get3A_747 = tpu.vector_load %arg10[%get3A_746] {strides = array<i32>} : memref<1024xi32, #tpu.memory_space<vmem>>, vector<16xi32>,
    %get3A_748 = vector.shape_cast %get3A_747 : vector<16xi32> to vector<16xi32>
    %mul3A_749 = arith.constant 1000 : i32
    %mul3A_750 = vector.broadcast %mul3A_749 : i32 to vector<16xi32>
    %mul3A_751 = arith.muli %get3A_748, %mul3A_750 : vector<16xi32>
    %get3A_752 = arith.constant 704 : index
    %get3A_753 = tpu.vector_load %arg11[%get3A_752] {strides = array<i32>} : memref<1024xi32, #tpu.memory_space<vmem>>, vector<16xi32>,
    %get3A_754 = vector.shape_cast %get3A_753 : vector<16xi32> to vector<16xi32>
    %add3A_755 = arith.addi %mul3A_751, %get3A_754 : vector<16xi32>
    %swap3A_756 = arith.constant 5 : i32
    %swap3A_757 = arith.index_cast %swap3A_756 : i32 to index
    %swap3A_758 = arith.constant 64 : index
    %swap3A_759 = tpu.vector_load %arg12[%swap3A_757, %swap3A_758] {strides = array<i32>} : memref<8x128xi32, #tpu.memory_space<vmem>>, vector<1x16xi32>,
    %swap3A_760 = vector.shape_cast %swap3A_759 : vector<1x16xi32> to vector<16xi32>
    %swap3A_761 = vector.shape_cast %add3A_755 : vector<16xi32> to vector<1x16xi32>
    tpu.vector_store %arg12[%swap3A_757, %swap3A_758], %swap3A_761 {strides = array<i32>} : memref<8x128xi32, #tpu.memory_space<vmem>>, vector<1x16xi32>,
    %get3A_762 = arith.constant 720 : index
    %get3A_763 = tpu.vector_load %arg10[%get3A_762] {strides = array<i32>} : memref<1024xi32, #tpu.memory_space<vmem>>, vector<16xi32>,
    %get3A_764 = vector.shape_cast %get3A_763 : vector<16xi32> to vector<16xi32>
    %mul3A_765 = arith.constant 1000 : i32
    %mul3A_766 = vector.broadcast %mul3A_765 : i32 to vector<16xi32>
    %mul3A_767 = arith.muli %get3A_764, %mul3A_766 : vector<16xi32>
    %get3A_768 = arith.constant 720 : index
    %get3A_769 = tpu.vector_load %arg11[%get3A_768] {strides = array<i32>} : memref<1024xi32, #tpu.memory_space<vmem>>, vector<16xi32>,
    %get3A_770 = vector.shape_cast %get3A_769 : vector<16xi32> to vector<16xi32>
    %add3A_771 = arith.addi %mul3A_767, %get3A_770 : vector<16xi32>
    %swap3A_772 = arith.constant 5 : i32
    %swap3A_773 = arith.index_cast %swap3A_772 : i32 to index
    %swap3A_774 = arith.constant 80 : index
    %swap3A_775 = tpu.vector_load %arg12[%swap3A_773, %swap3A_774] {strides = array<i32>} : memref<8x128xi32, #tpu.memory_space<vmem>>, vector<1x16xi32>,
    %swap3A_776 = vector.shape_cast %swap3A_775 : vector<1x16xi32> to vector<16xi32>
    %swap3A_777 = vector.shape_cast %add3A_771 : vector<16xi32> to vector<1x16xi32>
    tpu.vector_store %arg12[%swap3A_773, %swap3A_774], %swap3A_777 {strides = array<i32>} : memref<8x128xi32, #tpu.memory_space<vmem>>, vector<1x16xi32>,
    %get3A_778 = arith.constant 736 : index
    %get3A_779 = tpu.vector_load %arg10[%get3A_778] {strides = array<i32>} : memref<1024xi32, #tpu.memory_space<vmem>>, vector<16xi32>,
    %get3A_780 = vector.shape_cast %get3A_779 : vector<16xi32> to vector<16xi32>
    %mul3A_781 = arith.constant 1000 : i32
    %mul3A_782 = vector.broadcast %mul3A_781 : i32 to vector<16xi32>
    %mul3A_783 = arith.muli %get3A_780, %mul3A_782 : vector<16xi32>
    %get3A_784 = arith.constant 736 : index
    %get3A_785 = tpu.vector_load %arg11[%get3A_784] {strides = array<i32>} : memref<1024xi32, #tpu.memory_space<vmem>>, vector<16xi32>,
    %get3A_786 = vector.shape_cast %get3A_785 : vector<16xi32> to vector<16xi32>
    %add3A_787 = arith.addi %mul3A_783, %get3A_786 : vector<16xi32>
    %swap3A_788 = arith.constant 5 : i32
    %swap3A_789 = arith.index_cast %swap3A_788 : i32 to index
    %swap3A_790 = arith.constant 96 : index
    %swap3A_791 = tpu.vector_load %arg12[%swap3A_789, %swap3A_790] {strides = array<i32>} : memref<8x128xi32, #tpu.memory_space<vmem>>, vector<1x16xi32>,
    %swap3A_792 = vector.shape_cast %swap3A_791 : vector<1x16xi32> to vector<16xi32>
    %swap3A_793 = vector.shape_cast %add3A_787 : vector<16xi32> to vector<1x16xi32>
    tpu.vector_store %arg12[%swap3A_789, %swap3A_790], %swap3A_793 {strides = array<i32>} : memref<8x128xi32, #tpu.memory_space<vmem>>, vector<1x16xi32>,
    %get3A_794 = arith.constant 752 : index
    %get3A_795 = tpu.vector_load %arg10[%get3A_794] {strides = array<i32>} : memref<1024xi32, #tpu.memory_space<vmem>>, vector<16xi32>,
    %get3A_796 = vector.shape_cast %get3A_795 : vector<16xi32> to vector<16xi32>
    %mul3A_797 = arith.constant 1000 : i32
    %mul3A_798 = vector.broadcast %mul3A_797 : i32 to vector<16xi32>
    %mul3A_799 = arith.muli %get3A_796, %mul3A_798 : vector<16xi32>
    %get3A_800 = arith.constant 752 : index
    %get3A_801 = tpu.vector_load %arg11[%get3A_800] {strides = array<i32>} : memref<1024xi32, #tpu.memory_space<vmem>>, vector<16xi32>,
    %get3A_802 = vector.shape_cast %get3A_801 : vector<16xi32> to vector<16xi32>
    %add3A_803 = arith.addi %mul3A_799, %get3A_802 : vector<16xi32>
    %swap3A_804 = arith.constant 5 : i32
    %swap3A_805 = arith.index_cast %swap3A_804 : i32 to index
    %swap3A_806 = arith.constant 112 : index
    %swap3A_807 = tpu.vector_load %arg12[%swap3A_805, %swap3A_806] {strides = array<i32>} : memref<8x128xi32, #tpu.memory_space<vmem>>, vector<1x16xi32>,
    %swap3A_808 = vector.shape_cast %swap3A_807 : vector<1x16xi32> to vector<16xi32>
    %swap3A_809 = vector.shape_cast %add3A_803 : vector<16xi32> to vector<1x16xi32>
    tpu.vector_store %arg12[%swap3A_805, %swap3A_806], %swap3A_809 {strides = array<i32>} : memref<8x128xi32, #tpu.memory_space<vmem>>, vector<1x16xi32>,
    %get3A_810 = arith.constant 768 : index
    %get3A_811 = tpu.vector_load %arg10[%get3A_810] {strides = array<i32>} : memref<1024xi32, #tpu.memory_space<vmem>>, vector<16xi32>,
    %get3A_812 = vector.shape_cast %get3A_811 : vector<16xi32> to vector<16xi32>
    %mul3A_813 = arith.constant 1000 : i32
    %mul3A_814 = vector.broadcast %mul3A_813 : i32 to vector<16xi32>
    %mul3A_815 = arith.muli %get3A_812, %mul3A_814 : vector<16xi32>
    %get3A_816 = arith.constant 768 : index
    %get3A_817 = tpu.vector_load %arg11[%get3A_816] {strides = array<i32>} : memref<1024xi32, #tpu.memory_space<vmem>>, vector<16xi32>,
    %get3A_818 = vector.shape_cast %get3A_817 : vector<16xi32> to vector<16xi32>
    %add3A_819 = arith.addi %mul3A_815, %get3A_818 : vector<16xi32>
    %swap3A_820 = arith.constant 6 : i32
    %swap3A_821 = arith.index_cast %swap3A_820 : i32 to index
    %swap3A_822 = arith.constant 0 : index
    %swap3A_823 = tpu.vector_load %arg12[%swap3A_821, %swap3A_822] {strides = array<i32>} : memref<8x128xi32, #tpu.memory_space<vmem>>, vector<1x16xi32>,
    %swap3A_824 = vector.shape_cast %swap3A_823 : vector<1x16xi32> to vector<16xi32>
    %swap3A_825 = vector.shape_cast %add3A_819 : vector<16xi32> to vector<1x16xi32>
    tpu.vector_store %arg12[%swap3A_821, %swap3A_822], %swap3A_825 {strides = array<i32>} : memref<8x128xi32, #tpu.memory_space<vmem>>, vector<1x16xi32>,
    %get3A_826 = arith.constant 784 : index
    %get3A_827 = tpu.vector_load %arg10[%get3A_826] {strides = array<i32>} : memref<1024xi32, #tpu.memory_space<vmem>>, vector<16xi32>,
    %get3A_828 = vector.shape_cast %get3A_827 : vector<16xi32> to vector<16xi32>
    %mul3A_829 = arith.constant 1000 : i32
    %mul3A_830 = vector.broadcast %mul3A_829 : i32 to vector<16xi32>
    %mul3A_831 = arith.muli %get3A_828, %mul3A_830 : vector<16xi32>
    %get3A_832 = arith.constant 784 : index
    %get3A_833 = tpu.vector_load %arg11[%get3A_832] {strides = array<i32>} : memref<1024xi32, #tpu.memory_space<vmem>>, vector<16xi32>,
    %get3A_834 = vector.shape_cast %get3A_833 : vector<16xi32> to vector<16xi32>
    %add3A_835 = arith.addi %mul3A_831, %get3A_834 : vector<16xi32>
    %swap3A_836 = arith.constant 6 : i32
    %swap3A_837 = arith.index_cast %swap3A_836 : i32 to index
    %swap3A_838 = arith.constant 16 : index
    %swap3A_839 = tpu.vector_load %arg12[%swap3A_837, %swap3A_838] {strides = array<i32>} : memref<8x128xi32, #tpu.memory_space<vmem>>, vector<1x16xi32>,
    %swap3A_840 = vector.shape_cast %swap3A_839 : vector<1x16xi32> to vector<16xi32>
    %swap3A_841 = vector.shape_cast %add3A_835 : vector<16xi32> to vector<1x16xi32>
    tpu.vector_store %arg12[%swap3A_837, %swap3A_838], %swap3A_841 {strides = array<i32>} : memref<8x128xi32, #tpu.memory_space<vmem>>, vector<1x16xi32>,
    %get3A_842 = arith.constant 800 : index
    %get3A_843 = tpu.vector_load %arg10[%get3A_842] {strides = array<i32>} : memref<1024xi32, #tpu.memory_space<vmem>>, vector<16xi32>,
    %get3A_844 = vector.shape_cast %get3A_843 : vector<16xi32> to vector<16xi32>
    %mul3A_845 = arith.constant 1000 : i32
    %mul3A_846 = vector.broadcast %mul3A_845 : i32 to vector<16xi32>
    %mul3A_847 = arith.muli %get3A_844, %mul3A_846 : vector<16xi32>
    %get3A_848 = arith.constant 800 : index
    %get3A_849 = tpu.vector_load %arg11[%get3A_848] {strides = array<i32>} : memref<1024xi32, #tpu.memory_space<vmem>>, vector<16xi32>,
    %get3A_850 = vector.shape_cast %get3A_849 : vector<16xi32> to vector<16xi32>
    %add3A_851 = arith.addi %mul3A_847, %get3A_850 : vector<16xi32>
    %swap3A_852 = arith.constant 6 : i32
    %swap3A_853 = arith.index_cast %swap3A_852 : i32 to index
    %swap3A_854 = arith.constant 32 : index
    %swap3A_855 = tpu.vector_load %arg12[%swap3A_853, %swap3A_854] {strides = array<i32>} : memref<8x128xi32, #tpu.memory_space<vmem>>, vector<1x16xi32>,
    %swap3A_856 = vector.shape_cast %swap3A_855 : vector<1x16xi32> to vector<16xi32>
    %swap3A_857 = vector.shape_cast %add3A_851 : vector<16xi32> to vector<1x16xi32>
    tpu.vector_store %arg12[%swap3A_853, %swap3A_854], %swap3A_857 {strides = array<i32>} : memref<8x128xi32, #tpu.memory_space<vmem>>, vector<1x16xi32>,
    %get3A_858 = arith.constant 816 : index
    %get3A_859 = tpu.vector_load %arg10[%get3A_858] {strides = array<i32>} : memref<1024xi32, #tpu.memory_space<vmem>>, vector<16xi32>,
    %get3A_860 = vector.shape_cast %get3A_859 : vector<16xi32> to vector<16xi32>
    %mul3A_861 = arith.constant 1000 : i32
    %mul3A_862 = vector.broadcast %mul3A_861 : i32 to vector<16xi32>
    %mul3A_863 = arith.muli %get3A_860, %mul3A_862 : vector<16xi32>
    %get3A_864 = arith.constant 816 : index
    %get3A_865 = tpu.vector_load %arg11[%get3A_864] {strides = array<i32>} : memref<1024xi32, #tpu.memory_space<vmem>>, vector<16xi32>,
    %get3A_866 = vector.shape_cast %get3A_865 : vector<16xi32> to vector<16xi32>
    %add3A_867 = arith.addi %mul3A_863, %get3A_866 : vector<16xi32>
    %swap3A_868 = arith.constant 6 : i32
    %swap3A_869 = arith.index_cast %swap3A_868 : i32 to index
    %swap3A_870 = arith.constant 48 : index
    %swap3A_871 = tpu.vector_load %arg12[%swap3A_869, %swap3A_870] {strides = array<i32>} : memref<8x128xi32, #tpu.memory_space<vmem>>, vector<1x16xi32>,
    %swap3A_872 = vector.shape_cast %swap3A_871 : vector<1x16xi32> to vector<16xi32>
    %swap3A_873 = vector.shape_cast %add3A_867 : vector<16xi32> to vector<1x16xi32>
    tpu.vector_store %arg12[%swap3A_869, %swap3A_870], %swap3A_873 {strides = array<i32>} : memref<8x128xi32, #tpu.memory_space<vmem>>, vector<1x16xi32>,
    %get3A_874 = arith.constant 832 : index
    %get3A_875 = tpu.vector_load %arg10[%get3A_874] {strides = array<i32>} : memref<1024xi32, #tpu.memory_space<vmem>>, vector<16xi32>,
    %get3A_876 = vector.shape_cast %get3A_875 : vector<16xi32> to vector<16xi32>
    %mul3A_877 = arith.constant 1000 : i32
    %mul3A_878 = vector.broadcast %mul3A_877 : i32 to vector<16xi32>
    %mul3A_879 = arith.muli %get3A_876, %mul3A_878 : vector<16xi32>
    %get3A_880 = arith.constant 832 : index
    %get3A_881 = tpu.vector_load %arg11[%get3A_880] {strides = array<i32>} : memref<1024xi32, #tpu.memory_space<vmem>>, vector<16xi32>,
    %get3A_882 = vector.shape_cast %get3A_881 : vector<16xi32> to vector<16xi32>
    %add3A_883 = arith.addi %mul3A_879, %get3A_882 : vector<16xi32>
    %swap3A_884 = arith.constant 6 : i32
    %swap3A_885 = arith.index_cast %swap3A_884 : i32 to index
    %swap3A_886 = arith.constant 64 : index
    %swap3A_887 = tpu.vector_load %arg12[%swap3A_885, %swap3A_886] {strides = array<i32>} : memref<8x128xi32, #tpu.memory_space<vmem>>, vector<1x16xi32>,
    %swap3A_888 = vector.shape_cast %swap3A_887 : vector<1x16xi32> to vector<16xi32>
    %swap3A_889 = vector.shape_cast %add3A_883 : vector<16xi32> to vector<1x16xi32>
    tpu.vector_store %arg12[%swap3A_885, %swap3A_886], %swap3A_889 {strides = array<i32>} : memref<8x128xi32, #tpu.memory_space<vmem>>, vector<1x16xi32>,
    %get3A_890 = arith.constant 848 : index
    %get3A_891 = tpu.vector_load %arg10[%get3A_890] {strides = array<i32>} : memref<1024xi32, #tpu.memory_space<vmem>>, vector<16xi32>,
    %get3A_892 = vector.shape_cast %get3A_891 : vector<16xi32> to vector<16xi32>
    %mul3A_893 = arith.constant 1000 : i32
    %mul3A_894 = vector.broadcast %mul3A_893 : i32 to vector<16xi32>
    %mul3A_895 = arith.muli %get3A_892, %mul3A_894 : vector<16xi32>
    %get3A_896 = arith.constant 848 : index
    %get3A_897 = tpu.vector_load %arg11[%get3A_896] {strides = array<i32>} : memref<1024xi32, #tpu.memory_space<vmem>>, vector<16xi32>,
    %get3A_898 = vector.shape_cast %get3A_897 : vector<16xi32> to vector<16xi32>
    %add3A_899 = arith.addi %mul3A_895, %get3A_898 : vector<16xi32>
    %swap3A_900 = arith.constant 6 : i32
    %swap3A_901 = arith.index_cast %swap3A_900 : i32 to index
    %swap3A_902 = arith.constant 80 : index
    %swap3A_903 = tpu.vector_load %arg12[%swap3A_901, %swap3A_902] {strides = array<i32>} : memref<8x128xi32, #tpu.memory_space<vmem>>, vector<1x16xi32>,
    %swap3A_904 = vector.shape_cast %swap3A_903 : vector<1x16xi32> to vector<16xi32>
    %swap3A_905 = vector.shape_cast %add3A_899 : vector<16xi32> to vector<1x16xi32>
    tpu.vector_store %arg12[%swap3A_901, %swap3A_902], %swap3A_905 {strides = array<i32>} : memref<8x128xi32, #tpu.memory_space<vmem>>, vector<1x16xi32>,
    %get3A_906 = arith.constant 864 : index
    %get3A_907 = tpu.vector_load %arg10[%get3A_906] {strides = array<i32>} : memref<1024xi32, #tpu.memory_space<vmem>>, vector<16xi32>,
    %get3A_908 = vector.shape_cast %get3A_907 : vector<16xi32> to vector<16xi32>
    %mul3A_909 = arith.constant 1000 : i32
    %mul3A_910 = vector.broadcast %mul3A_909 : i32 to vector<16xi32>
    %mul3A_911 = arith.muli %get3A_908, %mul3A_910 : vector<16xi32>
    %get3A_912 = arith.constant 864 : index
    %get3A_913 = tpu.vector_load %arg11[%get3A_912] {strides = array<i32>} : memref<1024xi32, #tpu.memory_space<vmem>>, vector<16xi32>,
    %get3A_914 = vector.shape_cast %get3A_913 : vector<16xi32> to vector<16xi32>
    %add3A_915 = arith.addi %mul3A_911, %get3A_914 : vector<16xi32>
    %swap3A_916 = arith.constant 6 : i32
    %swap3A_917 = arith.index_cast %swap3A_916 : i32 to index
    %swap3A_918 = arith.constant 96 : index
    %swap3A_919 = tpu.vector_load %arg12[%swap3A_917, %swap3A_918] {strides = array<i32>} : memref<8x128xi32, #tpu.memory_space<vmem>>, vector<1x16xi32>,
    %swap3A_920 = vector.shape_cast %swap3A_919 : vector<1x16xi32> to vector<16xi32>
    %swap3A_921 = vector.shape_cast %add3A_915 : vector<16xi32> to vector<1x16xi32>
    tpu.vector_store %arg12[%swap3A_917, %swap3A_918], %swap3A_921 {strides = array<i32>} : memref<8x128xi32, #tpu.memory_space<vmem>>, vector<1x16xi32>,
    %get3A_922 = arith.constant 880 : index
    %get3A_923 = tpu.vector_load %arg10[%get3A_922] {strides = array<i32>} : memref<1024xi32, #tpu.memory_space<vmem>>, vector<16xi32>,
    %get3A_924 = vector.shape_cast %get3A_923 : vector<16xi32> to vector<16xi32>
    %mul3A_925 = arith.constant 1000 : i32
    %mul3A_926 = vector.broadcast %mul3A_925 : i32 to vector<16xi32>
    %mul3A_927 = arith.muli %get3A_924, %mul3A_926 : vector<16xi32>
    %get3A_928 = arith.constant 880 : index
    %get3A_929 = tpu.vector_load %arg11[%get3A_928] {strides = array<i32>} : memref<1024xi32, #tpu.memory_space<vmem>>, vector<16xi32>,
    %get3A_930 = vector.shape_cast %get3A_929 : vector<16xi32> to vector<16xi32>
    %add3A_931 = arith.addi %mul3A_927, %get3A_930 : vector<16xi32>
    %swap3A_932 = arith.constant 6 : i32
    %swap3A_933 = arith.index_cast %swap3A_932 : i32 to index
    %swap3A_934 = arith.constant 112 : index
    %swap3A_935 = tpu.vector_load %arg12[%swap3A_933, %swap3A_934] {strides = array<i32>} : memref<8x128xi32, #tpu.memory_space<vmem>>, vector<1x16xi32>,
    %swap3A_936 = vector.shape_cast %swap3A_935 : vector<1x16xi32> to vector<16xi32>
    %swap3A_937 = vector.shape_cast %add3A_931 : vector<16xi32> to vector<1x16xi32>
    tpu.vector_store %arg12[%swap3A_933, %swap3A_934], %swap3A_937 {strides = array<i32>} : memref<8x128xi32, #tpu.memory_space<vmem>>, vector<1x16xi32>,
    %get3A_938 = arith.constant 896 : index
    %get3A_939 = tpu.vector_load %arg10[%get3A_938] {strides = array<i32>} : memref<1024xi32, #tpu.memory_space<vmem>>, vector<16xi32>,
    %get3A_940 = vector.shape_cast %get3A_939 : vector<16xi32> to vector<16xi32>
    %mul3A_941 = arith.constant 1000 : i32
    %mul3A_942 = vector.broadcast %mul3A_941 : i32 to vector<16xi32>
    %mul3A_943 = arith.muli %get3A_940, %mul3A_942 : vector<16xi32>
    %get3A_944 = arith.constant 896 : index
    %get3A_945 = tpu.vector_load %arg11[%get3A_944] {strides = array<i32>} : memref<1024xi32, #tpu.memory_space<vmem>>, vector<16xi32>,
    %get3A_946 = vector.shape_cast %get3A_945 : vector<16xi32> to vector<16xi32>
    %add3A_947 = arith.addi %mul3A_943, %get3A_946 : vector<16xi32>
    %swap3A_948 = arith.constant 7 : i32
    %swap3A_949 = arith.index_cast %swap3A_948 : i32 to index
    %swap3A_950 = arith.constant 0 : index
    %swap3A_951 = tpu.vector_load %arg12[%swap3A_949, %swap3A_950] {strides = array<i32>} : memref<8x128xi32, #tpu.memory_space<vmem>>, vector<1x16xi32>,
    %swap3A_952 = vector.shape_cast %swap3A_951 : vector<1x16xi32> to vector<16xi32>
    %swap3A_953 = vector.shape_cast %add3A_947 : vector<16xi32> to vector<1x16xi32>
    tpu.vector_store %arg12[%swap3A_949, %swap3A_950], %swap3A_953 {strides = array<i32>} : memref<8x128xi32, #tpu.memory_space<vmem>>, vector<1x16xi32>,
    %get3A_954 = arith.constant 912 : index
    %get3A_955 = tpu.vector_load %arg10[%get3A_954] {strides = array<i32>} : memref<1024xi32, #tpu.memory_space<vmem>>, vector<16xi32>,
    %get3A_956 = vector.shape_cast %get3A_955 : vector<16xi32> to vector<16xi32>
    %mul3A_957 = arith.constant 1000 : i32
    %mul3A_958 = vector.broadcast %mul3A_957 : i32 to vector<16xi32>
    %mul3A_959 = arith.muli %get3A_956, %mul3A_958 : vector<16xi32>
    %get3A_960 = arith.constant 912 : index
    %get3A_961 = tpu.vector_load %arg11[%get3A_960] {strides = array<i32>} : memref<1024xi32, #tpu.memory_space<vmem>>, vector<16xi32>,
    %get3A_962 = vector.shape_cast %get3A_961 : vector<16xi32> to vector<16xi32>
    %add3A_963 = arith.addi %mul3A_959, %get3A_962 : vector<16xi32>
    %swap3A_964 = arith.constant 7 : i32
    %swap3A_965 = arith.index_cast %swap3A_964 : i32 to index
    %swap3A_966 = arith.constant 16 : index
    %swap3A_967 = tpu.vector_load %arg12[%swap3A_965, %swap3A_966] {strides = array<i32>} : memref<8x128xi32, #tpu.memory_space<vmem>>, vector<1x16xi32>,
    %swap3A_968 = vector.shape_cast %swap3A_967 : vector<1x16xi32> to vector<16xi32>
    %swap3A_969 = vector.shape_cast %add3A_963 : vector<16xi32> to vector<1x16xi32>
    tpu.vector_store %arg12[%swap3A_965, %swap3A_966], %swap3A_969 {strides = array<i32>} : memref<8x128xi32, #tpu.memory_space<vmem>>, vector<1x16xi32>,
    %get3A_970 = arith.constant 928 : index
    %get3A_971 = tpu.vector_load %arg10[%get3A_970] {strides = array<i32>} : memref<1024xi32, #tpu.memory_space<vmem>>, vector<16xi32>,
    %get3A_972 = vector.shape_cast %get3A_971 : vector<16xi32> to vector<16xi32>
    %mul3A_973 = arith.constant 1000 : i32
    %mul3A_974 = vector.broadcast %mul3A_973 : i32 to vector<16xi32>
    %mul3A_975 = arith.muli %get3A_972, %mul3A_974 : vector<16xi32>
    %get3A_976 = arith.constant 928 : index
    %get3A_977 = tpu.vector_load %arg11[%get3A_976] {strides = array<i32>} : memref<1024xi32, #tpu.memory_space<vmem>>, vector<16xi32>,
    %get3A_978 = vector.shape_cast %get3A_977 : vector<16xi32> to vector<16xi32>
    %add3A_979 = arith.addi %mul3A_975, %get3A_978 : vector<16xi32>
    %swap3A_980 = arith.constant 7 : i32
    %swap3A_981 = arith.index_cast %swap3A_980 : i32 to index
    %swap3A_982 = arith.constant 32 : index
    %swap3A_983 = tpu.vector_load %arg12[%swap3A_981, %swap3A_982] {strides = array<i32>} : memref<8x128xi32, #tpu.memory_space<vmem>>, vector<1x16xi32>,
    %swap3A_984 = vector.shape_cast %swap3A_983 : vector<1x16xi32> to vector<16xi32>
    %swap3A_985 = vector.shape_cast %add3A_979 : vector<16xi32> to vector<1x16xi32>
    tpu.vector_store %arg12[%swap3A_981, %swap3A_982], %swap3A_985 {strides = array<i32>} : memref<8x128xi32, #tpu.memory_space<vmem>>, vector<1x16xi32>,
    %get3A_986 = arith.constant 944 : index
    %get3A_987 = tpu.vector_load %arg10[%get3A_986] {strides = array<i32>} : memref<1024xi32, #tpu.memory_space<vmem>>, vector<16xi32>,
    %get3A_988 = vector.shape_cast %get3A_987 : vector<16xi32> to vector<16xi32>
    %mul3A_989 = arith.constant 1000 : i32
    %mul3A_990 = vector.broadcast %mul3A_989 : i32 to vector<16xi32>
    %mul3A_991 = arith.muli %get3A_988, %mul3A_990 : vector<16xi32>
    %get3A_992 = arith.constant 944 : index
    %get3A_993 = tpu.vector_load %arg11[%get3A_992] {strides = array<i32>} : memref<1024xi32, #tpu.memory_space<vmem>>, vector<16xi32>,
    %get3A_994 = vector.shape_cast %get3A_993 : vector<16xi32> to vector<16xi32>
    %add3A_995 = arith.addi %mul3A_991, %get3A_994 : vector<16xi32>
    %swap3A_996 = arith.constant 7 : i32
    %swap3A_997 = arith.index_cast %swap3A_996 : i32 to index
    %swap3A_998 = arith.constant 48 : index
    %swap3A_999 = tpu.vector_load %arg12[%swap3A_997, %swap3A_998] {strides = array<i32>} : memref<8x128xi32, #tpu.memory_space<vmem>>, vector<1x16xi32>,
    %swap3A_1000 = vector.shape_cast %swap3A_999 : vector<1x16xi32> to vector<16xi32>
    %swap3A_1001 = vector.shape_cast %add3A_995 : vector<16xi32> to vector<1x16xi32>
    tpu.vector_store %arg12[%swap3A_997, %swap3A_998], %swap3A_1001 {strides = array<i32>} : memref<8x128xi32, #tpu.memory_space<vmem>>, vector<1x16xi32>,
    %get3A_1002 = arith.constant 960 : index
    %get3A_1003 = tpu.vector_load %arg10[%get3A_1002] {strides = array<i32>} : memref<1024xi32, #tpu.memory_space<vmem>>, vector<16xi32>,
    %get3A_1004 = vector.shape_cast %get3A_1003 : vector<16xi32> to vector<16xi32>
    %mul3A_1005 = arith.constant 1000 : i32
    %mul3A_1006 = vector.broadcast %mul3A_1005 : i32 to vector<16xi32>
    %mul3A_1007 = arith.muli %get3A_1004, %mul3A_1006 : vector<16xi32>
    %get3A_1008 = arith.constant 960 : index
    %get3A_1009 = tpu.vector_load %arg11[%get3A_1008] {strides = array<i32>} : memref<1024xi32, #tpu.memory_space<vmem>>, vector<16xi32>,
    %get3A_1010 = vector.shape_cast %get3A_1009 : vector<16xi32> to vector<16xi32>
    %add3A_1011 = arith.addi %mul3A_1007, %get3A_1010 : vector<16xi32>
    %swap3A_1012 = arith.constant 7 : i32
    %swap3A_1013 = arith.index_cast %swap3A_1012 : i32 to index
    %swap3A_1014 = arith.constant 64 : index
    %swap3A_1015 = tpu.vector_load %arg12[%swap3A_1013, %swap3A_1014] {strides = array<i32>} : memref<8x128xi32, #tpu.memory_space<vmem>>, vector<1x16xi32>,
    %swap3A_1016 = vector.shape_cast %swap3A_1015 : vector<1x16xi32> to vector<16xi32>
    %swap3A_1017 = vector.shape_cast %add3A_1011 : vector<16xi32> to vector<1x16xi32>
    tpu.vector_store %arg12[%swap3A_1013, %swap3A_1014], %swap3A_1017 {strides = array<i32>} : memref<8x128xi32, #tpu.memory_space<vmem>>, vector<1x16xi32>,
    %get3A_1018 = arith.constant 976 : index
    %get3A_1019 = tpu.vector_load %arg10[%get3A_1018] {strides = array<i32>} : memref<1024xi32, #tpu.memory_space<vmem>>, vector<16xi32>,
    %get3A_1020 = vector.shape_cast %get3A_1019 : vector<16xi32> to vector<16xi32>
    %mul3A_1021 = arith.constant 1000 : i32
    %mul3A_1022 = vector.broadcast %mul3A_1021 : i32 to vector<16xi32>
    %mul3A_1023 = arith.muli %get3A_1020, %mul3A_1022 : vector<16xi32>
    %get3A_1024 = arith.constant 976 : index
    %get3A_1025 = tpu.vector_load %arg11[%get3A_1024] {strides = array<i32>} : memref<1024xi32, #tpu.memory_space<vmem>>, vector<16xi32>,
    %get3A_1026 = vector.shape_cast %get3A_1025 : vector<16xi32> to vector<16xi32>
    %add3A_1027 = arith.addi %mul3A_1023, %get3A_1026 : vector<16xi32>
    %swap3A_1028 = arith.constant 7 : i32
    %swap3A_1029 = arith.index_cast %swap3A_1028 : i32 to index
    %swap3A_1030 = arith.constant 80 : index
    %swap3A_1031 = tpu.vector_load %arg12[%swap3A_1029, %swap3A_1030] {strides = array<i32>} : memref<8x128xi32, #tpu.memory_space<vmem>>, vector<1x16xi32>,
    %swap3A_1032 = vector.shape_cast %swap3A_1031 : vector<1x16xi32> to vector<16xi32>
    %swap3A_1033 = vector.shape_cast %add3A_1027 : vector<16xi32> to vector<1x16xi32>
    tpu.vector_store %arg12[%swap3A_1029, %swap3A_1030], %swap3A_1033 {strides = array<i32>} : memref<8x128xi32, #tpu.memory_space<vmem>>, vector<1x16xi32>,
    %get3A_1034 = arith.constant 992 : index
    %get3A_1035 = tpu.vector_load %arg10[%get3A_1034] {strides = array<i32>} : memref<1024xi32, #tpu.memory_space<vmem>>, vector<16xi32>,
    %get3A_1036 = vector.shape_cast %get3A_1035 : vector<16xi32> to vector<16xi32>
    %mul3A_1037 = arith.constant 1000 : i32
    %mul3A_1038 = vector.broadcast %mul3A_1037 : i32 to vector<16xi32>
    %mul3A_1039 = arith.muli %get3A_1036, %mul3A_1038 : vector<16xi32>
    %get3A_1040 = arith.constant 992 : index
    %get3A_1041 = tpu.vector_load %arg11[%get3A_1040] {strides = array<i32>} : memref<1024xi32, #tpu.memory_space<vmem>>, vector<16xi32>,
    %get3A_1042 = vector.shape_cast %get3A_1041 : vector<16xi32> to vector<16xi32>
    %add3A_1043 = arith.addi %mul3A_1039, %get3A_1042 : vector<16xi32>
    %swap3A_1044 = arith.constant 7 : i32
    %swap3A_1045 = arith.index_cast %swap3A_1044 : i32 to index
    %swap3A_1046 = arith.constant 96 : index
    %swap3A_1047 = tpu.vector_load %arg12[%swap3A_1045, %swap3A_1046] {strides = array<i32>} : memref<8x128xi32, #tpu.memory_space<vmem>>, vector<1x16xi32>,
    %swap3A_1048 = vector.shape_cast %swap3A_1047 : vector<1x16xi32> to vector<16xi32>
    %swap3A_1049 = vector.shape_cast %add3A_1043 : vector<16xi32> to vector<1x16xi32>
    tpu.vector_store %arg12[%swap3A_1045, %swap3A_1046], %swap3A_1049 {strides = array<i32>} : memref<8x128xi32, #tpu.memory_space<vmem>>, vector<1x16xi32>,
    %get3A_1050 = arith.constant 1008 : index
    %get3A_1051 = tpu.vector_load %arg10[%get3A_1050] {strides = array<i32>} : memref<1024xi32, #tpu.memory_space<vmem>>, vector<16xi32>,
    %get3A_1052 = vector.shape_cast %get3A_1051 : vector<16xi32> to vector<16xi32>
    %mul3A_1053 = arith.constant 1000 : i32
    %mul3A_1054 = vector.broadcast %mul3A_1053 : i32 to vector<16xi32>
    %mul3A_1055 = arith.muli %get3A_1052, %mul3A_1054 : vector<16xi32>
    %get3A_1056 = arith.constant 1008 : index
    %get3A_1057 = tpu.vector_load %arg11[%get3A_1056] {strides = array<i32>} : memref<1024xi32, #tpu.memory_space<vmem>>, vector<16xi32>,
    %get3A_1058 = vector.shape_cast %get3A_1057 : vector<16xi32> to vector<16xi32>
    %add3A_1059 = arith.addi %mul3A_1055, %get3A_1058 : vector<16xi32>
    %swap3A_1060 = arith.constant 7 : i32
    %swap3A_1061 = arith.index_cast %swap3A_1060 : i32 to index
    %swap3A_1062 = arith.constant 112 : index
    %swap3A_1063 = tpu.vector_load %arg12[%swap3A_1061, %swap3A_1062] {strides = array<i32>} : memref<8x128xi32, #tpu.memory_space<vmem>>, vector<1x16xi32>,
    %swap3A_1064 = vector.shape_cast %swap3A_1063 : vector<1x16xi32> to vector<16xi32>
    %swap3A_1065 = vector.shape_cast %add3A_1059 : vector<16xi32> to vector<1x16xi32>
    tpu.vector_store %arg12[%swap3A_1061, %swap3A_1062], %swap3A_1065 {strides = array<i32>} : memref<8x128xi32, #tpu.memory_space<vmem>>, vector<1x16xi32>,
    %dma_start3A_1066 = arith.constant 0 : i32
    %dma_start3A_1067 = arith.constant 0 : i32
    %dma_start3A_1068 = arith.constant 0 : i32
    %dma_start3A_1069 = arith.constant 0 : i32
    %dma_start3A_1070 = tpu.memref_slice %arg13[%dma_start3A_1068, %dma_start3A_1069] : memref<8x128xf32, #tpu.memory_space<vmem>> -> memref<1x128xf32, #tpu.memory_space<vmem>>
    %dma_start3A_1071 = tpu.memref_squeeze %dma_start3A_1070 : memref<1x128xf32, #tpu.memory_space<vmem>> -> memref<128xf32, #tpu.memory_space<vmem>>
    %dma_start3A_1072 = arith.constant 0 : i32
    %dma_start3A_1073 = tpu.memref_slice %arg12[%dma_start3A_1067, %dma_start3A_1072] : memref<8x128xi32, #tpu.memory_space<vmem>> -> memref<1x128xi32, #tpu.memory_space<vmem>>
    %dma_start3A_1074 = tpu.memref_squeeze %dma_start3A_1073 : memref<1x128xi32, #tpu.memory_space<vmem>> -> memref<128xi32, #tpu.memory_space<vmem>>
    %dma_start3A_1075 = arith.constant 0 : i32
    %dma_start3A_1076 = tpu.memref_slice %arg4[%dma_start3A_1066, %dma_start3A_1075] : memref<1x1000000xf32, #tpu.memory_space<hbm>> -> memref<1x1000000xf32, #tpu.memory_space<hbm>>
    %dma_start3A_1077 = tpu.memref_squeeze %dma_start3A_1076 : memref<1x1000000xf32, #tpu.memory_space<hbm>> -> memref<1000000xf32, #tpu.memory_space<hbm>>
    %dma_start3A_1078 = arith.constant 0 : i32
    %dma_start3A_1079 = tpu.memref_slice %dma_start3A_1077[%dma_start3A_1078] : memref<1000000xf32, #tpu.memory_space<hbm>> -> memref<1000000xf32, #tpu.memory_space<hbm>>
    tpu.enqueue_indirect_dma source(%dma_start3A_1079 : memref<1000000xf32, #tpu.memory_space<hbm>>) target(%dma_start3A_1071 : memref<128xf32, #tpu.memory_space<vmem>>) offsets(%dma_start3A_1074 : memref<128xi32, #tpu.memory_space<vmem>>) semaphore(%arg18 : memref<!tpu.dma_semaphore, #tpu.memory_space<semaphore_mem>>)
    %dma_start3A_1080 = arith.constant 0 : i32
    %dma_start3A_1081 = arith.constant 1 : i32
    %dma_start3A_1082 = arith.constant 1 : i32
    %dma_start3A_1083 = arith.constant 0 : i32
    %dma_start3A_1084 = tpu.memref_slice %arg13[%dma_start3A_1082, %dma_start3A_1083] : memref<8x128xf32, #tpu.memory_space<vmem>> -> memref<1x128xf32, #tpu.memory_space<vmem>>
    %dma_start3A_1085 = tpu.memref_squeeze %dma_start3A_1084 : memref<1x128xf32, #tpu.memory_space<vmem>> -> memref<128xf32, #tpu.memory_space<vmem>>
    %dma_start3A_1086 = arith.constant 0 : i32
    %dma_start3A_1087 = tpu.memref_slice %arg12[%dma_start3A_1081, %dma_start3A_1086] : memref<8x128xi32, #tpu.memory_space<vmem>> -> memref<1x128xi32, #tpu.memory_space<vmem>>
    %dma_start3A_1088 = tpu.memref_squeeze %dma_start3A_1087 : memref<1x128xi32, #tpu.memory_space<vmem>> -> memref<128xi32, #tpu.memory_space<vmem>>
    %dma_start3A_1089 = arith.constant 0 : i32
    %dma_start3A_1090 = tpu.memref_slice %arg4[%dma_start3A_1080, %dma_start3A_1089] : memref<1x1000000xf32, #tpu.memory_space<hbm>> -> memref<1x1000000xf32, #tpu.memory_space<hbm>>
    %dma_start3A_1091 = tpu.memref_squeeze %dma_start3A_1090 : memref<1x1000000xf32, #tpu.memory_space<hbm>> -> memref<1000000xf32, #tpu.memory_space<hbm>>
    %dma_start3A_1092 = arith.constant 0 : i32
    %dma_start3A_1093 = tpu.memref_slice %dma_start3A_1091[%dma_start3A_1092] : memref<1000000xf32, #tpu.memory_space<hbm>> -> memref<1000000xf32, #tpu.memory_space<hbm>>
    tpu.enqueue_indirect_dma source(%dma_start3A_1093 : memref<1000000xf32, #tpu.memory_space<hbm>>) target(%dma_start3A_1085 : memref<128xf32, #tpu.memory_space<vmem>>) offsets(%dma_start3A_1088 : memref<128xi32, #tpu.memory_space<vmem>>) semaphore(%arg18 : memref<!tpu.dma_semaphore, #tpu.memory_space<semaphore_mem>>)
    %dma_start3A_1094 = arith.constant 0 : i32
    %dma_start3A_1095 = arith.constant 2 : i32
    %dma_start3A_1096 = arith.constant 2 : i32
    %dma_start3A_1097 = arith.constant 0 : i32
    %dma_start3A_1098 = tpu.memref_slice %arg13[%dma_start3A_1096, %dma_start3A_1097] : memref<8x128xf32, #tpu.memory_space<vmem>> -> memref<1x128xf32, #tpu.memory_space<vmem>>
    %dma_start3A_1099 = tpu.memref_squeeze %dma_start3A_1098 : memref<1x128xf32, #tpu.memory_space<vmem>> -> memref<128xf32, #tpu.memory_space<vmem>>
    %dma_start3A_1100 = arith.constant 0 : i32
    %dma_start3A_1101 = tpu.memref_slice %arg12[%dma_start3A_1095, %dma_start3A_1100] : memref<8x128xi32, #tpu.memory_space<vmem>> -> memref<1x128xi32, #tpu.memory_space<vmem>>
    %dma_start3A_1102 = tpu.memref_squeeze %dma_start3A_1101 : memref<1x128xi32, #tpu.memory_space<vmem>> -> memref<128xi32, #tpu.memory_space<vmem>>
    %dma_start3A_1103 = arith.constant 0 : i32
    %dma_start3A_1104 = tpu.memref_slice %arg4[%dma_start3A_1094, %dma_start3A_1103] : memref<1x1000000xf32, #tpu.memory_space<hbm>> -> memref<1x1000000xf32, #tpu.memory_space<hbm>>
    %dma_start3A_1105 = tpu.memref_squeeze %dma_start3A_1104 : memref<1x1000000xf32, #tpu.memory_space<hbm>> -> memref<1000000xf32, #tpu.memory_space<hbm>>
    %dma_start3A_1106 = arith.constant 0 : i32
    %dma_start3A_1107 = tpu.memref_slice %dma_start3A_1105[%dma_start3A_1106] : memref<1000000xf32, #tpu.memory_space<hbm>> -> memref<1000000xf32, #tpu.memory_space<hbm>>
    tpu.enqueue_indirect_dma source(%dma_start3A_1107 : memref<1000000xf32, #tpu.memory_space<hbm>>) target(%dma_start3A_1099 : memref<128xf32, #tpu.memory_space<vmem>>) offsets(%dma_start3A_1102 : memref<128xi32, #tpu.memory_space<vmem>>) semaphore(%arg18 : memref<!tpu.dma_semaphore, #tpu.memory_space<semaphore_mem>>)
    %dma_start3A_1108 = arith.constant 0 : i32
    %dma_start3A_1109 = arith.constant 3 : i32
    %dma_start3A_1110 = arith.constant 3 : i32
    %dma_start3A_1111 = arith.constant 0 : i32
    %dma_start3A_1112 = tpu.memref_slice %arg13[%dma_start3A_1110, %dma_start3A_1111] : memref<8x128xf32, #tpu.memory_space<vmem>> -> memref<1x128xf32, #tpu.memory_space<vmem>>
    %dma_start3A_1113 = tpu.memref_squeeze %dma_start3A_1112 : memref<1x128xf32, #tpu.memory_space<vmem>> -> memref<128xf32, #tpu.memory_space<vmem>>
    %dma_start3A_1114 = arith.constant 0 : i32
    %dma_start3A_1115 = tpu.memref_slice %arg12[%dma_start3A_1109, %dma_start3A_1114] : memref<8x128xi32, #tpu.memory_space<vmem>> -> memref<1x128xi32, #tpu.memory_space<vmem>>
    %dma_start3A_1116 = tpu.memref_squeeze %dma_start3A_1115 : memref<1x128xi32, #tpu.memory_space<vmem>> -> memref<128xi32, #tpu.memory_space<vmem>>
    %dma_start3A_1117 = arith.constant 0 : i32
    %dma_start3A_1118 = tpu.memref_slice %arg4[%dma_start3A_1108, %dma_start3A_1117] : memref<1x1000000xf32, #tpu.memory_space<hbm>> -> memref<1x1000000xf32, #tpu.memory_space<hbm>>
    %dma_start3A_1119 = tpu.memref_squeeze %dma_start3A_1118 : memref<1x1000000xf32, #tpu.memory_space<hbm>> -> memref<1000000xf32, #tpu.memory_space<hbm>>
    %dma_start3A_1120 = arith.constant 0 : i32
    %dma_start3A_1121 = tpu.memref_slice %dma_start3A_1119[%dma_start3A_1120] : memref<1000000xf32, #tpu.memory_space<hbm>> -> memref<1000000xf32, #tpu.memory_space<hbm>>
    tpu.enqueue_indirect_dma source(%dma_start3A_1121 : memref<1000000xf32, #tpu.memory_space<hbm>>) target(%dma_start3A_1113 : memref<128xf32, #tpu.memory_space<vmem>>) offsets(%dma_start3A_1116 : memref<128xi32, #tpu.memory_space<vmem>>) semaphore(%arg18 : memref<!tpu.dma_semaphore, #tpu.memory_space<semaphore_mem>>)
    %dma_start3A_1122 = arith.constant 0 : i32
    %dma_start3A_1123 = arith.constant 4 : i32
    %dma_start3A_1124 = arith.constant 4 : i32
    %dma_start3A_1125 = arith.constant 0 : i32
    %dma_start3A_1126 = tpu.memref_slice %arg13[%dma_start3A_1124, %dma_start3A_1125] : memref<8x128xf32, #tpu.memory_space<vmem>> -> memref<1x128xf32, #tpu.memory_space<vmem>>
    %dma_start3A_1127 = tpu.memref_squeeze %dma_start3A_1126 : memref<1x128xf32, #tpu.memory_space<vmem>> -> memref<128xf32, #tpu.memory_space<vmem>>
    %dma_start3A_1128 = arith.constant 0 : i32
    %dma_start3A_1129 = tpu.memref_slice %arg12[%dma_start3A_1123, %dma_start3A_1128] : memref<8x128xi32, #tpu.memory_space<vmem>> -> memref<1x128xi32, #tpu.memory_space<vmem>>
    %dma_start3A_1130 = tpu.memref_squeeze %dma_start3A_1129 : memref<1x128xi32, #tpu.memory_space<vmem>> -> memref<128xi32, #tpu.memory_space<vmem>>
    %dma_start3A_1131 = arith.constant 0 : i32
    %dma_start3A_1132 = tpu.memref_slice %arg4[%dma_start3A_1122, %dma_start3A_1131] : memref<1x1000000xf32, #tpu.memory_space<hbm>> -> memref<1x1000000xf32, #tpu.memory_space<hbm>>
    %dma_start3A_1133 = tpu.memref_squeeze %dma_start3A_1132 : memref<1x1000000xf32, #tpu.memory_space<hbm>> -> memref<1000000xf32, #tpu.memory_space<hbm>>
    %dma_start3A_1134 = arith.constant 0 : i32
    %dma_start3A_1135 = tpu.memref_slice %dma_start3A_1133[%dma_start3A_1134] : memref<1000000xf32, #tpu.memory_space<hbm>> -> memref<1000000xf32, #tpu.memory_space<hbm>>
    tpu.enqueue_indirect_dma source(%dma_start3A_1135 : memref<1000000xf32, #tpu.memory_space<hbm>>) target(%dma_start3A_1127 : memref<128xf32, #tpu.memory_space<vmem>>) offsets(%dma_start3A_1130 : memref<128xi32, #tpu.memory_space<vmem>>) semaphore(%arg18 : memref<!tpu.dma_semaphore, #tpu.memory_space<semaphore_mem>>)
    %dma_start3A_1136 = arith.constant 0 : i32
    %dma_start3A_1137 = arith.constant 5 : i32
    %dma_start3A_1138 = arith.constant 5 : i32
    %dma_start3A_1139 = arith.constant 0 : i32
    %dma_start3A_1140 = tpu.memref_slice %arg13[%dma_start3A_1138, %dma_start3A_1139] : memref<8x128xf32, #tpu.memory_space<vmem>> -> memref<1x128xf32, #tpu.memory_space<vmem>>
    %dma_start3A_1141 = tpu.memref_squeeze %dma_start3A_1140 : memref<1x128xf32, #tpu.memory_space<vmem>> -> memref<128xf32, #tpu.memory_space<vmem>>
    %dma_start3A_1142 = arith.constant 0 : i32
    %dma_start3A_1143 = tpu.memref_slice %arg12[%dma_start3A_1137, %dma_start3A_1142] : memref<8x128xi32, #tpu.memory_space<vmem>> -> memref<1x128xi32, #tpu.memory_space<vmem>>
    %dma_start3A_1144 = tpu.memref_squeeze %dma_start3A_1143 : memref<1x128xi32, #tpu.memory_space<vmem>> -> memref<128xi32, #tpu.memory_space<vmem>>
    %dma_start3A_1145 = arith.constant 0 : i32
    %dma_start3A_1146 = tpu.memref_slice %arg4[%dma_start3A_1136, %dma_start3A_1145] : memref<1x1000000xf32, #tpu.memory_space<hbm>> -> memref<1x1000000xf32, #tpu.memory_space<hbm>>
    %dma_start3A_1147 = tpu.memref_squeeze %dma_start3A_1146 : memref<1x1000000xf32, #tpu.memory_space<hbm>> -> memref<1000000xf32, #tpu.memory_space<hbm>>
    %dma_start3A_1148 = arith.constant 0 : i32
    %dma_start3A_1149 = tpu.memref_slice %dma_start3A_1147[%dma_start3A_1148] : memref<1000000xf32, #tpu.memory_space<hbm>> -> memref<1000000xf32, #tpu.memory_space<hbm>>
    tpu.enqueue_indirect_dma source(%dma_start3A_1149 : memref<1000000xf32, #tpu.memory_space<hbm>>) target(%dma_start3A_1141 : memref<128xf32, #tpu.memory_space<vmem>>) offsets(%dma_start3A_1144 : memref<128xi32, #tpu.memory_space<vmem>>) semaphore(%arg18 : memref<!tpu.dma_semaphore, #tpu.memory_space<semaphore_mem>>)
    %dma_start3A_1150 = arith.constant 0 : i32
    %dma_start3A_1151 = arith.constant 6 : i32
    %dma_start3A_1152 = arith.constant 6 : i32
    %dma_start3A_1153 = arith.constant 0 : i32
    %dma_start3A_1154 = tpu.memref_slice %arg13[%dma_start3A_1152, %dma_start3A_1153] : memref<8x128xf32, #tpu.memory_space<vmem>> -> memref<1x128xf32, #tpu.memory_space<vmem>>
    %dma_start3A_1155 = tpu.memref_squeeze %dma_start3A_1154 : memref<1x128xf32, #tpu.memory_space<vmem>> -> memref<128xf32, #tpu.memory_space<vmem>>
    %dma_start3A_1156 = arith.constant 0 : i32
    %dma_start3A_1157 = tpu.memref_slice %arg12[%dma_start3A_1151, %dma_start3A_1156] : memref<8x128xi32, #tpu.memory_space<vmem>> -> memref<1x128xi32, #tpu.memory_space<vmem>>
    %dma_start3A_1158 = tpu.memref_squeeze %dma_start3A_1157 : memref<1x128xi32, #tpu.memory_space<vmem>> -> memref<128xi32, #tpu.memory_space<vmem>>
    %dma_start3A_1159 = arith.constant 0 : i32
    %dma_start3A_1160 = tpu.memref_slice %arg4[%dma_start3A_1150, %dma_start3A_1159] : memref<1x1000000xf32, #tpu.memory_space<hbm>> -> memref<1x1000000xf32, #tpu.memory_space<hbm>>
    %dma_start3A_1161 = tpu.memref_squeeze %dma_start3A_1160 : memref<1x1000000xf32, #tpu.memory_space<hbm>> -> memref<1000000xf32, #tpu.memory_space<hbm>>
    %dma_start3A_1162 = arith.constant 0 : i32
    %dma_start3A_1163 = tpu.memref_slice %dma_start3A_1161[%dma_start3A_1162] : memref<1000000xf32, #tpu.memory_space<hbm>> -> memref<1000000xf32, #tpu.memory_space<hbm>>
    tpu.enqueue_indirect_dma source(%dma_start3A_1163 : memref<1000000xf32, #tpu.memory_space<hbm>>) target(%dma_start3A_1155 : memref<128xf32, #tpu.memory_space<vmem>>) offsets(%dma_start3A_1158 : memref<128xi32, #tpu.memory_space<vmem>>) semaphore(%arg18 : memref<!tpu.dma_semaphore, #tpu.memory_space<semaphore_mem>>)
    %dma_start3A_1164 = arith.constant 0 : i32
    %dma_start3A_1165 = arith.constant 7 : i32
    %dma_start3A_1166 = arith.constant 7 : i32
    %dma_start3A_1167 = arith.constant 0 : i32
    %dma_start3A_1168 = tpu.memref_slice %arg13[%dma_start3A_1166, %dma_start3A_1167] : memref<8x128xf32, #tpu.memory_space<vmem>> -> memref<1x128xf32, #tpu.memory_space<vmem>>
    %dma_start3A_1169 = tpu.memref_squeeze %dma_start3A_1168 : memref<1x128xf32, #tpu.memory_space<vmem>> -> memref<128xf32, #tpu.memory_space<vmem>>
    %dma_start3A_1170 = arith.constant 0 : i32
    %dma_start3A_1171 = tpu.memref_slice %arg12[%dma_start3A_1165, %dma_start3A_1170] : memref<8x128xi32, #tpu.memory_space<vmem>> -> memref<1x128xi32, #tpu.memory_space<vmem>>
    %dma_start3A_1172 = tpu.memref_squeeze %dma_start3A_1171 : memref<1x128xi32, #tpu.memory_space<vmem>> -> memref<128xi32, #tpu.memory_space<vmem>>
    %dma_start3A_1173 = arith.constant 0 : i32
    %dma_start3A_1174 = tpu.memref_slice %arg4[%dma_start3A_1164, %dma_start3A_1173] : memref<1x1000000xf32, #tpu.memory_space<hbm>> -> memref<1x1000000xf32, #tpu.memory_space<hbm>>
    %dma_start3A_1175 = tpu.memref_squeeze %dma_start3A_1174 : memref<1x1000000xf32, #tpu.memory_space<hbm>> -> memref<1000000xf32, #tpu.memory_space<hbm>>
    %dma_start3A_1176 = arith.constant 0 : i32
    %dma_start3A_1177 = tpu.memref_slice %dma_start3A_1175[%dma_start3A_1176] : memref<1000000xf32, #tpu.memory_space<hbm>> -> memref<1000000xf32, #tpu.memory_space<hbm>>
    tpu.enqueue_indirect_dma source(%dma_start3A_1177 : memref<1000000xf32, #tpu.memory_space<hbm>>) target(%dma_start3A_1169 : memref<128xf32, #tpu.memory_space<vmem>>) offsets(%dma_start3A_1172 : memref<128xi32, #tpu.memory_space<vmem>>) semaphore(%arg18 : memref<!tpu.dma_semaphore, #tpu.memory_space<semaphore_mem>>)
    %lt3A = arith.constant 5 : i32
    %lt3A_1178 = arith.cmpi slt, %arg1, %lt3A : i32
    %jit3A = arith.constant 5 : i32
    %eq3A = arith.constant 0 : i32
    %eq3A_1179 = arith.cmpi eq, %jit3A, %eq3A : i32
    %jit3A_1180 = arith.constant 1 : i32
    %select_n3A = arith.select %eq3A_1179, %jit3A_1180, %jit3A : i32
    %rem3A = arith.remsi %arg1, %select_n3A : i32
    %ne3A = arith.constant 0 : i32
    %ne3A_1181 = arith.cmpi ne, %rem3A, %ne3A : i32
    %lt3A_1182 = arith.constant 0 : i32
    %lt3A_1183 = arith.cmpi slt, %rem3A, %lt3A_1182 : i32
    %lt3A_1184 = arith.constant 0 : i32
    %lt3A_1185 = arith.cmpi slt, %select_n3A, %lt3A_1184 : i32
    %ne3A_1186 = arith.xori %lt3A_1183, %lt3A_1185 : i1
    %and3A = arith.andi %ne3A_1186, %ne3A_1181 : i1
    %add3A_1187 = arith.addi %rem3A, %select_n3A : i32
    %select_n3A_1188 = arith.select %and3A, %add3A_1187, %rem3A : i32
    %mul3A_1189 = arith.constant 16 : i32
    %mul3A_1190 = arith.muli %select_n3A_1188, %mul3A_1189 : i32
    %get3A_1191 = arith.index_cast %mul3A_1190 : i32 to index
    %get3A_1192 = tpu.vector_load %arg9[%get3A_1191] {strides = array<i32>} : memref<80xf32, #tpu.memory_space<vmem>>, vector<16xf32>,
    %get3A_1193 = vector.shape_cast %get3A_1192 : vector<16xf32> to vector<16xf32>
    %dma_wait3A_1194 = arith.constant 0 : i32
    %dma_wait3A_1195 = arith.constant 0 : i32
    %dma_wait3A_1196 = tpu.memref_slice %arg4[%dma_wait3A_1194, %dma_wait3A_1195] : memref<1x1000000xf32, #tpu.memory_space<hbm>> -> memref<1x1000000xf32, #tpu.memory_space<hbm>>
    %dma_wait3A_1197 = tpu.memref_squeeze %dma_wait3A_1196 : memref<1x1000000xf32, #tpu.memory_space<hbm>> -> memref<1000000xf32, #tpu.memory_space<hbm>>
    %dma_wait3A_1198 = tpu.memref_slice %dma_wait3A_1197[%add3A_6] : memref<1000000xf32, #tpu.memory_space<hbm>> -> memref<23120xf32, #tpu.memory_space<hbm>>
    %dma_wait3A_1199 = arith.constant 0 : i32
    %dma_wait3A_1200 = tpu.memref_slice %arg4[%dma_wait3A_1194, %dma_wait3A_1199] : memref<1x1000000xf32, #tpu.memory_space<hbm>> -> memref<1x1000000xf32, #tpu.memory_space<hbm>>
    %dma_wait3A_1201 = tpu.memref_squeeze %dma_wait3A_1200 : memref<1x1000000xf32, #tpu.memory_space<hbm>> -> memref<1000000xf32, #tpu.memory_space<hbm>>
    %dma_wait3A_1202 = tpu.memref_slice %dma_wait3A_1201[%add3A_6] : memref<1000000xf32, #tpu.memory_space<hbm>> -> memref<23120xf32, #tpu.memory_space<hbm>>
    tpu.wait_dma2 semaphore(%arg16 : memref<!tpu.dma_semaphore, #tpu.memory_space<semaphore_mem>>) src(%dma_wait3A_1202 : memref<23120xf32, #tpu.memory_space<hbm>>) dst(%arg8 : memref<23120xf32, #tpu.memory_space<vmem>>)
    %broadcast_in_dim3A = arith.constant 0xFF800000 : f32
    %broadcast_in_dim3A_1203 = vector.broadcast %broadcast_in_dim3A : f32 to vector<16xf32>
    %scan3A = arith.constant 0 : i32
    %scan3A_1204 = arith.constant 180 : i32
    %scan3A_1205 = arith.addi %scan3A, %scan3A_1204 : i32
    %scan3A_1206 = arith.constant 1 : i32
    %scan3A_1207 = scf.for %scan3A_1526 = %scan3A to %scan3A_1205 step %scan3A_1206 iter_args(%scan3A_1527 = %broadcast_in_dim3A_1203) -> (vector<16xf32>)  : i32 {
      %mul3A_1528 = arith.constant 128 : i32
      %mul3A_1529 = arith.muli %scan3A_1526, %mul3A_1528 : i32
      %add3A_1530 = arith.constant 0 : i32
      %add3A_1531 = arith.addi %mul3A_1529, %add3A_1530 : i32
      %get3A_1532 = arith.index_cast %add3A_1531 : i32 to index
      %get3A_1533 = tpu.vector_load %arg8[%get3A_1532] {strides = array<i32>} : memref<23120xf32, #tpu.memory_space<vmem>>, vector<16xf32>,
      %get3A_1534 = vector.shape_cast %get3A_1533 : vector<16xf32> to vector<16xf32>
      %max3A_1535 = arith.maximumf %scan3A_1527, %get3A_1534 : vector<16xf32>
      %add3A_1536 = arith.constant 16 : i32
      %add3A_1537 = arith.addi %mul3A_1529, %add3A_1536 : i32
      %get3A_1538 = arith.index_cast %add3A_1537 : i32 to index
      %get3A_1539 = tpu.vector_load %arg8[%get3A_1538] {strides = array<i32>} : memref<23120xf32, #tpu.memory_space<vmem>>, vector<16xf32>,
      %get3A_1540 = vector.shape_cast %get3A_1539 : vector<16xf32> to vector<16xf32>
      %max3A_1541 = arith.maximumf %max3A_1535, %get3A_1540 : vector<16xf32>
      %add3A_1542 = arith.constant 32 : i32
      %add3A_1543 = arith.addi %mul3A_1529, %add3A_1542 : i32
      %get3A_1544 = arith.index_cast %add3A_1543 : i32 to index
      %get3A_1545 = tpu.vector_load %arg8[%get3A_1544] {strides = array<i32>} : memref<23120xf32, #tpu.memory_space<vmem>>, vector<16xf32>,
      %get3A_1546 = vector.shape_cast %get3A_1545 : vector<16xf32> to vector<16xf32>
      %max3A_1547 = arith.maximumf %max3A_1541, %get3A_1546 : vector<16xf32>
      %add3A_1548 = arith.constant 48 : i32
      %add3A_1549 = arith.addi %mul3A_1529, %add3A_1548 : i32
      %get3A_1550 = arith.index_cast %add3A_1549 : i32 to index
      %get3A_1551 = tpu.vector_load %arg8[%get3A_1550] {strides = array<i32>} : memref<23120xf32, #tpu.memory_space<vmem>>, vector<16xf32>,
      %get3A_1552 = vector.shape_cast %get3A_1551 : vector<16xf32> to vector<16xf32>
      %max3A_1553 = arith.maximumf %max3A_1547, %get3A_1552 : vector<16xf32>
      %add3A_1554 = arith.constant 64 : i32
      %add3A_1555 = arith.addi %mul3A_1529, %add3A_1554 : i32
      %get3A_1556 = arith.index_cast %add3A_1555 : i32 to index
      %get3A_1557 = tpu.vector_load %arg8[%get3A_1556] {strides = array<i32>} : memref<23120xf32, #tpu.memory_space<vmem>>, vector<16xf32>,
      %get3A_1558 = vector.shape_cast %get3A_1557 : vector<16xf32> to vector<16xf32>
      %max3A_1559 = arith.maximumf %max3A_1553, %get3A_1558 : vector<16xf32>
      %add3A_1560 = arith.constant 80 : i32
      %add3A_1561 = arith.addi %mul3A_1529, %add3A_1560 : i32
      %get3A_1562 = arith.index_cast %add3A_1561 : i32 to index
      %get3A_1563 = tpu.vector_load %arg8[%get3A_1562] {strides = array<i32>} : memref<23120xf32, #tpu.memory_space<vmem>>, vector<16xf32>,
      %get3A_1564 = vector.shape_cast %get3A_1563 : vector<16xf32> to vector<16xf32>
      %max3A_1565 = arith.maximumf %max3A_1559, %get3A_1564 : vector<16xf32>
      %add3A_1566 = arith.constant 96 : i32
      %add3A_1567 = arith.addi %mul3A_1529, %add3A_1566 : i32
      %get3A_1568 = arith.index_cast %add3A_1567 : i32 to index
      %get3A_1569 = tpu.vector_load %arg8[%get3A_1568] {strides = array<i32>} : memref<23120xf32, #tpu.memory_space<vmem>>, vector<16xf32>,
      %get3A_1570 = vector.shape_cast %get3A_1569 : vector<16xf32> to vector<16xf32>
      %max3A_1571 = arith.maximumf %max3A_1565, %get3A_1570 : vector<16xf32>
      %add3A_1572 = arith.constant 112 : i32
      %add3A_1573 = arith.addi %mul3A_1529, %add3A_1572 : i32
      %get3A_1574 = arith.index_cast %add3A_1573 : i32 to index
      %get3A_1575 = tpu.vector_load %arg8[%get3A_1574] {strides = array<i32>} : memref<23120xf32, #tpu.memory_space<vmem>>, vector<16xf32>,
      %get3A_1576 = vector.shape_cast %get3A_1575 : vector<16xf32> to vector<16xf32>
      %max3A_1577 = arith.maximumf %max3A_1571, %get3A_1576 : vector<16xf32>
      scf.yield %max3A_1577 : vector<16xf32>
    }
    %scan3A_1208 = arith.constant 180 : i32
    %get3A_1209 = arith.constant 23040 : index
    %get3A_1210 = tpu.vector_load %arg8[%get3A_1209] {strides = array<i32>} : memref<23120xf32, #tpu.memory_space<vmem>>, vector<16xf32>,
    %get3A_1211 = vector.shape_cast %get3A_1210 : vector<16xf32> to vector<16xf32>
    %max3A = arith.maximumf %scan3A_1207, %get3A_1211 : vector<16xf32>
    %get3A_1212 = arith.constant 23056 : index
    %get3A_1213 = tpu.vector_load %arg8[%get3A_1212] {strides = array<i32>} : memref<23120xf32, #tpu.memory_space<vmem>>, vector<16xf32>,
    %get3A_1214 = vector.shape_cast %get3A_1213 : vector<16xf32> to vector<16xf32>
    %max3A_1215 = arith.maximumf %max3A, %get3A_1214 : vector<16xf32>
    %get3A_1216 = arith.constant 23072 : index
    %get3A_1217 = tpu.vector_load %arg8[%get3A_1216] {strides = array<i32>} : memref<23120xf32, #tpu.memory_space<vmem>>, vector<16xf32>,
    %get3A_1218 = vector.shape_cast %get3A_1217 : vector<16xf32> to vector<16xf32>
    %max3A_1219 = arith.maximumf %max3A_1215, %get3A_1218 : vector<16xf32>
    %get3A_1220 = arith.constant 23088 : index
    %get3A_1221 = tpu.vector_load %arg8[%get3A_1220] {strides = array<i32>} : memref<23120xf32, #tpu.memory_space<vmem>>, vector<16xf32>,
    %get3A_1222 = vector.shape_cast %get3A_1221 : vector<16xf32> to vector<16xf32>
    %max3A_1223 = arith.maximumf %max3A_1219, %get3A_1222 : vector<16xf32>
    %get3A_1224 = arith.constant 23104 : index
    %get3A_1225 = tpu.vector_load %arg8[%get3A_1224] {strides = array<i32>} : memref<23120xf32, #tpu.memory_space<vmem>>, vector<16xf32>,
    %get3A_1226 = vector.shape_cast %get3A_1225 : vector<16xf32> to vector<16xf32>
    %max3A_1227 = arith.maximumf %max3A_1223, %get3A_1226 : vector<16xf32>
    %max3A_1228 = arith.maximumf %max3A_1227, %get3A_1193 : vector<16xf32>
    %select_n3A_1229 = arith.select %lt3A_1178, %max3A_1228, %max3A_1227 : vector<16xf32>
    %iota3A = tpu.iota {dimensions = array<i32: 0>} : vector<16xi32>
    %xor3A = arith.constant 8 : i32
    %xor3A_1230 = vector.broadcast %xor3A : i32 to vector<16xi32>
    %xor3A_1231 = arith.xori %iota3A, %xor3A_1230 : vector<16xi32>
    %lt3A_1232 = arith.constant 0 : i32
    %lt3A_1233 = vector.broadcast %lt3A_1232 : i32 to vector<16xi32>
    %lt3A_1234 = arith.cmpi slt, %xor3A_1231, %lt3A_1233 : vector<16xi32>
    %add3A_1235 = arith.constant 16 : i32
    %add3A_1236 = vector.broadcast %add3A_1235 : i32 to vector<16xi32>
    %add3A_1237 = arith.addi %xor3A_1231, %add3A_1236 : vector<16xi32>
    %select_n3A_1238 = arith.select %lt3A_1234, %add3A_1237, %xor3A_1231 : vector<16xi1>, vector<16xi32>
    %broadcast_in_dim3A_1239 = vector.shape_cast %select_n3A_1238 : vector<16xi32> to vector<16x1xi32>
    %gather3A = vector.shape_cast %broadcast_in_dim3A_1239 : vector<16x1xi32> to vector<16xi32>
    %gather3A_1240 = tpu.dynamic_gather %select_n3A_1229[%gather3A] in [0] : vector<16xf32>, vector<16xi32> -> vector<16xf32>
    %max3A_1241 = arith.maximumf %select_n3A_1229, %gather3A_1240 : vector<16xf32>
    %xor3A_1242 = arith.constant 4 : i32
    %xor3A_1243 = vector.broadcast %xor3A_1242 : i32 to vector<16xi32>
    %xor3A_1244 = arith.xori %iota3A, %xor3A_1243 : vector<16xi32>
    %lt3A_1245 = arith.constant 0 : i32
    %lt3A_1246 = vector.broadcast %lt3A_1245 : i32 to vector<16xi32>
    %lt3A_1247 = arith.cmpi slt, %xor3A_1244, %lt3A_1246 : vector<16xi32>
    %add3A_1248 = arith.constant 16 : i32
    %add3A_1249 = vector.broadcast %add3A_1248 : i32 to vector<16xi32>
    %add3A_1250 = arith.addi %xor3A_1244, %add3A_1249 : vector<16xi32>
    %select_n3A_1251 = arith.select %lt3A_1247, %add3A_1250, %xor3A_1244 : vector<16xi1>, vector<16xi32>
    %broadcast_in_dim3A_1252 = vector.shape_cast %select_n3A_1251 : vector<16xi32> to vector<16x1xi32>
    %gather3A_1253 = vector.shape_cast %broadcast_in_dim3A_1252 : vector<16x1xi32> to vector<16xi32>
    %gather3A_1254 = tpu.dynamic_gather %max3A_1241[%gather3A_1253] in [0] : vector<16xf32>, vector<16xi32> -> vector<16xf32>
    %max3A_1255 = arith.maximumf %max3A_1241, %gather3A_1254 : vector<16xf32>
    %xor3A_1256 = arith.constant 2 : i32
    %xor3A_1257 = vector.broadcast %xor3A_1256 : i32 to vector<16xi32>
    %xor3A_1258 = arith.xori %iota3A, %xor3A_1257 : vector<16xi32>
    %lt3A_1259 = arith.constant 0 : i32
    %lt3A_1260 = vector.broadcast %lt3A_1259 : i32 to vector<16xi32>
    %lt3A_1261 = arith.cmpi slt, %xor3A_1258, %lt3A_1260 : vector<16xi32>
    %add3A_1262 = arith.constant 16 : i32
    %add3A_1263 = vector.broadcast %add3A_1262 : i32 to vector<16xi32>
    %add3A_1264 = arith.addi %xor3A_1258, %add3A_1263 : vector<16xi32>
    %select_n3A_1265 = arith.select %lt3A_1261, %add3A_1264, %xor3A_1258 : vector<16xi1>, vector<16xi32>
    %broadcast_in_dim3A_1266 = vector.shape_cast %select_n3A_1265 : vector<16xi32> to vector<16x1xi32>
    %gather3A_1267 = vector.shape_cast %broadcast_in_dim3A_1266 : vector<16x1xi32> to vector<16xi32>
    %gather3A_1268 = tpu.dynamic_gather %max3A_1255[%gather3A_1267] in [0] : vector<16xf32>, vector<16xi32> -> vector<16xf32>
    %max3A_1269 = arith.maximumf %max3A_1255, %gather3A_1268 : vector<16xf32>
    %xor3A_1270 = arith.constant 1 : i32
    %xor3A_1271 = vector.broadcast %xor3A_1270 : i32 to vector<16xi32>
    %xor3A_1272 = arith.xori %iota3A, %xor3A_1271 : vector<16xi32>
    %lt3A_1273 = arith.constant 0 : i32
    %lt3A_1274 = vector.broadcast %lt3A_1273 : i32 to vector<16xi32>
    %lt3A_1275 = arith.cmpi slt, %xor3A_1272, %lt3A_1274 : vector<16xi32>
    %add3A_1276 = arith.constant 16 : i32
    %add3A_1277 = vector.broadcast %add3A_1276 : i32 to vector<16xi32>
    %add3A_1278 = arith.addi %xor3A_1272, %add3A_1277 : vector<16xi32>
    %select_n3A_1279 = arith.select %lt3A_1275, %add3A_1278, %xor3A_1272 : vector<16xi1>, vector<16xi32>
    %broadcast_in_dim3A_1280 = vector.shape_cast %select_n3A_1279 : vector<16xi32> to vector<16x1xi32>
    %gather3A_1281 = vector.shape_cast %broadcast_in_dim3A_1280 : vector<16x1xi32> to vector<16xi32>
    %gather3A_1282 = tpu.dynamic_gather %max3A_1269[%gather3A_1281] in [0] : vector<16xf32>, vector<16xi32> -> vector<16xf32>
    %max3A_1283 = arith.maximumf %max3A_1269, %gather3A_1282 : vector<16xf32>
    %broadcast_in_dim3A_1284 = arith.constant 0.000000e+00 : f32
    %broadcast_in_dim3A_1285 = vector.broadcast %broadcast_in_dim3A_1284 : f32 to vector<16xf32>
    %scan3A_1286 = arith.constant 0 : i32
    %scan3A_1287 = arith.constant 180 : i32
    %scan3A_1288 = arith.addi %scan3A_1286, %scan3A_1287 : i32
    %scan3A_1289 = arith.constant 1 : i32
    %scan3A_1290 = scf.for %scan3A_1526 = %scan3A_1286 to %scan3A_1288 step %scan3A_1289 iter_args(%scan3A_1527 = %broadcast_in_dim3A_1285) -> (vector<16xf32>)  : i32 {
      %mul3A_1528 = arith.constant 128 : i32
      %mul3A_1529 = arith.muli %scan3A_1526, %mul3A_1528 : i32
      %add3A_1530 = arith.constant 0 : i32
      %add3A_1531 = arith.addi %mul3A_1529, %add3A_1530 : i32
      %get3A_1532 = arith.index_cast %add3A_1531 : i32 to index
      %get3A_1533 = tpu.vector_load %arg8[%get3A_1532] {strides = array<i32>} : memref<23120xf32, #tpu.memory_space<vmem>>, vector<16xf32>,
      %get3A_1534 = vector.shape_cast %get3A_1533 : vector<16xf32> to vector<16xf32>
      %sub3A_1535 = arith.subf %get3A_1534, %max3A_1283 : vector<16xf32>
      %exp3A_1536 = math.exp %sub3A_1535 : vector<16xf32>
      %add3A_1537 = arith.addf %scan3A_1527, %exp3A_1536 : vector<16xf32>
      %add3A_1538 = arith.constant 16 : i32
      %add3A_1539 = arith.addi %mul3A_1529, %add3A_1538 : i32
      %get3A_1540 = arith.index_cast %add3A_1539 : i32 to index
      %get3A_1541 = tpu.vector_load %arg8[%get3A_1540] {strides = array<i32>} : memref<23120xf32, #tpu.memory_space<vmem>>, vector<16xf32>,
      %get3A_1542 = vector.shape_cast %get3A_1541 : vector<16xf32> to vector<16xf32>
      %sub3A_1543 = arith.subf %get3A_1542, %max3A_1283 : vector<16xf32>
      %exp3A_1544 = math.exp %sub3A_1543 : vector<16xf32>
      %add3A_1545 = arith.addf %add3A_1537, %exp3A_1544 : vector<16xf32>
      %add3A_1546 = arith.constant 32 : i32
      %add3A_1547 = arith.addi %mul3A_1529, %add3A_1546 : i32
      %get3A_1548 = arith.index_cast %add3A_1547 : i32 to index
      %get3A_1549 = tpu.vector_load %arg8[%get3A_1548] {strides = array<i32>} : memref<23120xf32, #tpu.memory_space<vmem>>, vector<16xf32>,
      %get3A_1550 = vector.shape_cast %get3A_1549 : vector<16xf32> to vector<16xf32>
      %sub3A_1551 = arith.subf %get3A_1550, %max3A_1283 : vector<16xf32>
      %exp3A_1552 = math.exp %sub3A_1551 : vector<16xf32>
      %add3A_1553 = arith.addf %add3A_1545, %exp3A_1552 : vector<16xf32>
      %add3A_1554 = arith.constant 48 : i32
      %add3A_1555 = arith.addi %mul3A_1529, %add3A_1554 : i32
      %get3A_1556 = arith.index_cast %add3A_1555 : i32 to index
      %get3A_1557 = tpu.vector_load %arg8[%get3A_1556] {strides = array<i32>} : memref<23120xf32, #tpu.memory_space<vmem>>, vector<16xf32>,
      %get3A_1558 = vector.shape_cast %get3A_1557 : vector<16xf32> to vector<16xf32>
      %sub3A_1559 = arith.subf %get3A_1558, %max3A_1283 : vector<16xf32>
      %exp3A_1560 = math.exp %sub3A_1559 : vector<16xf32>
      %add3A_1561 = arith.addf %add3A_1553, %exp3A_1560 : vector<16xf32>
      %add3A_1562 = arith.constant 64 : i32
      %add3A_1563 = arith.addi %mul3A_1529, %add3A_1562 : i32
      %get3A_1564 = arith.index_cast %add3A_1563 : i32 to index
      %get3A_1565 = tpu.vector_load %arg8[%get3A_1564] {strides = array<i32>} : memref<23120xf32, #tpu.memory_space<vmem>>, vector<16xf32>,
      %get3A_1566 = vector.shape_cast %get3A_1565 : vector<16xf32> to vector<16xf32>
      %sub3A_1567 = arith.subf %get3A_1566, %max3A_1283 : vector<16xf32>
      %exp3A_1568 = math.exp %sub3A_1567 : vector<16xf32>
      %add3A_1569 = arith.addf %add3A_1561, %exp3A_1568 : vector<16xf32>
      %add3A_1570 = arith.constant 80 : i32
      %add3A_1571 = arith.addi %mul3A_1529, %add3A_1570 : i32
      %get3A_1572 = arith.index_cast %add3A_1571 : i32 to index
      %get3A_1573 = tpu.vector_load %arg8[%get3A_1572] {strides = array<i32>} : memref<23120xf32, #tpu.memory_space<vmem>>, vector<16xf32>,
      %get3A_1574 = vector.shape_cast %get3A_1573 : vector<16xf32> to vector<16xf32>
      %sub3A_1575 = arith.subf %get3A_1574, %max3A_1283 : vector<16xf32>
      %exp3A_1576 = math.exp %sub3A_1575 : vector<16xf32>
      %add3A_1577 = arith.addf %add3A_1569, %exp3A_1576 : vector<16xf32>
      %add3A_1578 = arith.constant 96 : i32
      %add3A_1579 = arith.addi %mul3A_1529, %add3A_1578 : i32
      %get3A_1580 = arith.index_cast %add3A_1579 : i32 to index
      %get3A_1581 = tpu.vector_load %arg8[%get3A_1580] {strides = array<i32>} : memref<23120xf32, #tpu.memory_space<vmem>>, vector<16xf32>,
      %get3A_1582 = vector.shape_cast %get3A_1581 : vector<16xf32> to vector<16xf32>
      %sub3A_1583 = arith.subf %get3A_1582, %max3A_1283 : vector<16xf32>
      %exp3A_1584 = math.exp %sub3A_1583 : vector<16xf32>
      %add3A_1585 = arith.addf %add3A_1577, %exp3A_1584 : vector<16xf32>
      %add3A_1586 = arith.constant 112 : i32
      %add3A_1587 = arith.addi %mul3A_1529, %add3A_1586 : i32
      %get3A_1588 = arith.index_cast %add3A_1587 : i32 to index
      %get3A_1589 = tpu.vector_load %arg8[%get3A_1588] {strides = array<i32>} : memref<23120xf32, #tpu.memory_space<vmem>>, vector<16xf32>,
      %get3A_1590 = vector.shape_cast %get3A_1589 : vector<16xf32> to vector<16xf32>
      %sub3A_1591 = arith.subf %get3A_1590, %max3A_1283 : vector<16xf32>
      %exp3A_1592 = math.exp %sub3A_1591 : vector<16xf32>
      %add3A_1593 = arith.addf %add3A_1585, %exp3A_1592 : vector<16xf32>
      scf.yield %add3A_1593 : vector<16xf32>
    }
    %scan3A_1291 = arith.constant 180 : i32
    %get3A_1292 = arith.constant 23040 : index
    %get3A_1293 = tpu.vector_load %arg8[%get3A_1292] {strides = array<i32>} : memref<23120xf32, #tpu.memory_space<vmem>>, vector<16xf32>,
    %get3A_1294 = vector.shape_cast %get3A_1293 : vector<16xf32> to vector<16xf32>
    %sub3A = arith.subf %get3A_1294, %max3A_1283 : vector<16xf32>
    %exp3A = math.exp %sub3A : vector<16xf32>
    %add3A_1295 = arith.addf %scan3A_1290, %exp3A : vector<16xf32>
    %get3A_1296 = arith.constant 23056 : index
    %get3A_1297 = tpu.vector_load %arg8[%get3A_1296] {strides = array<i32>} : memref<23120xf32, #tpu.memory_space<vmem>>, vector<16xf32>,
    %get3A_1298 = vector.shape_cast %get3A_1297 : vector<16xf32> to vector<16xf32>
    %sub3A_1299 = arith.subf %get3A_1298, %max3A_1283 : vector<16xf32>
    %exp3A_1300 = math.exp %sub3A_1299 : vector<16xf32>
    %add3A_1301 = arith.addf %add3A_1295, %exp3A_1300 : vector<16xf32>
    %get3A_1302 = arith.constant 23072 : index
    %get3A_1303 = tpu.vector_load %arg8[%get3A_1302] {strides = array<i32>} : memref<23120xf32, #tpu.memory_space<vmem>>, vector<16xf32>,
    %get3A_1304 = vector.shape_cast %get3A_1303 : vector<16xf32> to vector<16xf32>
    %sub3A_1305 = arith.subf %get3A_1304, %max3A_1283 : vector<16xf32>
    %exp3A_1306 = math.exp %sub3A_1305 : vector<16xf32>
    %add3A_1307 = arith.addf %add3A_1301, %exp3A_1306 : vector<16xf32>
    %get3A_1308 = arith.constant 23088 : index
    %get3A_1309 = tpu.vector_load %arg8[%get3A_1308] {strides = array<i32>} : memref<23120xf32, #tpu.memory_space<vmem>>, vector<16xf32>,
    %get3A_1310 = vector.shape_cast %get3A_1309 : vector<16xf32> to vector<16xf32>
    %sub3A_1311 = arith.subf %get3A_1310, %max3A_1283 : vector<16xf32>
    %exp3A_1312 = math.exp %sub3A_1311 : vector<16xf32>
    %add3A_1313 = arith.addf %add3A_1307, %exp3A_1312 : vector<16xf32>
    %get3A_1314 = arith.constant 23104 : index
    %get3A_1315 = tpu.vector_load %arg8[%get3A_1314] {strides = array<i32>} : memref<23120xf32, #tpu.memory_space<vmem>>, vector<16xf32>,
    %get3A_1316 = vector.shape_cast %get3A_1315 : vector<16xf32> to vector<16xf32>
    %sub3A_1317 = arith.subf %get3A_1316, %max3A_1283 : vector<16xf32>
    %exp3A_1318 = math.exp %sub3A_1317 : vector<16xf32>
    %add3A_1319 = arith.addf %add3A_1313, %exp3A_1318 : vector<16xf32>
    %sub3A_1320 = arith.subf %get3A_1193, %max3A_1283 : vector<16xf32>
    %exp3A_1321 = math.exp %sub3A_1320 : vector<16xf32>
    %broadcast_in_dim3A_1322 = arith.constant 0.000000e+00 : f32
    %broadcast_in_dim3A_1323 = vector.broadcast %broadcast_in_dim3A_1322 : f32 to vector<16xf32>
    %select_n3A_1324 = arith.select %lt3A_1178, %exp3A_1321, %broadcast_in_dim3A_1323 : vector<16xf32>
    %add3A_1325 = arith.addf %add3A_1319, %select_n3A_1324 : vector<16xf32>
    %iota3A_1326 = tpu.iota {dimensions = array<i32: 0>} : vector<16xi32>
    %xor3A_1327 = arith.constant 8 : i32
    %xor3A_1328 = vector.broadcast %xor3A_1327 : i32 to vector<16xi32>
    %xor3A_1329 = arith.xori %iota3A_1326, %xor3A_1328 : vector<16xi32>
    %lt3A_1330 = arith.constant 0 : i32
    %lt3A_1331 = vector.broadcast %lt3A_1330 : i32 to vector<16xi32>
    %lt3A_1332 = arith.cmpi slt, %xor3A_1329, %lt3A_1331 : vector<16xi32>
    %add3A_1333 = arith.constant 16 : i32
    %add3A_1334 = vector.broadcast %add3A_1333 : i32 to vector<16xi32>
    %add3A_1335 = arith.addi %xor3A_1329, %add3A_1334 : vector<16xi32>
    %select_n3A_1336 = arith.select %lt3A_1332, %add3A_1335, %xor3A_1329 : vector<16xi1>, vector<16xi32>
    %broadcast_in_dim3A_1337 = vector.shape_cast %select_n3A_1336 : vector<16xi32> to vector<16x1xi32>
    %gather3A_1338 = vector.shape_cast %broadcast_in_dim3A_1337 : vector<16x1xi32> to vector<16xi32>
    %gather3A_1339 = tpu.dynamic_gather %add3A_1325[%gather3A_1338] in [0] : vector<16xf32>, vector<16xi32> -> vector<16xf32>
    %add3A_1340 = arith.addf %add3A_1325, %gather3A_1339 : vector<16xf32>
    %xor3A_1341 = arith.constant 4 : i32
    %xor3A_1342 = vector.broadcast %xor3A_1341 : i32 to vector<16xi32>
    %xor3A_1343 = arith.xori %iota3A_1326, %xor3A_1342 : vector<16xi32>
    %lt3A_1344 = arith.constant 0 : i32
    %lt3A_1345 = vector.broadcast %lt3A_1344 : i32 to vector<16xi32>
    %lt3A_1346 = arith.cmpi slt, %xor3A_1343, %lt3A_1345 : vector<16xi32>
    %add3A_1347 = arith.constant 16 : i32
    %add3A_1348 = vector.broadcast %add3A_1347 : i32 to vector<16xi32>
    %add3A_1349 = arith.addi %xor3A_1343, %add3A_1348 : vector<16xi32>
    %select_n3A_1350 = arith.select %lt3A_1346, %add3A_1349, %xor3A_1343 : vector<16xi1>, vector<16xi32>
    %broadcast_in_dim3A_1351 = vector.shape_cast %select_n3A_1350 : vector<16xi32> to vector<16x1xi32>
    %gather3A_1352 = vector.shape_cast %broadcast_in_dim3A_1351 : vector<16x1xi32> to vector<16xi32>
    %gather3A_1353 = tpu.dynamic_gather %add3A_1340[%gather3A_1352] in [0] : vector<16xf32>, vector<16xi32> -> vector<16xf32>
    %add3A_1354 = arith.addf %add3A_1340, %gather3A_1353 : vector<16xf32>
    %xor3A_1355 = arith.constant 2 : i32
    %xor3A_1356 = vector.broadcast %xor3A_1355 : i32 to vector<16xi32>
    %xor3A_1357 = arith.xori %iota3A_1326, %xor3A_1356 : vector<16xi32>
    %lt3A_1358 = arith.constant 0 : i32
    %lt3A_1359 = vector.broadcast %lt3A_1358 : i32 to vector<16xi32>
    %lt3A_1360 = arith.cmpi slt, %xor3A_1357, %lt3A_1359 : vector<16xi32>
    %add3A_1361 = arith.constant 16 : i32
    %add3A_1362 = vector.broadcast %add3A_1361 : i32 to vector<16xi32>
    %add3A_1363 = arith.addi %xor3A_1357, %add3A_1362 : vector<16xi32>
    %select_n3A_1364 = arith.select %lt3A_1360, %add3A_1363, %xor3A_1357 : vector<16xi1>, vector<16xi32>
    %broadcast_in_dim3A_1365 = vector.shape_cast %select_n3A_1364 : vector<16xi32> to vector<16x1xi32>
    %gather3A_1366 = vector.shape_cast %broadcast_in_dim3A_1365 : vector<16x1xi32> to vector<16xi32>
    %gather3A_1367 = tpu.dynamic_gather %add3A_1354[%gather3A_1366] in [0] : vector<16xf32>, vector<16xi32> -> vector<16xf32>
    %add3A_1368 = arith.addf %add3A_1354, %gather3A_1367 : vector<16xf32>
    %xor3A_1369 = arith.constant 1 : i32
    %xor3A_1370 = vector.broadcast %xor3A_1369 : i32 to vector<16xi32>
    %xor3A_1371 = arith.xori %iota3A_1326, %xor3A_1370 : vector<16xi32>
    %lt3A_1372 = arith.constant 0 : i32
    %lt3A_1373 = vector.broadcast %lt3A_1372 : i32 to vector<16xi32>
    %lt3A_1374 = arith.cmpi slt, %xor3A_1371, %lt3A_1373 : vector<16xi32>
    %add3A_1375 = arith.constant 16 : i32
    %add3A_1376 = vector.broadcast %add3A_1375 : i32 to vector<16xi32>
    %add3A_1377 = arith.addi %xor3A_1371, %add3A_1376 : vector<16xi32>
    %select_n3A_1378 = arith.select %lt3A_1374, %add3A_1377, %xor3A_1371 : vector<16xi1>, vector<16xi32>
    %broadcast_in_dim3A_1379 = vector.shape_cast %select_n3A_1378 : vector<16xi32> to vector<16x1xi32>
    %gather3A_1380 = vector.shape_cast %broadcast_in_dim3A_1379 : vector<16x1xi32> to vector<16xi32>
    %gather3A_1381 = tpu.dynamic_gather %add3A_1368[%gather3A_1380] in [0] : vector<16xf32>, vector<16xi32> -> vector<16xf32>
    %add3A_1382 = arith.addf %add3A_1368, %gather3A_1381 : vector<16xf32>
    %swap3A_1383 = arith.constant 0 : index
    %swap3A_1384 = tpu.vector_load %arg14[%swap3A_1383] {strides = array<i32>} : memref<16xf32, #tpu.memory_space<vmem>>, vector<16xf32>,
    %swap3A_1385 = vector.shape_cast %swap3A_1384 : vector<16xf32> to vector<16xf32>
    %swap3A_1386 = vector.shape_cast %max3A_1283 : vector<16xf32> to vector<16xf32>
    tpu.vector_store %arg14[%swap3A_1383], %swap3A_1386 {strides = array<i32>} : memref<16xf32, #tpu.memory_space<vmem>>, vector<16xf32>,
    %swap3A_1387 = arith.constant 0 : index
    %swap3A_1388 = tpu.vector_load %arg15[%swap3A_1387] {strides = array<i32>} : memref<16xf32, #tpu.memory_space<vmem>>, vector<16xf32>,
    %swap3A_1389 = vector.shape_cast %swap3A_1388 : vector<16xf32> to vector<16xf32>
    %swap3A_1390 = vector.shape_cast %add3A_1382 : vector<16xf32> to vector<16xf32>
    tpu.vector_store %arg15[%swap3A_1387], %swap3A_1390 {strides = array<i32>} : memref<16xf32, #tpu.memory_space<vmem>>, vector<16xf32>,
    "tpu.region"() ({
      %run_scoped3A_1526 = tpu.sem_alloc : memref<!tpu.dma_semaphore, #tpu.memory_space<semaphore_mem>>
      %dma_start3A_1527 = arith.constant 0 : i32
      %dma_start3A_1528 = tpu.memref_slice %arg6[%arg1, %dma_start3A_1527] : memref<16x16xf32, #tpu.memory_space<hbm>> -> memref<1x16xf32, #tpu.memory_space<hbm>>
      %dma_start3A_1529 = tpu.memref_squeeze %dma_start3A_1528 : memref<1x16xf32, #tpu.memory_space<hbm>> -> memref<16xf32, #tpu.memory_space<hbm>>
      %dma_start3A_1530 = arith.constant 0 : i32
      %dma_start3A_1531 = tpu.memref_slice %arg6[%arg1, %dma_start3A_1530] : memref<16x16xf32, #tpu.memory_space<hbm>> -> memref<1x16xf32, #tpu.memory_space<hbm>>
      %dma_start3A_1532 = tpu.memref_squeeze %dma_start3A_1531 : memref<1x16xf32, #tpu.memory_space<hbm>> -> memref<16xf32, #tpu.memory_space<hbm>>
      tpu.enqueue_dma source(%arg14 : memref<16xf32, #tpu.memory_space<vmem>>) target(%dma_start3A_1532 : memref<16xf32, #tpu.memory_space<hbm>>) target_semaphore(%run_scoped3A_1526 : memref<!tpu.dma_semaphore, #tpu.memory_space<semaphore_mem>>)
      %dma_wait3A_1533 = arith.constant 0 : i32
      %dma_wait3A_1534 = tpu.memref_slice %arg6[%arg1, %dma_wait3A_1533] : memref<16x16xf32, #tpu.memory_space<hbm>> -> memref<1x16xf32, #tpu.memory_space<hbm>>
      %dma_wait3A_1535 = tpu.memref_squeeze %dma_wait3A_1534 : memref<1x16xf32, #tpu.memory_space<hbm>> -> memref<16xf32, #tpu.memory_space<hbm>>
      %dma_wait3A_1536 = arith.constant 0 : i32
      %dma_wait3A_1537 = tpu.memref_slice %arg6[%arg1, %dma_wait3A_1536] : memref<16x16xf32, #tpu.memory_space<hbm>> -> memref<1x16xf32, #tpu.memory_space<hbm>>
      %dma_wait3A_1538 = tpu.memref_squeeze %dma_wait3A_1537 : memref<1x16xf32, #tpu.memory_space<hbm>> -> memref<16xf32, #tpu.memory_space<hbm>>
      tpu.wait_dma2 semaphore(%run_scoped3A_1526 : memref<!tpu.dma_semaphore, #tpu.memory_space<semaphore_mem>>) src(%arg14 : memref<16xf32, #tpu.memory_space<vmem>>) dst(%dma_wait3A_1538 : memref<16xf32, #tpu.memory_space<hbm>>)
      tpu.yield
    }) : () -> ()
    "tpu.region"() ({
      %run_scoped3A_1526 = tpu.sem_alloc : memref<!tpu.dma_semaphore, #tpu.memory_space<semaphore_mem>>
      %dma_start3A_1527 = arith.constant 0 : i32
      %dma_start3A_1528 = tpu.memref_slice %arg7[%arg1, %dma_start3A_1527] : memref<16x16xf32, #tpu.memory_space<hbm>> -> memref<1x16xf32, #tpu.memory_space<hbm>>
      %dma_start3A_1529 = tpu.memref_squeeze %dma_start3A_1528 : memref<1x16xf32, #tpu.memory_space<hbm>> -> memref<16xf32, #tpu.memory_space<hbm>>
      %dma_start3A_1530 = arith.constant 0 : i32
      %dma_start3A_1531 = tpu.memref_slice %arg7[%arg1, %dma_start3A_1530] : memref<16x16xf32, #tpu.memory_space<hbm>> -> memref<1x16xf32, #tpu.memory_space<hbm>>
      %dma_start3A_1532 = tpu.memref_squeeze %dma_start3A_1531 : memref<1x16xf32, #tpu.memory_space<hbm>> -> memref<16xf32, #tpu.memory_space<hbm>>
      tpu.enqueue_dma source(%arg15 : memref<16xf32, #tpu.memory_space<vmem>>) target(%dma_start3A_1532 : memref<16xf32, #tpu.memory_space<hbm>>) target_semaphore(%run_scoped3A_1526 : memref<!tpu.dma_semaphore, #tpu.memory_space<semaphore_mem>>)
      %dma_wait3A_1533 = arith.constant 0 : i32
      %dma_wait3A_1534 = tpu.memref_slice %arg7[%arg1, %dma_wait3A_1533] : memref<16x16xf32, #tpu.memory_space<hbm>> -> memref<1x16xf32, #tpu.memory_space<hbm>>
      %dma_wait3A_1535 = tpu.memref_squeeze %dma_wait3A_1534 : memref<1x16xf32, #tpu.memory_space<hbm>> -> memref<16xf32, #tpu.memory_space<hbm>>
      %dma_wait3A_1536 = arith.constant 0 : i32
      %dma_wait3A_1537 = tpu.memref_slice %arg7[%arg1, %dma_wait3A_1536] : memref<16x16xf32, #tpu.memory_space<hbm>> -> memref<1x16xf32, #tpu.memory_space<hbm>>
      %dma_wait3A_1538 = tpu.memref_squeeze %dma_wait3A_1537 : memref<1x16xf32, #tpu.memory_space<hbm>> -> memref<16xf32, #tpu.memory_space<hbm>>
      tpu.wait_dma2 semaphore(%run_scoped3A_1526 : memref<!tpu.dma_semaphore, #tpu.memory_space<semaphore_mem>>) src(%arg15 : memref<16xf32, #tpu.memory_space<vmem>>) dst(%dma_wait3A_1538 : memref<16xf32, #tpu.memory_space<hbm>>)
      tpu.yield
    }) : () -> ()
    %dma_wait3A_1391 = arith.constant 0 : i32
    %dma_wait3A_1392 = arith.constant 0 : i32
    %dma_wait3A_1393 = arith.constant 0 : i32
    %dma_wait3A_1394 = arith.constant 0 : i32
    %dma_wait3A_1395 = tpu.memref_slice %arg13[%dma_wait3A_1393, %dma_wait3A_1394] : memref<8x128xf32, #tpu.memory_space<vmem>> -> memref<1x128xf32, #tpu.memory_space<vmem>>
    %dma_wait3A_1396 = tpu.memref_squeeze %dma_wait3A_1395 : memref<1x128xf32, #tpu.memory_space<vmem>> -> memref<128xf32, #tpu.memory_space<vmem>>
    %dma_wait3A_1397 = arith.constant 0 : i32
    %dma_wait3A_1398 = tpu.memref_slice %arg12[%dma_wait3A_1392, %dma_wait3A_1397] : memref<8x128xi32, #tpu.memory_space<vmem>> -> memref<1x128xi32, #tpu.memory_space<vmem>>
    %dma_wait3A_1399 = tpu.memref_squeeze %dma_wait3A_1398 : memref<1x128xi32, #tpu.memory_space<vmem>> -> memref<128xi32, #tpu.memory_space<vmem>>
    %dma_wait3A_1400 = arith.constant 0 : i32
    %dma_wait3A_1401 = tpu.memref_slice %arg4[%dma_wait3A_1391, %dma_wait3A_1400] : memref<1x1000000xf32, #tpu.memory_space<hbm>> -> memref<1x1000000xf32, #tpu.memory_space<hbm>>
    %dma_wait3A_1402 = tpu.memref_squeeze %dma_wait3A_1401 : memref<1x1000000xf32, #tpu.memory_space<hbm>> -> memref<1000000xf32, #tpu.memory_space<hbm>>
    %dma_wait3A_1403 = arith.constant 0 : i32
    %dma_wait3A_1404 = tpu.memref_slice %dma_wait3A_1402[%dma_wait3A_1403] : memref<1000000xf32, #tpu.memory_space<hbm>> -> memref<1000000xf32, #tpu.memory_space<hbm>>
    tpu.wait_indirect_dma semaphore(%arg18 : memref<!tpu.dma_semaphore, #tpu.memory_space<semaphore_mem>>) src(%dma_wait3A_1404 : memref<1000000xf32, #tpu.memory_space<hbm>>) dst(%dma_wait3A_1396 : memref<128xf32, #tpu.memory_space<vmem>>)
    %add3A_1405 = arith.constant 0 : i32
    %add3A_1406 = arith.addi %mul3A_2, %add3A_1405 : i32
    %run_scoped3A = arith.constant 0 : i32
    "tpu.region"() ({
      %run_scoped3A_1526 = tpu.sem_alloc : memref<!tpu.dma_semaphore, #tpu.memory_space<semaphore_mem>>
      %dma_start3A_1527 = arith.constant 0 : i32
      %dma_start3A_1528 = tpu.memref_slice %arg13[%run_scoped3A, %dma_start3A_1527] : memref<8x128xf32, #tpu.memory_space<vmem>> -> memref<1x128xf32, #tpu.memory_space<vmem>>
      %dma_start3A_1529 = tpu.memref_squeeze %dma_start3A_1528 : memref<1x128xf32, #tpu.memory_space<vmem>> -> memref<128xf32, #tpu.memory_space<vmem>>
      %dma_start3A_1530 = tpu.memref_slice %arg5[%add3A_1406] : memref<16384xf32, #tpu.memory_space<hbm>> -> memref<128xf32, #tpu.memory_space<hbm>>
      %dma_start3A_1531 = tpu.memref_slice %arg5[%add3A_1406] : memref<16384xf32, #tpu.memory_space<hbm>> -> memref<128xf32, #tpu.memory_space<hbm>>
      %dma_start3A_1532 = arith.constant 0 : i32
      %dma_start3A_1533 = tpu.memref_slice %arg13[%run_scoped3A, %dma_start3A_1532] : memref<8x128xf32, #tpu.memory_space<vmem>> -> memref<1x128xf32, #tpu.memory_space<vmem>>
      %dma_start3A_1534 = tpu.memref_squeeze %dma_start3A_1533 : memref<1x128xf32, #tpu.memory_space<vmem>> -> memref<128xf32, #tpu.memory_space<vmem>>
      tpu.enqueue_dma source(%dma_start3A_1534 : memref<128xf32, #tpu.memory_space<vmem>>) target(%dma_start3A_1531 : memref<128xf32, #tpu.memory_space<hbm>>) target_semaphore(%run_scoped3A_1526 : memref<!tpu.dma_semaphore, #tpu.memory_space<semaphore_mem>>)
      %dma_wait3A_1535 = arith.constant 0 : i32
      %dma_wait3A_1536 = tpu.memref_slice %arg13[%run_scoped3A, %dma_wait3A_1535] : memref<8x128xf32, #tpu.memory_space<vmem>> -> memref<1x128xf32, #tpu.memory_space<vmem>>
      %dma_wait3A_1537 = tpu.memref_squeeze %dma_wait3A_1536 : memref<1x128xf32, #tpu.memory_space<vmem>> -> memref<128xf32, #tpu.memory_space<vmem>>
      %dma_wait3A_1538 = tpu.memref_slice %arg5[%add3A_1406] : memref<16384xf32, #tpu.memory_space<hbm>> -> memref<128xf32, #tpu.memory_space<hbm>>
      %dma_wait3A_1539 = tpu.memref_slice %arg5[%add3A_1406] : memref<16384xf32, #tpu.memory_space<hbm>> -> memref<128xf32, #tpu.memory_space<hbm>>
      %dma_wait3A_1540 = arith.constant 0 : i32
      %dma_wait3A_1541 = tpu.memref_slice %arg13[%run_scoped3A, %dma_wait3A_1540] : memref<8x128xf32, #tpu.memory_space<vmem>> -> memref<1x128xf32, #tpu.memory_space<vmem>>
      %dma_wait3A_1542 = tpu.memref_squeeze %dma_wait3A_1541 : memref<1x128xf32, #tpu.memory_space<vmem>> -> memref<128xf32, #tpu.memory_space<vmem>>
      tpu.wait_dma2 semaphore(%run_scoped3A_1526 : memref<!tpu.dma_semaphore, #tpu.memory_space<semaphore_mem>>) src(%dma_wait3A_1542 : memref<128xf32, #tpu.memory_space<vmem>>) dst(%dma_wait3A_1539 : memref<128xf32, #tpu.memory_space<hbm>>)
      tpu.yield
    }) : () -> ()
    %dma_wait3A_1407 = arith.constant 0 : i32
    %dma_wait3A_1408 = arith.constant 1 : i32
    %dma_wait3A_1409 = arith.constant 1 : i32
    %dma_wait3A_1410 = arith.constant 0 : i32
    %dma_wait3A_1411 = tpu.memref_slice %arg13[%dma_wait3A_1409, %dma_wait3A_1410] : memref<8x128xf32, #tpu.memory_space<vmem>> -> memref<1x128xf32, #tpu.memory_space<vmem>>
    %dma_wait3A_1412 = tpu.memref_squeeze %dma_wait3A_1411 : memref<1x128xf32, #tpu.memory_space<vmem>> -> memref<128xf32, #tpu.memory_space<vmem>>
    %dma_wait3A_1413 = arith.constant 0 : i32
    %dma_wait3A_1414 = tpu.memref_slice %arg12[%dma_wait3A_1408, %dma_wait3A_1413] : memref<8x128xi32, #tpu.memory_space<vmem>> -> memref<1x128xi32, #tpu.memory_space<vmem>>
    %dma_wait3A_1415 = tpu.memref_squeeze %dma_wait3A_1414 : memref<1x128xi32, #tpu.memory_space<vmem>> -> memref<128xi32, #tpu.memory_space<vmem>>
    %dma_wait3A_1416 = arith.constant 0 : i32
    %dma_wait3A_1417 = tpu.memref_slice %arg4[%dma_wait3A_1407, %dma_wait3A_1416] : memref<1x1000000xf32, #tpu.memory_space<hbm>> -> memref<1x1000000xf32, #tpu.memory_space<hbm>>
    %dma_wait3A_1418 = tpu.memref_squeeze %dma_wait3A_1417 : memref<1x1000000xf32, #tpu.memory_space<hbm>> -> memref<1000000xf32, #tpu.memory_space<hbm>>
    %dma_wait3A_1419 = arith.constant 0 : i32
    %dma_wait3A_1420 = tpu.memref_slice %dma_wait3A_1418[%dma_wait3A_1419] : memref<1000000xf32, #tpu.memory_space<hbm>> -> memref<1000000xf32, #tpu.memory_space<hbm>>
    tpu.wait_indirect_dma semaphore(%arg18 : memref<!tpu.dma_semaphore, #tpu.memory_space<semaphore_mem>>) src(%dma_wait3A_1420 : memref<1000000xf32, #tpu.memory_space<hbm>>) dst(%dma_wait3A_1412 : memref<128xf32, #tpu.memory_space<vmem>>)
    %add3A_1421 = arith.constant 128 : i32
    %add3A_1422 = arith.addi %mul3A_2, %add3A_1421 : i32
    %run_scoped3A_1423 = arith.constant 1 : i32
    "tpu.region"() ({
      %run_scoped3A_1526 = tpu.sem_alloc : memref<!tpu.dma_semaphore, #tpu.memory_space<semaphore_mem>>
      %dma_start3A_1527 = arith.constant 0 : i32
      %dma_start3A_1528 = tpu.memref_slice %arg13[%run_scoped3A_1423, %dma_start3A_1527] : memref<8x128xf32, #tpu.memory_space<vmem>> -> memref<1x128xf32, #tpu.memory_space<vmem>>
      %dma_start3A_1529 = tpu.memref_squeeze %dma_start3A_1528 : memref<1x128xf32, #tpu.memory_space<vmem>> -> memref<128xf32, #tpu.memory_space<vmem>>
      %dma_start3A_1530 = tpu.memref_slice %arg5[%add3A_1422] : memref<16384xf32, #tpu.memory_space<hbm>> -> memref<128xf32, #tpu.memory_space<hbm>>
      %dma_start3A_1531 = tpu.memref_slice %arg5[%add3A_1422] : memref<16384xf32, #tpu.memory_space<hbm>> -> memref<128xf32, #tpu.memory_space<hbm>>
      %dma_start3A_1532 = arith.constant 0 : i32
      %dma_start3A_1533 = tpu.memref_slice %arg13[%run_scoped3A_1423, %dma_start3A_1532] : memref<8x128xf32, #tpu.memory_space<vmem>> -> memref<1x128xf32, #tpu.memory_space<vmem>>
      %dma_start3A_1534 = tpu.memref_squeeze %dma_start3A_1533 : memref<1x128xf32, #tpu.memory_space<vmem>> -> memref<128xf32, #tpu.memory_space<vmem>>
      tpu.enqueue_dma source(%dma_start3A_1534 : memref<128xf32, #tpu.memory_space<vmem>>) target(%dma_start3A_1531 : memref<128xf32, #tpu.memory_space<hbm>>) target_semaphore(%run_scoped3A_1526 : memref<!tpu.dma_semaphore, #tpu.memory_space<semaphore_mem>>)
      %dma_wait3A_1535 = arith.constant 0 : i32
      %dma_wait3A_1536 = tpu.memref_slice %arg13[%run_scoped3A_1423, %dma_wait3A_1535] : memref<8x128xf32, #tpu.memory_space<vmem>> -> memref<1x128xf32, #tpu.memory_space<vmem>>
      %dma_wait3A_1537 = tpu.memref_squeeze %dma_wait3A_1536 : memref<1x128xf32, #tpu.memory_space<vmem>> -> memref<128xf32, #tpu.memory_space<vmem>>
      %dma_wait3A_1538 = tpu.memref_slice %arg5[%add3A_1422] : memref<16384xf32, #tpu.memory_space<hbm>> -> memref<128xf32, #tpu.memory_space<hbm>>
      %dma_wait3A_1539 = tpu.memref_slice %arg5[%add3A_1422] : memref<16384xf32, #tpu.memory_space<hbm>> -> memref<128xf32, #tpu.memory_space<hbm>>
      %dma_wait3A_1540 = arith.constant 0 : i32
      %dma_wait3A_1541 = tpu.memref_slice %arg13[%run_scoped3A_1423, %dma_wait3A_1540] : memref<8x128xf32, #tpu.memory_space<vmem>> -> memref<1x128xf32, #tpu.memory_space<vmem>>
      %dma_wait3A_1542 = tpu.memref_squeeze %dma_wait3A_1541 : memref<1x128xf32, #tpu.memory_space<vmem>> -> memref<128xf32, #tpu.memory_space<vmem>>
      tpu.wait_dma2 semaphore(%run_scoped3A_1526 : memref<!tpu.dma_semaphore, #tpu.memory_space<semaphore_mem>>) src(%dma_wait3A_1542 : memref<128xf32, #tpu.memory_space<vmem>>) dst(%dma_wait3A_1539 : memref<128xf32, #tpu.memory_space<hbm>>)
      tpu.yield
    }) : () -> ()
    %dma_wait3A_1424 = arith.constant 0 : i32
    %dma_wait3A_1425 = arith.constant 2 : i32
    %dma_wait3A_1426 = arith.constant 2 : i32
    %dma_wait3A_1427 = arith.constant 0 : i32
    %dma_wait3A_1428 = tpu.memref_slice %arg13[%dma_wait3A_1426, %dma_wait3A_1427] : memref<8x128xf32, #tpu.memory_space<vmem>> -> memref<1x128xf32, #tpu.memory_space<vmem>>
    %dma_wait3A_1429 = tpu.memref_squeeze %dma_wait3A_1428 : memref<1x128xf32, #tpu.memory_space<vmem>> -> memref<128xf32, #tpu.memory_space<vmem>>
    %dma_wait3A_1430 = arith.constant 0 : i32
    %dma_wait3A_1431 = tpu.memref_slice %arg12[%dma_wait3A_1425, %dma_wait3A_1430] : memref<8x128xi32, #tpu.memory_space<vmem>> -> memref<1x128xi32, #tpu.memory_space<vmem>>
    %dma_wait3A_1432 = tpu.memref_squeeze %dma_wait3A_1431 : memref<1x128xi32, #tpu.memory_space<vmem>> -> memref<128xi32, #tpu.memory_space<vmem>>
    %dma_wait3A_1433 = arith.constant 0 : i32
    %dma_wait3A_1434 = tpu.memref_slice %arg4[%dma_wait3A_1424, %dma_wait3A_1433] : memref<1x1000000xf32, #tpu.memory_space<hbm>> -> memref<1x1000000xf32, #tpu.memory_space<hbm>>
    %dma_wait3A_1435 = tpu.memref_squeeze %dma_wait3A_1434 : memref<1x1000000xf32, #tpu.memory_space<hbm>> -> memref<1000000xf32, #tpu.memory_space<hbm>>
    %dma_wait3A_1436 = arith.constant 0 : i32
    %dma_wait3A_1437 = tpu.memref_slice %dma_wait3A_1435[%dma_wait3A_1436] : memref<1000000xf32, #tpu.memory_space<hbm>> -> memref<1000000xf32, #tpu.memory_space<hbm>>
    tpu.wait_indirect_dma semaphore(%arg18 : memref<!tpu.dma_semaphore, #tpu.memory_space<semaphore_mem>>) src(%dma_wait3A_1437 : memref<1000000xf32, #tpu.memory_space<hbm>>) dst(%dma_wait3A_1429 : memref<128xf32, #tpu.memory_space<vmem>>)
    %add3A_1438 = arith.constant 256 : i32
    %add3A_1439 = arith.addi %mul3A_2, %add3A_1438 : i32
    %run_scoped3A_1440 = arith.constant 2 : i32
    "tpu.region"() ({
      %run_scoped3A_1526 = tpu.sem_alloc : memref<!tpu.dma_semaphore, #tpu.memory_space<semaphore_mem>>
      %dma_start3A_1527 = arith.constant 0 : i32
      %dma_start3A_1528 = tpu.memref_slice %arg13[%run_scoped3A_1440, %dma_start3A_1527] : memref<8x128xf32, #tpu.memory_space<vmem>> -> memref<1x128xf32, #tpu.memory_space<vmem>>
      %dma_start3A_1529 = tpu.memref_squeeze %dma_start3A_1528 : memref<1x128xf32, #tpu.memory_space<vmem>> -> memref<128xf32, #tpu.memory_space<vmem>>
      %dma_start3A_1530 = tpu.memref_slice %arg5[%add3A_1439] : memref<16384xf32, #tpu.memory_space<hbm>> -> memref<128xf32, #tpu.memory_space<hbm>>
      %dma_start3A_1531 = tpu.memref_slice %arg5[%add3A_1439] : memref<16384xf32, #tpu.memory_space<hbm>> -> memref<128xf32, #tpu.memory_space<hbm>>
      %dma_start3A_1532 = arith.constant 0 : i32
      %dma_start3A_1533 = tpu.memref_slice %arg13[%run_scoped3A_1440, %dma_start3A_1532] : memref<8x128xf32, #tpu.memory_space<vmem>> -> memref<1x128xf32, #tpu.memory_space<vmem>>
      %dma_start3A_1534 = tpu.memref_squeeze %dma_start3A_1533 : memref<1x128xf32, #tpu.memory_space<vmem>> -> memref<128xf32, #tpu.memory_space<vmem>>
      tpu.enqueue_dma source(%dma_start3A_1534 : memref<128xf32, #tpu.memory_space<vmem>>) target(%dma_start3A_1531 : memref<128xf32, #tpu.memory_space<hbm>>) target_semaphore(%run_scoped3A_1526 : memref<!tpu.dma_semaphore, #tpu.memory_space<semaphore_mem>>)
      %dma_wait3A_1535 = arith.constant 0 : i32
      %dma_wait3A_1536 = tpu.memref_slice %arg13[%run_scoped3A_1440, %dma_wait3A_1535] : memref<8x128xf32, #tpu.memory_space<vmem>> -> memref<1x128xf32, #tpu.memory_space<vmem>>
      %dma_wait3A_1537 = tpu.memref_squeeze %dma_wait3A_1536 : memref<1x128xf32, #tpu.memory_space<vmem>> -> memref<128xf32, #tpu.memory_space<vmem>>
      %dma_wait3A_1538 = tpu.memref_slice %arg5[%add3A_1439] : memref<16384xf32, #tpu.memory_space<hbm>> -> memref<128xf32, #tpu.memory_space<hbm>>
      %dma_wait3A_1539 = tpu.memref_slice %arg5[%add3A_1439] : memref<16384xf32, #tpu.memory_space<hbm>> -> memref<128xf32, #tpu.memory_space<hbm>>
      %dma_wait3A_1540 = arith.constant 0 : i32
      %dma_wait3A_1541 = tpu.memref_slice %arg13[%run_scoped3A_1440, %dma_wait3A_1540] : memref<8x128xf32, #tpu.memory_space<vmem>> -> memref<1x128xf32, #tpu.memory_space<vmem>>
      %dma_wait3A_1542 = tpu.memref_squeeze %dma_wait3A_1541 : memref<1x128xf32, #tpu.memory_space<vmem>> -> memref<128xf32, #tpu.memory_space<vmem>>
      tpu.wait_dma2 semaphore(%run_scoped3A_1526 : memref<!tpu.dma_semaphore, #tpu.memory_space<semaphore_mem>>) src(%dma_wait3A_1542 : memref<128xf32, #tpu.memory_space<vmem>>) dst(%dma_wait3A_1539 : memref<128xf32, #tpu.memory_space<hbm>>)
      tpu.yield
    }) : () -> ()
    %dma_wait3A_1441 = arith.constant 0 : i32
    %dma_wait3A_1442 = arith.constant 3 : i32
    %dma_wait3A_1443 = arith.constant 3 : i32
    %dma_wait3A_1444 = arith.constant 0 : i32
    %dma_wait3A_1445 = tpu.memref_slice %arg13[%dma_wait3A_1443, %dma_wait3A_1444] : memref<8x128xf32, #tpu.memory_space<vmem>> -> memref<1x128xf32, #tpu.memory_space<vmem>>
    %dma_wait3A_1446 = tpu.memref_squeeze %dma_wait3A_1445 : memref<1x128xf32, #tpu.memory_space<vmem>> -> memref<128xf32, #tpu.memory_space<vmem>>
    %dma_wait3A_1447 = arith.constant 0 : i32
    %dma_wait3A_1448 = tpu.memref_slice %arg12[%dma_wait3A_1442, %dma_wait3A_1447] : memref<8x128xi32, #tpu.memory_space<vmem>> -> memref<1x128xi32, #tpu.memory_space<vmem>>
    %dma_wait3A_1449 = tpu.memref_squeeze %dma_wait3A_1448 : memref<1x128xi32, #tpu.memory_space<vmem>> -> memref<128xi32, #tpu.memory_space<vmem>>
    %dma_wait3A_1450 = arith.constant 0 : i32
    %dma_wait3A_1451 = tpu.memref_slice %arg4[%dma_wait3A_1441, %dma_wait3A_1450] : memref<1x1000000xf32, #tpu.memory_space<hbm>> -> memref<1x1000000xf32, #tpu.memory_space<hbm>>
    %dma_wait3A_1452 = tpu.memref_squeeze %dma_wait3A_1451 : memref<1x1000000xf32, #tpu.memory_space<hbm>> -> memref<1000000xf32, #tpu.memory_space<hbm>>
    %dma_wait3A_1453 = arith.constant 0 : i32
    %dma_wait3A_1454 = tpu.memref_slice %dma_wait3A_1452[%dma_wait3A_1453] : memref<1000000xf32, #tpu.memory_space<hbm>> -> memref<1000000xf32, #tpu.memory_space<hbm>>
    tpu.wait_indirect_dma semaphore(%arg18 : memref<!tpu.dma_semaphore, #tpu.memory_space<semaphore_mem>>) src(%dma_wait3A_1454 : memref<1000000xf32, #tpu.memory_space<hbm>>) dst(%dma_wait3A_1446 : memref<128xf32, #tpu.memory_space<vmem>>)
    %add3A_1455 = arith.constant 384 : i32
    %add3A_1456 = arith.addi %mul3A_2, %add3A_1455 : i32
    %run_scoped3A_1457 = arith.constant 3 : i32
    "tpu.region"() ({
      %run_scoped3A_1526 = tpu.sem_alloc : memref<!tpu.dma_semaphore, #tpu.memory_space<semaphore_mem>>
      %dma_start3A_1527 = arith.constant 0 : i32
      %dma_start3A_1528 = tpu.memref_slice %arg13[%run_scoped3A_1457, %dma_start3A_1527] : memref<8x128xf32, #tpu.memory_space<vmem>> -> memref<1x128xf32, #tpu.memory_space<vmem>>
      %dma_start3A_1529 = tpu.memref_squeeze %dma_start3A_1528 : memref<1x128xf32, #tpu.memory_space<vmem>> -> memref<128xf32, #tpu.memory_space<vmem>>
      %dma_start3A_1530 = tpu.memref_slice %arg5[%add3A_1456] : memref<16384xf32, #tpu.memory_space<hbm>> -> memref<128xf32, #tpu.memory_space<hbm>>
      %dma_start3A_1531 = tpu.memref_slice %arg5[%add3A_1456] : memref<16384xf32, #tpu.memory_space<hbm>> -> memref<128xf32, #tpu.memory_space<hbm>>
      %dma_start3A_1532 = arith.constant 0 : i32
      %dma_start3A_1533 = tpu.memref_slice %arg13[%run_scoped3A_1457, %dma_start3A_1532] : memref<8x128xf32, #tpu.memory_space<vmem>> -> memref<1x128xf32, #tpu.memory_space<vmem>>
      %dma_start3A_1534 = tpu.memref_squeeze %dma_start3A_1533 : memref<1x128xf32, #tpu.memory_space<vmem>> -> memref<128xf32, #tpu.memory_space<vmem>>
      tpu.enqueue_dma source(%dma_start3A_1534 : memref<128xf32, #tpu.memory_space<vmem>>) target(%dma_start3A_1531 : memref<128xf32, #tpu.memory_space<hbm>>) target_semaphore(%run_scoped3A_1526 : memref<!tpu.dma_semaphore, #tpu.memory_space<semaphore_mem>>)
      %dma_wait3A_1535 = arith.constant 0 : i32
      %dma_wait3A_1536 = tpu.memref_slice %arg13[%run_scoped3A_1457, %dma_wait3A_1535] : memref<8x128xf32, #tpu.memory_space<vmem>> -> memref<1x128xf32, #tpu.memory_space<vmem>>
      %dma_wait3A_1537 = tpu.memref_squeeze %dma_wait3A_1536 : memref<1x128xf32, #tpu.memory_space<vmem>> -> memref<128xf32, #tpu.memory_space<vmem>>
      %dma_wait3A_1538 = tpu.memref_slice %arg5[%add3A_1456] : memref<16384xf32, #tpu.memory_space<hbm>> -> memref<128xf32, #tpu.memory_space<hbm>>
      %dma_wait3A_1539 = tpu.memref_slice %arg5[%add3A_1456] : memref<16384xf32, #tpu.memory_space<hbm>> -> memref<128xf32, #tpu.memory_space<hbm>>
      %dma_wait3A_1540 = arith.constant 0 : i32
      %dma_wait3A_1541 = tpu.memref_slice %arg13[%run_scoped3A_1457, %dma_wait3A_1540] : memref<8x128xf32, #tpu.memory_space<vmem>> -> memref<1x128xf32, #tpu.memory_space<vmem>>
      %dma_wait3A_1542 = tpu.memref_squeeze %dma_wait3A_1541 : memref<1x128xf32, #tpu.memory_space<vmem>> -> memref<128xf32, #tpu.memory_space<vmem>>
      tpu.wait_dma2 semaphore(%run_scoped3A_1526 : memref<!tpu.dma_semaphore, #tpu.memory_space<semaphore_mem>>) src(%dma_wait3A_1542 : memref<128xf32, #tpu.memory_space<vmem>>) dst(%dma_wait3A_1539 : memref<128xf32, #tpu.memory_space<hbm>>)
      tpu.yield
    }) : () -> ()
    %dma_wait3A_1458 = arith.constant 0 : i32
    %dma_wait3A_1459 = arith.constant 4 : i32
    %dma_wait3A_1460 = arith.constant 4 : i32
    %dma_wait3A_1461 = arith.constant 0 : i32
    %dma_wait3A_1462 = tpu.memref_slice %arg13[%dma_wait3A_1460, %dma_wait3A_1461] : memref<8x128xf32, #tpu.memory_space<vmem>> -> memref<1x128xf32, #tpu.memory_space<vmem>>
    %dma_wait3A_1463 = tpu.memref_squeeze %dma_wait3A_1462 : memref<1x128xf32, #tpu.memory_space<vmem>> -> memref<128xf32, #tpu.memory_space<vmem>>
    %dma_wait3A_1464 = arith.constant 0 : i32
    %dma_wait3A_1465 = tpu.memref_slice %arg12[%dma_wait3A_1459, %dma_wait3A_1464] : memref<8x128xi32, #tpu.memory_space<vmem>> -> memref<1x128xi32, #tpu.memory_space<vmem>>
    %dma_wait3A_1466 = tpu.memref_squeeze %dma_wait3A_1465 : memref<1x128xi32, #tpu.memory_space<vmem>> -> memref<128xi32, #tpu.memory_space<vmem>>
    %dma_wait3A_1467 = arith.constant 0 : i32
    %dma_wait3A_1468 = tpu.memref_slice %arg4[%dma_wait3A_1458, %dma_wait3A_1467] : memref<1x1000000xf32, #tpu.memory_space<hbm>> -> memref<1x1000000xf32, #tpu.memory_space<hbm>>
    %dma_wait3A_1469 = tpu.memref_squeeze %dma_wait3A_1468 : memref<1x1000000xf32, #tpu.memory_space<hbm>> -> memref<1000000xf32, #tpu.memory_space<hbm>>
    %dma_wait3A_1470 = arith.constant 0 : i32
    %dma_wait3A_1471 = tpu.memref_slice %dma_wait3A_1469[%dma_wait3A_1470] : memref<1000000xf32, #tpu.memory_space<hbm>> -> memref<1000000xf32, #tpu.memory_space<hbm>>
    tpu.wait_indirect_dma semaphore(%arg18 : memref<!tpu.dma_semaphore, #tpu.memory_space<semaphore_mem>>) src(%dma_wait3A_1471 : memref<1000000xf32, #tpu.memory_space<hbm>>) dst(%dma_wait3A_1463 : memref<128xf32, #tpu.memory_space<vmem>>)
    %add3A_1472 = arith.constant 512 : i32
    %add3A_1473 = arith.addi %mul3A_2, %add3A_1472 : i32
    %run_scoped3A_1474 = arith.constant 4 : i32
    "tpu.region"() ({
      %run_scoped3A_1526 = tpu.sem_alloc : memref<!tpu.dma_semaphore, #tpu.memory_space<semaphore_mem>>
      %dma_start3A_1527 = arith.constant 0 : i32
      %dma_start3A_1528 = tpu.memref_slice %arg13[%run_scoped3A_1474, %dma_start3A_1527] : memref<8x128xf32, #tpu.memory_space<vmem>> -> memref<1x128xf32, #tpu.memory_space<vmem>>
      %dma_start3A_1529 = tpu.memref_squeeze %dma_start3A_1528 : memref<1x128xf32, #tpu.memory_space<vmem>> -> memref<128xf32, #tpu.memory_space<vmem>>
      %dma_start3A_1530 = tpu.memref_slice %arg5[%add3A_1473] : memref<16384xf32, #tpu.memory_space<hbm>> -> memref<128xf32, #tpu.memory_space<hbm>>
      %dma_start3A_1531 = tpu.memref_slice %arg5[%add3A_1473] : memref<16384xf32, #tpu.memory_space<hbm>> -> memref<128xf32, #tpu.memory_space<hbm>>
      %dma_start3A_1532 = arith.constant 0 : i32
      %dma_start3A_1533 = tpu.memref_slice %arg13[%run_scoped3A_1474, %dma_start3A_1532] : memref<8x128xf32, #tpu.memory_space<vmem>> -> memref<1x128xf32, #tpu.memory_space<vmem>>
      %dma_start3A_1534 = tpu.memref_squeeze %dma_start3A_1533 : memref<1x128xf32, #tpu.memory_space<vmem>> -> memref<128xf32, #tpu.memory_space<vmem>>
      tpu.enqueue_dma source(%dma_start3A_1534 : memref<128xf32, #tpu.memory_space<vmem>>) target(%dma_start3A_1531 : memref<128xf32, #tpu.memory_space<hbm>>) target_semaphore(%run_scoped3A_1526 : memref<!tpu.dma_semaphore, #tpu.memory_space<semaphore_mem>>)
      %dma_wait3A_1535 = arith.constant 0 : i32
      %dma_wait3A_1536 = tpu.memref_slice %arg13[%run_scoped3A_1474, %dma_wait3A_1535] : memref<8x128xf32, #tpu.memory_space<vmem>> -> memref<1x128xf32, #tpu.memory_space<vmem>>
      %dma_wait3A_1537 = tpu.memref_squeeze %dma_wait3A_1536 : memref<1x128xf32, #tpu.memory_space<vmem>> -> memref<128xf32, #tpu.memory_space<vmem>>
      %dma_wait3A_1538 = tpu.memref_slice %arg5[%add3A_1473] : memref<16384xf32, #tpu.memory_space<hbm>> -> memref<128xf32, #tpu.memory_space<hbm>>
      %dma_wait3A_1539 = tpu.memref_slice %arg5[%add3A_1473] : memref<16384xf32, #tpu.memory_space<hbm>> -> memref<128xf32, #tpu.memory_space<hbm>>
      %dma_wait3A_1540 = arith.constant 0 : i32
      %dma_wait3A_1541 = tpu.memref_slice %arg13[%run_scoped3A_1474, %dma_wait3A_1540] : memref<8x128xf32, #tpu.memory_space<vmem>> -> memref<1x128xf32, #tpu.memory_space<vmem>>
      %dma_wait3A_1542 = tpu.memref_squeeze %dma_wait3A_1541 : memref<1x128xf32, #tpu.memory_space<vmem>> -> memref<128xf32, #tpu.memory_space<vmem>>
      tpu.wait_dma2 semaphore(%run_scoped3A_1526 : memref<!tpu.dma_semaphore, #tpu.memory_space<semaphore_mem>>) src(%dma_wait3A_1542 : memref<128xf32, #tpu.memory_space<vmem>>) dst(%dma_wait3A_1539 : memref<128xf32, #tpu.memory_space<hbm>>)
      tpu.yield
    }) : () -> ()
    %dma_wait3A_1475 = arith.constant 0 : i32
    %dma_wait3A_1476 = arith.constant 5 : i32
    %dma_wait3A_1477 = arith.constant 5 : i32
    %dma_wait3A_1478 = arith.constant 0 : i32
    %dma_wait3A_1479 = tpu.memref_slice %arg13[%dma_wait3A_1477, %dma_wait3A_1478] : memref<8x128xf32, #tpu.memory_space<vmem>> -> memref<1x128xf32, #tpu.memory_space<vmem>>
    %dma_wait3A_1480 = tpu.memref_squeeze %dma_wait3A_1479 : memref<1x128xf32, #tpu.memory_space<vmem>> -> memref<128xf32, #tpu.memory_space<vmem>>
    %dma_wait3A_1481 = arith.constant 0 : i32
    %dma_wait3A_1482 = tpu.memref_slice %arg12[%dma_wait3A_1476, %dma_wait3A_1481] : memref<8x128xi32, #tpu.memory_space<vmem>> -> memref<1x128xi32, #tpu.memory_space<vmem>>
    %dma_wait3A_1483 = tpu.memref_squeeze %dma_wait3A_1482 : memref<1x128xi32, #tpu.memory_space<vmem>> -> memref<128xi32, #tpu.memory_space<vmem>>
    %dma_wait3A_1484 = arith.constant 0 : i32
    %dma_wait3A_1485 = tpu.memref_slice %arg4[%dma_wait3A_1475, %dma_wait3A_1484] : memref<1x1000000xf32, #tpu.memory_space<hbm>> -> memref<1x1000000xf32, #tpu.memory_space<hbm>>
    %dma_wait3A_1486 = tpu.memref_squeeze %dma_wait3A_1485 : memref<1x1000000xf32, #tpu.memory_space<hbm>> -> memref<1000000xf32, #tpu.memory_space<hbm>>
    %dma_wait3A_1487 = arith.constant 0 : i32
    %dma_wait3A_1488 = tpu.memref_slice %dma_wait3A_1486[%dma_wait3A_1487] : memref<1000000xf32, #tpu.memory_space<hbm>> -> memref<1000000xf32, #tpu.memory_space<hbm>>
    tpu.wait_indirect_dma semaphore(%arg18 : memref<!tpu.dma_semaphore, #tpu.memory_space<semaphore_mem>>) src(%dma_wait3A_1488 : memref<1000000xf32, #tpu.memory_space<hbm>>) dst(%dma_wait3A_1480 : memref<128xf32, #tpu.memory_space<vmem>>)
    %add3A_1489 = arith.constant 640 : i32
    %add3A_1490 = arith.addi %mul3A_2, %add3A_1489 : i32
    %run_scoped3A_1491 = arith.constant 5 : i32
    "tpu.region"() ({
      %run_scoped3A_1526 = tpu.sem_alloc : memref<!tpu.dma_semaphore, #tpu.memory_space<semaphore_mem>>
      %dma_start3A_1527 = arith.constant 0 : i32
      %dma_start3A_1528 = tpu.memref_slice %arg13[%run_scoped3A_1491, %dma_start3A_1527] : memref<8x128xf32, #tpu.memory_space<vmem>> -> memref<1x128xf32, #tpu.memory_space<vmem>>
      %dma_start3A_1529 = tpu.memref_squeeze %dma_start3A_1528 : memref<1x128xf32, #tpu.memory_space<vmem>> -> memref<128xf32, #tpu.memory_space<vmem>>
      %dma_start3A_1530 = tpu.memref_slice %arg5[%add3A_1490] : memref<16384xf32, #tpu.memory_space<hbm>> -> memref<128xf32, #tpu.memory_space<hbm>>
      %dma_start3A_1531 = tpu.memref_slice %arg5[%add3A_1490] : memref<16384xf32, #tpu.memory_space<hbm>> -> memref<128xf32, #tpu.memory_space<hbm>>
      %dma_start3A_1532 = arith.constant 0 : i32
      %dma_start3A_1533 = tpu.memref_slice %arg13[%run_scoped3A_1491, %dma_start3A_1532] : memref<8x128xf32, #tpu.memory_space<vmem>> -> memref<1x128xf32, #tpu.memory_space<vmem>>
      %dma_start3A_1534 = tpu.memref_squeeze %dma_start3A_1533 : memref<1x128xf32, #tpu.memory_space<vmem>> -> memref<128xf32, #tpu.memory_space<vmem>>
      tpu.enqueue_dma source(%dma_start3A_1534 : memref<128xf32, #tpu.memory_space<vmem>>) target(%dma_start3A_1531 : memref<128xf32, #tpu.memory_space<hbm>>) target_semaphore(%run_scoped3A_1526 : memref<!tpu.dma_semaphore, #tpu.memory_space<semaphore_mem>>)
      %dma_wait3A_1535 = arith.constant 0 : i32
      %dma_wait3A_1536 = tpu.memref_slice %arg13[%run_scoped3A_1491, %dma_wait3A_1535] : memref<8x128xf32, #tpu.memory_space<vmem>> -> memref<1x128xf32, #tpu.memory_space<vmem>>
      %dma_wait3A_1537 = tpu.memref_squeeze %dma_wait3A_1536 : memref<1x128xf32, #tpu.memory_space<vmem>> -> memref<128xf32, #tpu.memory_space<vmem>>
      %dma_wait3A_1538 = tpu.memref_slice %arg5[%add3A_1490] : memref<16384xf32, #tpu.memory_space<hbm>> -> memref<128xf32, #tpu.memory_space<hbm>>
      %dma_wait3A_1539 = tpu.memref_slice %arg5[%add3A_1490] : memref<16384xf32, #tpu.memory_space<hbm>> -> memref<128xf32, #tpu.memory_space<hbm>>
      %dma_wait3A_1540 = arith.constant 0 : i32
      %dma_wait3A_1541 = tpu.memref_slice %arg13[%run_scoped3A_1491, %dma_wait3A_1540] : memref<8x128xf32, #tpu.memory_space<vmem>> -> memref<1x128xf32, #tpu.memory_space<vmem>>
      %dma_wait3A_1542 = tpu.memref_squeeze %dma_wait3A_1541 : memref<1x128xf32, #tpu.memory_space<vmem>> -> memref<128xf32, #tpu.memory_space<vmem>>
      tpu.wait_dma2 semaphore(%run_scoped3A_1526 : memref<!tpu.dma_semaphore, #tpu.memory_space<semaphore_mem>>) src(%dma_wait3A_1542 : memref<128xf32, #tpu.memory_space<vmem>>) dst(%dma_wait3A_1539 : memref<128xf32, #tpu.memory_space<hbm>>)
      tpu.yield
    }) : () -> ()
    %dma_wait3A_1492 = arith.constant 0 : i32
    %dma_wait3A_1493 = arith.constant 6 : i32
    %dma_wait3A_1494 = arith.constant 6 : i32
    %dma_wait3A_1495 = arith.constant 0 : i32
    %dma_wait3A_1496 = tpu.memref_slice %arg13[%dma_wait3A_1494, %dma_wait3A_1495] : memref<8x128xf32, #tpu.memory_space<vmem>> -> memref<1x128xf32, #tpu.memory_space<vmem>>
    %dma_wait3A_1497 = tpu.memref_squeeze %dma_wait3A_1496 : memref<1x128xf32, #tpu.memory_space<vmem>> -> memref<128xf32, #tpu.memory_space<vmem>>
    %dma_wait3A_1498 = arith.constant 0 : i32
    %dma_wait3A_1499 = tpu.memref_slice %arg12[%dma_wait3A_1493, %dma_wait3A_1498] : memref<8x128xi32, #tpu.memory_space<vmem>> -> memref<1x128xi32, #tpu.memory_space<vmem>>
    %dma_wait3A_1500 = tpu.memref_squeeze %dma_wait3A_1499 : memref<1x128xi32, #tpu.memory_space<vmem>> -> memref<128xi32, #tpu.memory_space<vmem>>
    %dma_wait3A_1501 = arith.constant 0 : i32
    %dma_wait3A_1502 = tpu.memref_slice %arg4[%dma_wait3A_1492, %dma_wait3A_1501] : memref<1x1000000xf32, #tpu.memory_space<hbm>> -> memref<1x1000000xf32, #tpu.memory_space<hbm>>
    %dma_wait3A_1503 = tpu.memref_squeeze %dma_wait3A_1502 : memref<1x1000000xf32, #tpu.memory_space<hbm>> -> memref<1000000xf32, #tpu.memory_space<hbm>>
    %dma_wait3A_1504 = arith.constant 0 : i32
    %dma_wait3A_1505 = tpu.memref_slice %dma_wait3A_1503[%dma_wait3A_1504] : memref<1000000xf32, #tpu.memory_space<hbm>> -> memref<1000000xf32, #tpu.memory_space<hbm>>
    tpu.wait_indirect_dma semaphore(%arg18 : memref<!tpu.dma_semaphore, #tpu.memory_space<semaphore_mem>>) src(%dma_wait3A_1505 : memref<1000000xf32, #tpu.memory_space<hbm>>) dst(%dma_wait3A_1497 : memref<128xf32, #tpu.memory_space<vmem>>)
    %add3A_1506 = arith.constant 768 : i32
    %add3A_1507 = arith.addi %mul3A_2, %add3A_1506 : i32
    %run_scoped3A_1508 = arith.constant 6 : i32
    "tpu.region"() ({
      %run_scoped3A_1526 = tpu.sem_alloc : memref<!tpu.dma_semaphore, #tpu.memory_space<semaphore_mem>>
      %dma_start3A_1527 = arith.constant 0 : i32
      %dma_start3A_1528 = tpu.memref_slice %arg13[%run_scoped3A_1508, %dma_start3A_1527] : memref<8x128xf32, #tpu.memory_space<vmem>> -> memref<1x128xf32, #tpu.memory_space<vmem>>
      %dma_start3A_1529 = tpu.memref_squeeze %dma_start3A_1528 : memref<1x128xf32, #tpu.memory_space<vmem>> -> memref<128xf32, #tpu.memory_space<vmem>>
      %dma_start3A_1530 = tpu.memref_slice %arg5[%add3A_1507] : memref<16384xf32, #tpu.memory_space<hbm>> -> memref<128xf32, #tpu.memory_space<hbm>>
      %dma_start3A_1531 = tpu.memref_slice %arg5[%add3A_1507] : memref<16384xf32, #tpu.memory_space<hbm>> -> memref<128xf32, #tpu.memory_space<hbm>>
      %dma_start3A_1532 = arith.constant 0 : i32
      %dma_start3A_1533 = tpu.memref_slice %arg13[%run_scoped3A_1508, %dma_start3A_1532] : memref<8x128xf32, #tpu.memory_space<vmem>> -> memref<1x128xf32, #tpu.memory_space<vmem>>
      %dma_start3A_1534 = tpu.memref_squeeze %dma_start3A_1533 : memref<1x128xf32, #tpu.memory_space<vmem>> -> memref<128xf32, #tpu.memory_space<vmem>>
      tpu.enqueue_dma source(%dma_start3A_1534 : memref<128xf32, #tpu.memory_space<vmem>>) target(%dma_start3A_1531 : memref<128xf32, #tpu.memory_space<hbm>>) target_semaphore(%run_scoped3A_1526 : memref<!tpu.dma_semaphore, #tpu.memory_space<semaphore_mem>>)
      %dma_wait3A_1535 = arith.constant 0 : i32
      %dma_wait3A_1536 = tpu.memref_slice %arg13[%run_scoped3A_1508, %dma_wait3A_1535] : memref<8x128xf32, #tpu.memory_space<vmem>> -> memref<1x128xf32, #tpu.memory_space<vmem>>
      %dma_wait3A_1537 = tpu.memref_squeeze %dma_wait3A_1536 : memref<1x128xf32, #tpu.memory_space<vmem>> -> memref<128xf32, #tpu.memory_space<vmem>>
      %dma_wait3A_1538 = tpu.memref_slice %arg5[%add3A_1507] : memref<16384xf32, #tpu.memory_space<hbm>> -> memref<128xf32, #tpu.memory_space<hbm>>
      %dma_wait3A_1539 = tpu.memref_slice %arg5[%add3A_1507] : memref<16384xf32, #tpu.memory_space<hbm>> -> memref<128xf32, #tpu.memory_space<hbm>>
      %dma_wait3A_1540 = arith.constant 0 : i32
      %dma_wait3A_1541 = tpu.memref_slice %arg13[%run_scoped3A_1508, %dma_wait3A_1540] : memref<8x128xf32, #tpu.memory_space<vmem>> -> memref<1x128xf32, #tpu.memory_space<vmem>>
      %dma_wait3A_1542 = tpu.memref_squeeze %dma_wait3A_1541 : memref<1x128xf32, #tpu.memory_space<vmem>> -> memref<128xf32, #tpu.memory_space<vmem>>
      tpu.wait_dma2 semaphore(%run_scoped3A_1526 : memref<!tpu.dma_semaphore, #tpu.memory_space<semaphore_mem>>) src(%dma_wait3A_1542 : memref<128xf32, #tpu.memory_space<vmem>>) dst(%dma_wait3A_1539 : memref<128xf32, #tpu.memory_space<hbm>>)
      tpu.yield
    }) : () -> ()
    %dma_wait3A_1509 = arith.constant 0 : i32
    %dma_wait3A_1510 = arith.constant 7 : i32
    %dma_wait3A_1511 = arith.constant 7 : i32
    %dma_wait3A_1512 = arith.constant 0 : i32
    %dma_wait3A_1513 = tpu.memref_slice %arg13[%dma_wait3A_1511, %dma_wait3A_1512] : memref<8x128xf32, #tpu.memory_space<vmem>> -> memref<1x128xf32, #tpu.memory_space<vmem>>
    %dma_wait3A_1514 = tpu.memref_squeeze %dma_wait3A_1513 : memref<1x128xf32, #tpu.memory_space<vmem>> -> memref<128xf32, #tpu.memory_space<vmem>>
    %dma_wait3A_1515 = arith.constant 0 : i32
    %dma_wait3A_1516 = tpu.memref_slice %arg12[%dma_wait3A_1510, %dma_wait3A_1515] : memref<8x128xi32, #tpu.memory_space<vmem>> -> memref<1x128xi32, #tpu.memory_space<vmem>>
    %dma_wait3A_1517 = tpu.memref_squeeze %dma_wait3A_1516 : memref<1x128xi32, #tpu.memory_space<vmem>> -> memref<128xi32, #tpu.memory_space<vmem>>
    %dma_wait3A_1518 = arith.constant 0 : i32
    %dma_wait3A_1519 = tpu.memref_slice %arg4[%dma_wait3A_1509, %dma_wait3A_1518] : memref<1x1000000xf32, #tpu.memory_space<hbm>> -> memref<1x1000000xf32, #tpu.memory_space<hbm>>
    %dma_wait3A_1520 = tpu.memref_squeeze %dma_wait3A_1519 : memref<1x1000000xf32, #tpu.memory_space<hbm>> -> memref<1000000xf32, #tpu.memory_space<hbm>>
    %dma_wait3A_1521 = arith.constant 0 : i32
    %dma_wait3A_1522 = tpu.memref_slice %dma_wait3A_1520[%dma_wait3A_1521] : memref<1000000xf32, #tpu.memory_space<hbm>> -> memref<1000000xf32, #tpu.memory_space<hbm>>
    tpu.wait_indirect_dma semaphore(%arg18 : memref<!tpu.dma_semaphore, #tpu.memory_space<semaphore_mem>>) src(%dma_wait3A_1522 : memref<1000000xf32, #tpu.memory_space<hbm>>) dst(%dma_wait3A_1514 : memref<128xf32, #tpu.memory_space<vmem>>)
    %add3A_1523 = arith.constant 896 : i32
    %add3A_1524 = arith.addi %mul3A_2, %add3A_1523 : i32
    %run_scoped3A_1525 = arith.constant 7 : i32
    "tpu.region"() ({
      %run_scoped3A_1526 = tpu.sem_alloc : memref<!tpu.dma_semaphore, #tpu.memory_space<semaphore_mem>>
      %dma_start3A_1527 = arith.constant 0 : i32
      %dma_start3A_1528 = tpu.memref_slice %arg13[%run_scoped3A_1525, %dma_start3A_1527] : memref<8x128xf32, #tpu.memory_space<vmem>> -> memref<1x128xf32, #tpu.memory_space<vmem>>
      %dma_start3A_1529 = tpu.memref_squeeze %dma_start3A_1528 : memref<1x128xf32, #tpu.memory_space<vmem>> -> memref<128xf32, #tpu.memory_space<vmem>>
      %dma_start3A_1530 = tpu.memref_slice %arg5[%add3A_1524] : memref<16384xf32, #tpu.memory_space<hbm>> -> memref<128xf32, #tpu.memory_space<hbm>>
      %dma_start3A_1531 = tpu.memref_slice %arg5[%add3A_1524] : memref<16384xf32, #tpu.memory_space<hbm>> -> memref<128xf32, #tpu.memory_space<hbm>>
      %dma_start3A_1532 = arith.constant 0 : i32
      %dma_start3A_1533 = tpu.memref_slice %arg13[%run_scoped3A_1525, %dma_start3A_1532] : memref<8x128xf32, #tpu.memory_space<vmem>> -> memref<1x128xf32, #tpu.memory_space<vmem>>
      %dma_start3A_1534 = tpu.memref_squeeze %dma_start3A_1533 : memref<1x128xf32, #tpu.memory_space<vmem>> -> memref<128xf32, #tpu.memory_space<vmem>>
      tpu.enqueue_dma source(%dma_start3A_1534 : memref<128xf32, #tpu.memory_space<vmem>>) target(%dma_start3A_1531 : memref<128xf32, #tpu.memory_space<hbm>>) target_semaphore(%run_scoped3A_1526 : memref<!tpu.dma_semaphore, #tpu.memory_space<semaphore_mem>>)
      %dma_wait3A_1535 = arith.constant 0 : i32
      %dma_wait3A_1536 = tpu.memref_slice %arg13[%run_scoped3A_1525, %dma_wait3A_1535] : memref<8x128xf32, #tpu.memory_space<vmem>> -> memref<1x128xf32, #tpu.memory_space<vmem>>
      %dma_wait3A_1537 = tpu.memref_squeeze %dma_wait3A_1536 : memref<1x128xf32, #tpu.memory_space<vmem>> -> memref<128xf32, #tpu.memory_space<vmem>>
      %dma_wait3A_1538 = tpu.memref_slice %arg5[%add3A_1524] : memref<16384xf32, #tpu.memory_space<hbm>> -> memref<128xf32, #tpu.memory_space<hbm>>
      %dma_wait3A_1539 = tpu.memref_slice %arg5[%add3A_1524] : memref<16384xf32, #tpu.memory_space<hbm>> -> memref<128xf32, #tpu.memory_space<hbm>>
      %dma_wait3A_1540 = arith.constant 0 : i32
      %dma_wait3A_1541 = tpu.memref_slice %arg13[%run_scoped3A_1525, %dma_wait3A_1540] : memref<8x128xf32, #tpu.memory_space<vmem>> -> memref<1x128xf32, #tpu.memory_space<vmem>>
      %dma_wait3A_1542 = tpu.memref_squeeze %dma_wait3A_1541 : memref<1x128xf32, #tpu.memory_space<vmem>> -> memref<128xf32, #tpu.memory_space<vmem>>
      tpu.wait_dma2 semaphore(%run_scoped3A_1526 : memref<!tpu.dma_semaphore, #tpu.memory_space<semaphore_mem>>) src(%dma_wait3A_1542 : memref<128xf32, #tpu.memory_space<vmem>>) dst(%dma_wait3A_1539 : memref<128xf32, #tpu.memory_space<hbm>>)
      tpu.yield
    }) : () -> ()
    return
  }
}

module attributes {stable_mosaic.version = 14 : i64} {
  func.func @_finalize_body(%arg0: memref<16384xf32, #tpu.memory_space<vmem>>, %arg1: memref<16xf32, #tpu.memory_space<smem>>, %arg2: memref<16xf32, #tpu.memory_space<smem>>, %arg3: memref<16x16xf32, #tpu.memory_space<vmem>>, %arg4: memref<16x16xf32, #tpu.memory_space<vmem>>, %arg5: memref<16384xf32, #tpu.memory_space<vmem>>) attributes {dimension_semantics = [], scalar_prefetch = 0 : i64, scratch_operands = 0 : i64, tpu.core_type = #tpu.core_type<tc>} {
    %get3A = arith.constant 0 : index
    %get3A_0 = memref.load %arg1[%get3A] : memref<16xf32, #tpu.memory_space<smem>>
    %get3A_1 = arith.constant 0 : index
    %get3A_2 = memref.load %arg2[%get3A_1] : memref<16xf32, #tpu.memory_space<smem>>
    %get3A_3 = arith.constant 0 : index
    %get3A_4 = arith.constant 0 : index
    %get3A_5 = vector.load %arg3[%get3A_3, %get3A_4] : memref<16x16xf32, #tpu.memory_space<vmem>>, vector<16x16xf32>
    %slice3A = vector.extract_strided_slice %get3A_5 {offsets = [0, 0], sizes = [16, 1], strides = [1, 1]} : vector<16x16xf32> to vector<16x1xf32>
    %get3A_6 = arith.constant 0 : index
    %get3A_7 = arith.constant 0 : index
    %get3A_8 = vector.load %arg4[%get3A_6, %get3A_7] : memref<16x16xf32, #tpu.memory_space<vmem>>, vector<16x16xf32>
    %slice3A_9 = vector.extract_strided_slice %get3A_8 {offsets = [0, 0], sizes = [16, 1], strides = [1, 1]} : vector<16x16xf32> to vector<16x1xf32>
    %reduce_max3A = vector.shape_cast %slice3A : vector<16x1xf32> to vector<1x16x1xf32>
    %reduce_max3A_10 = arith.constant dense<0xFF800000> : vector<1xf32>
    %reduce_max3A_11 = vector.multi_reduction <maximumf>, %reduce_max3A, %reduce_max3A_10 [1, 2] : vector<1x16x1xf32> to vector<1xf32>
    %reduce_max3A_12 = vector.shape_cast %reduce_max3A_11 : vector<1xf32> to vector<1x1x1xf32>
    %reduce_max3A_13 = vector.extract %reduce_max3A_12[0, 0, 0] : f32 from vector<1x1x1xf32>
    %max3A = arith.maximumf %get3A_0, %reduce_max3A_13 : f32
    %sub3A = arith.subf %get3A_0, %max3A : f32
    %exp3A = math.exp %sub3A : f32
    %mul3A = arith.mulf %get3A_2, %exp3A : f32
    %sub3A_14 = vector.broadcast %max3A : f32 to vector<16x1xf32>
    %sub3A_15 = arith.subf %slice3A, %sub3A_14 : vector<16x1xf32>
    %exp3A_16 = math.exp %sub3A_15 : vector<16x1xf32>
    %mul3A_17 = arith.mulf %slice3A_9, %exp3A_16 : vector<16x1xf32>
    %reduce_sum3A = vector.shape_cast %mul3A_17 : vector<16x1xf32> to vector<1x16x1xf32>
    %reduce_sum3A_18 = arith.constant dense<0.000000e+00> : vector<1xf32>
    %reduce_sum3A_19 = vector.multi_reduction <add>, %reduce_sum3A, %reduce_sum3A_18 [1, 2] : vector<1x16x1xf32> to vector<1xf32>
    %reduce_sum3A_20 = vector.shape_cast %reduce_sum3A_19 : vector<1xf32> to vector<1x1x1xf32>
    %reduce_sum3A_21 = vector.extract %reduce_sum3A_20[0, 0, 0] : f32 from vector<1x1x1xf32>
    %add3A = arith.addf %mul3A, %reduce_sum3A_21 : f32
    %get3A_22 = arith.constant 0 : index
    %get3A_23 = vector.load %arg0[%get3A_22] : memref<16384xf32, #tpu.memory_space<vmem>>, vector<16384xf32>
    %sub3A_24 = vector.broadcast %max3A : f32 to vector<16384xf32>
    %sub3A_25 = arith.subf %get3A_23, %sub3A_24 : vector<16384xf32>
    %exp3A_26 = math.exp %sub3A_25 : vector<16384xf32>
    %div3A = arith.constant 1.000000e+00 : f32
    %div3A_27 = arith.divf %div3A, %add3A : f32
    %mul3A_28 = vector.broadcast %div3A_27 : f32 to vector<16384xf32>
    %mul3A_29 = arith.mulf %exp3A_26, %mul3A_28 : vector<16384xf32>
    %swap3A = arith.constant 0 : index
    %swap3A_30 = vector.load %arg5[%swap3A] : memref<16384xf32, #tpu.memory_space<vmem>>, vector<16384xf32>
    tpu.vector_store %arg5[%swap3A], %mul3A_29 {strides = array<i32>} : memref<16384xf32, #tpu.memory_space<vmem>>, vector<16384xf32>,
    return
  }
}

module attributes {stable_mosaic.version = 14 : i64} {
  func.func @_stats_body(%arg0: memref<1x1000000xf32, #tpu.memory_space<vmem>>, %arg1: memref<16xf32, #tpu.memory_space<smem>>, %arg2: memref<16xf32, #tpu.memory_space<smem>>) attributes {dimension_semantics = [], scalar_prefetch = 0 : i64, scratch_operands = 0 : i64, tpu.core_type = #tpu.core_type<tc>} {
    %get3A = arith.constant 0 : index
    %get3A_0 = arith.constant 0 : index
    %get3A_1 = vector.load %arg0[%get3A, %get3A_0] : memref<1x1000000xf32, #tpu.memory_space<vmem>>, vector<1x1000000xf32>
    %slice3A = vector.extract_strided_slice %get3A_1 {offsets = [0, 0], sizes = [1, 630000], strides = [1, 1]} : vector<1x1000000xf32> to vector<1x630000xf32>
    %reduce_max3A = vector.shape_cast %slice3A : vector<1x630000xf32> to vector<1x1x630000xf32>
    %reduce_max3A_2 = arith.constant dense<0xFF800000> : vector<1xf32>
    %reduce_max3A_3 = vector.multi_reduction <maximumf>, %reduce_max3A, %reduce_max3A_2 [1, 2] : vector<1x1x630000xf32> to vector<1xf32>
    %reduce_max3A_4 = vector.shape_cast %reduce_max3A_3 : vector<1xf32> to vector<1x1x1xf32>
    %reduce_max3A_5 = vector.extract %reduce_max3A_4[0, 0, 0] : f32 from vector<1x1x1xf32>
    %sub3A = vector.broadcast %reduce_max3A_5 : f32 to vector<1x630000xf32>
    %sub3A_6 = arith.subf %slice3A, %sub3A : vector<1x630000xf32>
    %exp3A = math.exp %sub3A_6 : vector<1x630000xf32>
    %reduce_sum3A = vector.shape_cast %exp3A : vector<1x630000xf32> to vector<1x1x630000xf32>
    %reduce_sum3A_7 = arith.constant dense<0.000000e+00> : vector<1xf32>
    %reduce_sum3A_8 = vector.multi_reduction <add>, %reduce_sum3A, %reduce_sum3A_7 [1, 2] : vector<1x1x630000xf32> to vector<1xf32>
    %reduce_sum3A_9 = vector.shape_cast %reduce_sum3A_8 : vector<1xf32> to vector<1x1x1xf32>
    %reduce_sum3A_10 = vector.extract %reduce_sum3A_9[0, 0, 0] : f32 from vector<1x1x1xf32>
    %swap3A = arith.constant 0 : index
    %swap3A_11 = memref.load %arg1[%swap3A] : memref<16xf32, #tpu.memory_space<smem>>
    memref.store %reduce_max3A_5, %arg1[%swap3A] : memref<16xf32, #tpu.memory_space<smem>>
    %swap3A_12 = arith.constant 0 : index
    %swap3A_13 = memref.load %arg2[%swap3A_12] : memref<16xf32, #tpu.memory_space<smem>>
    memref.store %reduce_sum3A_10, %arg2[%swap3A_12] : memref<16xf32, #tpu.memory_space<smem>>
    %swap3A_14 = arith.constant 1 : index
    %swap3A_15 = memref.load %arg1[%swap3A_14] : memref<16xf32, #tpu.memory_space<smem>>
    memref.store %reduce_max3A_5, %arg1[%swap3A_14] : memref<16xf32, #tpu.memory_space<smem>>
    %swap3A_16 = arith.constant 1 : index
    %swap3A_17 = memref.load %arg2[%swap3A_16] : memref<16xf32, #tpu.memory_space<smem>>
    memref.store %reduce_sum3A_10, %arg2[%swap3A_16] : memref<16xf32, #tpu.memory_space<smem>>
    %swap3A_18 = arith.constant 2 : index
    %swap3A_19 = memref.load %arg1[%swap3A_18] : memref<16xf32, #tpu.memory_space<smem>>
    memref.store %reduce_max3A_5, %arg1[%swap3A_18] : memref<16xf32, #tpu.memory_space<smem>>
    %swap3A_20 = arith.constant 2 : index
    %swap3A_21 = memref.load %arg2[%swap3A_20] : memref<16xf32, #tpu.memory_space<smem>>
    memref.store %reduce_sum3A_10, %arg2[%swap3A_20] : memref<16xf32, #tpu.memory_space<smem>>
    %swap3A_22 = arith.constant 3 : index
    %swap3A_23 = memref.load %arg1[%swap3A_22] : memref<16xf32, #tpu.memory_space<smem>>
    memref.store %reduce_max3A_5, %arg1[%swap3A_22] : memref<16xf32, #tpu.memory_space<smem>>
    %swap3A_24 = arith.constant 3 : index
    %swap3A_25 = memref.load %arg2[%swap3A_24] : memref<16xf32, #tpu.memory_space<smem>>
    memref.store %reduce_sum3A_10, %arg2[%swap3A_24] : memref<16xf32, #tpu.memory_space<smem>>
    %swap3A_26 = arith.constant 4 : index
    %swap3A_27 = memref.load %arg1[%swap3A_26] : memref<16xf32, #tpu.memory_space<smem>>
    memref.store %reduce_max3A_5, %arg1[%swap3A_26] : memref<16xf32, #tpu.memory_space<smem>>
    %swap3A_28 = arith.constant 4 : index
    %swap3A_29 = memref.load %arg2[%swap3A_28] : memref<16xf32, #tpu.memory_space<smem>>
    memref.store %reduce_sum3A_10, %arg2[%swap3A_28] : memref<16xf32, #tpu.memory_space<smem>>
    %swap3A_30 = arith.constant 5 : index
    %swap3A_31 = memref.load %arg1[%swap3A_30] : memref<16xf32, #tpu.memory_space<smem>>
    memref.store %reduce_max3A_5, %arg1[%swap3A_30] : memref<16xf32, #tpu.memory_space<smem>>
    %swap3A_32 = arith.constant 5 : index
    %swap3A_33 = memref.load %arg2[%swap3A_32] : memref<16xf32, #tpu.memory_space<smem>>
    memref.store %reduce_sum3A_10, %arg2[%swap3A_32] : memref<16xf32, #tpu.memory_space<smem>>
    %swap3A_34 = arith.constant 6 : index
    %swap3A_35 = memref.load %arg1[%swap3A_34] : memref<16xf32, #tpu.memory_space<smem>>
    memref.store %reduce_max3A_5, %arg1[%swap3A_34] : memref<16xf32, #tpu.memory_space<smem>>
    %swap3A_36 = arith.constant 6 : index
    %swap3A_37 = memref.load %arg2[%swap3A_36] : memref<16xf32, #tpu.memory_space<smem>>
    memref.store %reduce_sum3A_10, %arg2[%swap3A_36] : memref<16xf32, #tpu.memory_space<smem>>
    %swap3A_38 = arith.constant 7 : index
    %swap3A_39 = memref.load %arg1[%swap3A_38] : memref<16xf32, #tpu.memory_space<smem>>
    memref.store %reduce_max3A_5, %arg1[%swap3A_38] : memref<16xf32, #tpu.memory_space<smem>>
    %swap3A_40 = arith.constant 7 : index
    %swap3A_41 = memref.load %arg2[%swap3A_40] : memref<16xf32, #tpu.memory_space<smem>>
    memref.store %reduce_sum3A_10, %arg2[%swap3A_40] : memref<16xf32, #tpu.memory_space<smem>>
    %swap3A_42 = arith.constant 8 : index
    %swap3A_43 = memref.load %arg1[%swap3A_42] : memref<16xf32, #tpu.memory_space<smem>>
    memref.store %reduce_max3A_5, %arg1[%swap3A_42] : memref<16xf32, #tpu.memory_space<smem>>
    %swap3A_44 = arith.constant 8 : index
    %swap3A_45 = memref.load %arg2[%swap3A_44] : memref<16xf32, #tpu.memory_space<smem>>
    memref.store %reduce_sum3A_10, %arg2[%swap3A_44] : memref<16xf32, #tpu.memory_space<smem>>
    %swap3A_46 = arith.constant 9 : index
    %swap3A_47 = memref.load %arg1[%swap3A_46] : memref<16xf32, #tpu.memory_space<smem>>
    memref.store %reduce_max3A_5, %arg1[%swap3A_46] : memref<16xf32, #tpu.memory_space<smem>>
    %swap3A_48 = arith.constant 9 : index
    %swap3A_49 = memref.load %arg2[%swap3A_48] : memref<16xf32, #tpu.memory_space<smem>>
    memref.store %reduce_sum3A_10, %arg2[%swap3A_48] : memref<16xf32, #tpu.memory_space<smem>>
    %swap3A_50 = arith.constant 10 : index
    %swap3A_51 = memref.load %arg1[%swap3A_50] : memref<16xf32, #tpu.memory_space<smem>>
    memref.store %reduce_max3A_5, %arg1[%swap3A_50] : memref<16xf32, #tpu.memory_space<smem>>
    %swap3A_52 = arith.constant 10 : index
    %swap3A_53 = memref.load %arg2[%swap3A_52] : memref<16xf32, #tpu.memory_space<smem>>
    memref.store %reduce_sum3A_10, %arg2[%swap3A_52] : memref<16xf32, #tpu.memory_space<smem>>
    %swap3A_54 = arith.constant 11 : index
    %swap3A_55 = memref.load %arg1[%swap3A_54] : memref<16xf32, #tpu.memory_space<smem>>
    memref.store %reduce_max3A_5, %arg1[%swap3A_54] : memref<16xf32, #tpu.memory_space<smem>>
    %swap3A_56 = arith.constant 11 : index
    %swap3A_57 = memref.load %arg2[%swap3A_56] : memref<16xf32, #tpu.memory_space<smem>>
    memref.store %reduce_sum3A_10, %arg2[%swap3A_56] : memref<16xf32, #tpu.memory_space<smem>>
    %swap3A_58 = arith.constant 12 : index
    %swap3A_59 = memref.load %arg1[%swap3A_58] : memref<16xf32, #tpu.memory_space<smem>>
    memref.store %reduce_max3A_5, %arg1[%swap3A_58] : memref<16xf32, #tpu.memory_space<smem>>
    %swap3A_60 = arith.constant 12 : index
    %swap3A_61 = memref.load %arg2[%swap3A_60] : memref<16xf32, #tpu.memory_space<smem>>
    memref.store %reduce_sum3A_10, %arg2[%swap3A_60] : memref<16xf32, #tpu.memory_space<smem>>
    %swap3A_62 = arith.constant 13 : index
    %swap3A_63 = memref.load %arg1[%swap3A_62] : memref<16xf32, #tpu.memory_space<smem>>
    memref.store %reduce_max3A_5, %arg1[%swap3A_62] : memref<16xf32, #tpu.memory_space<smem>>
    %swap3A_64 = arith.constant 13 : index
    %swap3A_65 = memref.load %arg2[%swap3A_64] : memref<16xf32, #tpu.memory_space<smem>>
    memref.store %reduce_sum3A_10, %arg2[%swap3A_64] : memref<16xf32, #tpu.memory_space<smem>>
    %swap3A_66 = arith.constant 14 : index
    %swap3A_67 = memref.load %arg1[%swap3A_66] : memref<16xf32, #tpu.memory_space<smem>>
    memref.store %reduce_max3A_5, %arg1[%swap3A_66] : memref<16xf32, #tpu.memory_space<smem>>
    %swap3A_68 = arith.constant 14 : index
    %swap3A_69 = memref.load %arg2[%swap3A_68] : memref<16xf32, #tpu.memory_space<smem>>
    memref.store %reduce_sum3A_10, %arg2[%swap3A_68] : memref<16xf32, #tpu.memory_space<smem>>
    %swap3A_70 = arith.constant 15 : index
    %swap3A_71 = memref.load %arg1[%swap3A_70] : memref<16xf32, #tpu.memory_space<smem>>
    memref.store %reduce_max3A_5, %arg1[%swap3A_70] : memref<16xf32, #tpu.memory_space<smem>>
    %swap3A_72 = arith.constant 15 : index
    %swap3A_73 = memref.load %arg2[%swap3A_72] : memref<16xf32, #tpu.memory_space<smem>>
    memref.store %reduce_sum3A_10, %arg2[%swap3A_72] : memref<16xf32, #tpu.memory_space<smem>>
    return
  }
}

</mosaic_0001>

<sc_bundles>
// kernel: kernel.5.cloned.1.call-start
scs
__scs_entry_jumppad:
0x0: {  	(pc) =	sbr.rel $0x88, $3  }
0x1: {  	(tag) =	ssettag $0x0;
	lr =	simm.s32 $0x1  }
0x2: {  	[smem:$0x3F9E] =	sst lr;
	_ =	strace $0xD0000000  }
0x3: {  	_ = 	snop  }
0x4: {  	_ = 	snop  }
0x5: {  	_ = 	snop  }
0x6: {  	_ = 	snop  }
0x7: {  	_ = 	snop  }
__scs_overlays_trampoline_lowered:
0x8: {  	[smem:$0x3FAD] =	sst s0  }
0x9: {  	[smem:$0x3FAE] =	sst s1  }
0xa: {  	[smem:$0x3FAF] =	sst s2  }
0xb: {  	[smem:$0x3FB0] =	sst s3  }
0xc: {  	[smem:$0x3FB1] =	sst s4  }
0xd: {  	[smem:$0x3FB2] =	sst s5  }
0xe: {  	[smem:$0x3FB3] =	sst s6  }
0xf: {  	[smem:$0x3FB4] =	sst s7  }
0x10: {  	[smem:$0x3FB5] =	sst s8  }
0x11: {  	[smem:$0x3FB6] =	sst s9;
	s0 =	simm.s32 @!p0 $0x0  }
0x12: {  	s1 =	sld [smem:$0x3F9C];
	s0 =	simm.s32 @p0 $0x1  }
0x13: {  	[smem:$0x3FB7] =	sst s0;
	s0 =	simm.s32 @!p1 $0x0  }
0x14: {  	s2 =	sld [smem:$0x3F9B];
	s0 =	simm.s32 @p1 $0x1  }
0x15: {  	[smem:$0x3FB8] =	sst s0;
	s0 =	simm.s32 @!p2 $0x0  }
0x16: {  	s3 =	sld [smem:$0x3FDB];
	s0 =	simm.s32 @p2 $0x1  }
0x17: {  	s4 =	simm.s32 $0x1BF5;
	[smem:$0x3FBA] =	sst s0  }
0x18: {  	s0 =	sld [smem:$0x3F9D];
	_ =	swait.ge [sflag:s4], $0x0  }
0x19: {  	s7 =	sld [smem:$0x3F9E]  }
0x1a: {  	s8 =	sadd.s32 $0xFFFFE003, lr  }
0x1b: {  	s9 =	sadd.s32 $0xFFFFFEF7, lr;
	s5 =	simm.s32 $0xFFFFFFFF;
	p2 =	slt.u32 s8, $0xFFFFF086  }
0x1c: {  	p1 =	slt.u32 s9, $0xF7A;
	s5 =	simm.s32 @!p2 $0x0  }
0x1d: {  	s5 =	simm.s32 @p1 $0x1;
	p0 =	seq.s32 s7, s2  }
0x1e: {  	s7 =	smul.u32 @!p0 $0xF7A, s2;
	p2 =	seq.s32 @!p0 s5, $0x0  }
0x1f: {  	s9 =	smul.u32 $0xF7A, s1;
	s8 =	simm.s32 @!p0 $0x1BF5;
	p2 =	por !p2, p0  }
0x20: {  	[sflag:s8] =	ssyncset.s32 @!p0 $0xFFFFF086;
	s6 =	sadd.s32 @!p0 s3, s7;
	s7 =	simm.s32 @!p0 $0x108  }
0x21: {  	s3 =	sadd.s32 s3, s9;
	s6 =	sadd.s32 @!p0 $0x88, s6;
	s7 =	simm.s32 @p2 $0x1082  }
0x22: {  	[simem:s7], [sflag:s8] =	dma.local @!p0 [hbm:s6], $0xF7A  }
0x23: {  	s9 =	sor.u32 $0xD0000000, s2;
	s6 =	simm.s32 $0x108;
	_ =	swait.ge @!p0 [sflag:s8], $0x0  }
0x24: {  	s3 =	sadd.s32 $0x88, s3;
	s6 =	simm.s32 @!p1 $0x1082;
	[sflag:s4] =	ssyncset.s32 $0xFFFFF086  }
0x25: {  	[simem:s6], [sflag:s4] =	dma.local [hbm:s3], $0xF7A  }
0x26: {  	[smem:$0x3F9E] =	sst s1;
	(tag) =	ssettag s2;
	_ =	strace s9  }
0x27: {  	s1 =	sld [smem:$0x3FAE]  }
0x28: {  	s2 =	sld [smem:$0x3FAF]  }
0x29: {  	s4 =	sld [smem:$0x3FB1]  }
0x2a: {  	p0 =	seq.s32 s5, $0x0;
	s5 =	sld [smem:$0x3FB2]  }
0x2b: {  	s6 =	sld [smem:$0x3FB3]  }
0x2c: {  	s7 =	sld [smem:$0x3FB4]  }
0x2d: {  	s3 =	simm.s32 $0x108;
	s8 =	sld [smem:$0x3FB5]  }
0x2e: {  	s3 =	simm.s32 @!p0 $0x1082;
	s9 =	sld [smem:$0x3FB6]  }
0x2f: {  	lr =	sadd.s32 s0, s3;
	s0 =	sld [smem:$0x3FAD]  }
0x30: {  	s3 =	sld [smem:$0x3FB0]  }
0x31: {  	[smem:$0x3FB9] =	sst s10  }
0x32: {  	s10 =	sld [smem:$0x3FB7];
	_ =	sdelay $0x3  }
0x33: {  	p0 =	seq.s32 s10, $0x1;
	s10 =	sld [smem:$0x3FB9];
	_ =	sdelay $0x3  }
0x34: {  	[smem:$0x3FB9] =	sst s10  }
0x35: {  	s10 =	sld [smem:$0x3FB8];
	_ =	sdelay $0x3  }
0x36: {  	p1 =	seq.s32 s10, $0x1;
	s10 =	sld [smem:$0x3FB9];
	_ =	sdelay $0x3  }
0x37: {  	[smem:$0x3FB9] =	sst s10  }
0x38: {  	s10 =	sld [smem:$0x3FBA]  }
0x39: {  	_ = 	snop;
	(pc) =	sbr.ind lr, $3  }
0x3a: {  	_ = 	snop  }
0x3b: {  	_ = 	snop  }
0x3c: {  	p2 =	seq.s32 s10, $0x1;
	s10 =	sld [smem:$0x3FB9]  }
0x3d: {  	_ =	shalt  }
0x3e: {  	_ =	shalt  }
0x3f: {  	_ =	shalt  }
0x40: {  	_ =	shalt  }
0x41: {  	_ =	shalt  }
0x42: {  	_ =	shalt  }
0x43: {  	_ =	shalt  }
0x44: {  	_ =	shalt  }
0x45: {  	_ =	shalt  }
0x46: {  	_ =	shalt  }
0x47: {  	_ =	shalt  }
0x48: {  	_ =	shalt  }
0x49: {  	_ =	shalt  }
0x4a: {  	_ =	shalt  }
0x4b: {  	_ =	shalt  }
0x4c: {  	_ =	shalt  }
0x4d: {  	_ =	shalt  }
0x4e: {  	_ =	shalt  }
0x4f: {  	_ =	shalt  }
0x50: {  	_ =	shalt  }
0x51: {  	_ =	shalt  }
0x52: {  	_ =	shalt  }
0x53: {  	_ =	shalt  }
0x54: {  	_ =	shalt  }
0x55: {  	_ =	shalt  }
0x56: {  	_ =	shalt  }
0x57: {  	_ =	shalt  }
0x58: {  	_ =	shalt  }
0x59: {  	_ =	shalt  }
0x5a: {  	_ =	shalt  }
0x5b: {  	_ =	shalt  }
0x5c: {  	_ =	shalt  }
0x5d: {  	_ =	shalt  }
0x5e: {  	_ =	shalt  }
0x5f: {  	_ =	shalt  }
0x60: {  	_ =	shalt  }
0x61: {  	_ =	shalt  }
0x62: {  	_ =	shalt  }
0x63: {  	_ =	shalt  }
0x64: {  	_ =	shalt  }
0x65: {  	_ =	shalt  }
0x66: {  	_ =	shalt  }
0x67: {  	_ =	shalt  }
0x68: {  	_ =	shalt  }
0x69: {  	_ =	shalt  }
0x6a: {  	_ =	shalt  }
0x6b: {  	_ =	shalt  }
0x6c: {  	_ =	shalt  }
0x6d: {  	_ =	shalt  }
0x6e: {  	_ =	shalt  }
0x6f: {  	_ =	shalt  }
0x70: {  	_ =	shalt  }
0x71: {  	_ =	shalt  }
0x72: {  	_ =	shalt  }
0x73: {  	_ =	shalt  }
0x74: {  	_ =	shalt  }
0x75: {  	_ =	shalt  }
0x76: {  	_ =	shalt  }
0x77: {  	_ =	shalt  }
0x78: {  	_ =	shalt  }
0x79: {  	_ =	shalt  }
0x7a: {  	_ =	shalt  }
0x7b: {  	_ =	shalt  }
0x7c: {  	_ =	shalt  }
0x7d: {  	_ =	shalt  }
0x7e: {  	_ =	shalt  }
0x7f: {  	_ =	shalt  }
0x80: {  	_ =	shalt  }
0x81: {  	_ =	shalt  }
0x82: {  	_ =	shalt  }
0x83: {  	_ =	shalt  }
0x84: {  	_ =	shalt  }
0x85: {  	_ =	shalt  }
0x86: {  	_ =	shalt  }
0x87: {  	_ =	shalt  }
.Lfunc_end0:
.L_simem_size_0:
called_computation_lowered:
.L_overlay_start_0:
0x88: {  	s0 =	sld [smem:$0x3FD9]  }
0x89: {  	s1 =	sld [smem:$0x3FFE];
	_ =	sdelay $0x3  }
0x8a: {  	s0 =	sadd.s32 s1, s0  }
0x8b: {  	[smem:$0x3FC5] =	sst s0  }
0x8c: {  	_ = 	snop  }
0x8d: {  	s0 =	sld [smem:$0x3FC9]  }
0x8e: {  	s16 =	sld [smem:$0x3FC8]  }
0x8f: {  	s2 =	sld [smem:$0x3FC7]  }
0x90: {  	s3 =	sld [smem:$0x3FD0];
	(tm) =	ssettm $0x1  }
0x91: {  	s4 =	sld [smem:$0x3FFB];
	_ =	sdelay $0x3  }
0x92: {  	_ =	strace s4  }
0x93: {  	s4 =	sld [smem:$0x3FFC];
	_ =	sdelay $0x3  }
0x94: {  	_ =	strace s4  }
0x95: {  	s4 =	sld [smem:$0x3FFD];
	_ =	sdelay $0x3  }
0x96: {  	_ =	strace s4  }
0x97: {  	_ =	strace $0x8FFFFFFF  }
0x98: {  	s17 =	sld [smem:$0x3FDB];
	_ =	sdelay $0x1  }
0x99: {  	s5 =	simm.s32 $_scs_section_size  }
0x9a: {  	s6 =	simm.s32 $_size__tile_overlayer_lowered;
	s7 =	simm.s32 $_tile_overlayer_lowered  }
0x9b: {  	s20 =	simm.s32 $0x1BFF;
	s19 =	sshll.u32 s7, $0x1;
	s4 =	sadd.s32 s5, s17  }
0x9c: {  	s8 =	simm.s32 $0x0;
	s18 =	sshll.u32 s6, $0x1;
	s6 =	sadd.s32 s19, s4  }
0x9d: {  	[timem:s8], [sflag:s20] =	dma.local [hbm:s6], s18  }
0x9e: {  	_ =	swait.ge [sflag:s20], s18  }
0x9f: {  	s5 =	ssub.s32 $0x0, s18;
	[sflag:s20] =	ssyncset.done $0x0  }
0xa0: {  	[sflag:s20] =	ssyncadd.s32 s5;
	_ =	sdelay $0x1  }
0xa1: {  	s21 =	simm.s32 $0x1B8B  }
0xa2: {  	_ =	swait.ge [sflag:s21], $0x1  }
0xa3: {  	[sflag:s21] =	ssyncset.done $0x0  }
0xa4: {  	s23 =	simm.s32 $0x1B8E;
	s22 =	sld [smem:$0x3FFE];
	[sflag:s21] =	ssyncadd.s32 $0xFFFFFFFF  }
0xa5: {  	s24 =	simm.s32 $execute0_lowered;
	[smem:$0x3FD2] =	sst s23  }
0xa6: {  	s6 =	sshll.u32 s24, $0x1;
	_ =	strace $0x80000046;
	[dreg:$0x1] =	wrdreg $0xFFFFFFFF  }
0xa7: {  	s25 =	simm.s32 $_size_execute0_lowered;
	s4 =	sadd.s32 s4, s6;
	[dreg:$0x0] =	wrdreg $0x0  }
0xa8: {  	s6 =	sshll.u32 s25, $0x1;
	[dreg:$0x2] =	wrdreg s4  }
0xa9: {  	[dreg:$0x3] =	wrdreg s6  }
0xaa: {  	[dreg:$0x4] =	wrdreg $0xC0  }
0xab: {  	_ =	task [dreg:s8], $0x5FFFF  }
0xac: {  	[dreg:$0x1] =	wrdreg $0xFFFFFFFF  }
0xad: {  	[dreg:$0x0] =	wrdreg $0x60  }
0xae: {  	[dreg:$0x2] =	wrdreg s0  }
0xaf: {  	[dreg:$0x3] =	wrdreg s16  }
0xb0: {  	[dreg:$0x4] =	wrdreg s2  }
0xb1: {  	[dreg:$0x5] =	wrdreg s3  }
0xb2: {  	[dreg:$0x6] =	wrdreg s22  }
0xb3: {  	[dreg:$0x7] =	wrdreg $0x9  }
0xb4: {  	_ =	task.clear_ibuf [dreg:s8], $0x8FFFF;
	_ =	strace $0x90000046  }
0xb5: {  	s26 =	simm.s32 $0x9;
	_ =	strace $0x80000048  }
0xb6: {  	_ =	swait.ge [sflag:s26], $0x1  }
0xb7: {  	[sflag:s26] =	ssyncadd.s32 $0xFFFFFFFF  }
0xb8: {  	_ =	strace $0x90000048  }
0xb9: {  	_ =	sfence  }
0xba: {  	s28 =	sld [smem:$0x0];
	_ =	sdelay $0x1  }
0xbb: {  	s29 =	srdreg.scid  }
0xbc: {  	s30 =	sshll.u32 s29, $0xD;
	s31 =	sshrl.u32 s29, $0x2  }
0xbd: {  	s1 =	sand.u32 $0x1, s29;
	s2 =	sand.u32 $0x4000, s30;
	s0 =	sadd.s32 s31, s28  }
0xbe: {  	s1 =	sor.u32 s2, s1;
	s0 =	sshll.u32 s0, $0x11  }
0xbf: {  	s0 =	sor.u32 s0, s1  }
0xc0: {  	s0 =	sadd.s32 $0x8F2B, s0  }
0xc1: {  	[sflag:s0] =	ssyncadd.remote.s32 $0x1  }
0xc2: {  	_ =	sfence.sel $0xFFFF  }
0xc3: {  	[dreg:$0x0] =	wrdreg $0xFFFFFFFF;
	(pc) =	sbr.abs _section_cstart, $3  }
0xc4: {  	[dreg:$0x1] =	wrdreg $0xFFFFFFFF  }
0xc5: {  	_ =	task.clear_ibuf [dreg:s8], $0x2FFFF;
	_ =	strace $0x9FFFFFFF  }
0xc6: {  	(tm) =	ssettm $0x7FFFFFFF  }
0xc7: {  	_ =	shalt  }
tec
execute0_lowered:
.L_overlay_start_1:
0x0: {  	(tag) =	ssettag $0x1  }
0x1: {  	s6 =	rddreg [dreg:$0x0]  }
0x2: {  	s7 =	rddreg [dreg:$0x1];
	s0 =	stileid.u32  }
0x3: {  	s5 =	rddreg [dreg:$0x2];
	s3 =	smul.u32 $0x5A50, s0  }
0x4: {  	s2 =	rddreg [dreg:$0x3]  }
0x5: {  	s4 =	rddreg [dreg:$0x4];
	s8 =	simm.s32 $0x0;
	s3 =	sshrl.u32 s3, $0x3  }
0x6: {  	[smem:$0x7FF] =	sst s8;
	s3 =	sadd.s32 s5, s3  }
0x7: {  	s1 =	rddreg [dreg:$0x5];
	_ =	strace $0x80000047;
	s3 =	sadd.s32 $0x1339E, s3  }
0x8: {  	[tilespmem:s8], [sflag:$0x1] =	stream.linear.gather [hbm4b:s3+s8], $0x5A50, $0x38;
	[tilespmem:$0x6C00] =	vst v63  }
0x9: {  	s10 =	simm.s32 $0x5A80;
	s9 =	sadd.s32 $0x1E83E, s5;
	s3 =	sshll.u32 s0, $0x7  }
0xa: {  	[tilespmem:s10], [sflag:$0x2] =	stream.linear.gather [hbm4b:s9+s8], $0x50, $0x38;
	[tilespmem:$0x6C00] =	vst v63  }
0xb: {  	s31 =	simm.s32 $0x5B00;
	s6 =	sadd.s32 s6, s3  }
0xc: {  	[tilespmem:s31], [sflag:$0x2] =	stream.linear.gather [hbm4b:s6+s8], $0x400, $0x38;
	[tilespmem:$0x6C00] =	vst v63  }
0xd: {  	s7 =	sadd.s32 s7, s3;
	s9 =	simm.s32 $0x5F00;
	s10 =	simm.s32 $0x2  }
0xe: {  	[tilespmem:s9], [sflag:$0x2] =	stream.linear.gather [hbm4b:s7+s8], $0x400, $0x38;
	[tilespmem:$0x6C00] =	vst v63  }
0xf: {  	_ =	swait.ge [sflag:s10], $0x400  }
0x10: {  	[sflag:s10] =	ssyncset.done $0x0  }
0x11: {  	[sflag:s10] =	ssyncadd.s32 $0xFFFFFC00  }
0x12: {  	_ =	swait.ge [sflag:s10], $0x400  }
0x13: {  	[sflag:s10] =	ssyncset.done $0x0  }
0x14: {  	[sflag:s10] =	ssyncadd.s32 $0xFFFFFC00  }
0x15: {  	_ =	swait.ge [sflag:s10], $0x50  }
0x16: {  	[sflag:s10] =	ssyncset.done $0x0  }
0x17: {  	[sflag:s10] =	ssyncadd.s32 $0xFFFFFFB0  }
0x18: {  	v0 =	vld [tilespmem:$0x5B00]  }
0x19: {  	v2 =	vld [tilespmem:$0x5F00]  }
0x1a: {  	v6 =	vld [tilespmem:$0x5B10]  }
0x1b: {  	v7 =	vld [tilespmem:$0x5F10]  }
0x1c: {  	v8 =	vld [tilespmem:$0x5B20]  }
0x1d: {  	v9 =	vld [tilespmem:$0x5F20]  }
0x1e: {  	v10 =	vld [tilespmem:$0x5B30]  }
0x1f: {  	v11 =	vld [tilespmem:$0x5F30]  }
0x20: {  	v12 =	vld [tilespmem:$0x5B40]  }
0x21: {  	v13 =	vld [tilespmem:$0x5F40]  }
0x22: {  	v14 =	vld [tilespmem:$0x5B50]  }
0x23: {  	v15 =	vld [tilespmem:$0x5F50]  }
0x24: {  	v16 =	vld [tilespmem:$0x5B60]  }
0x25: {  	v17 =	vld [tilespmem:$0x5F60]  }
0x26: {  	v18 =	vld [tilespmem:$0x5B70]  }
0x27: {  	v19 =	vld [tilespmem:$0x5F70]  }
0x28: {  	v20 =	vld [tilespmem:$0x5B80]  }
0x29: {  	v21 =	vld [tilespmem:$0x5F80]  }
0x2a: {  	v22 =	vld [tilespmem:$0x5B90]  }
0x2b: {  	v23 =	vld [tilespmem:$0x5F90]  }
0x2c: {  	v24 =	vld [tilespmem:$0x5BA0]  }
0x2d: {  	v25 =	vld [tilespmem:$0x5FA0]  }
0x2e: {  	v26 =	vld [tilespmem:$0x5BB0]  }
0x2f: {  	v27 =	vld [tilespmem:$0x5FB0]  }
0x30: {  	v28 =	vld [tilespmem:$0x5BC0]  }
0x31: {  	v29 =	vld [tilespmem:$0x5FC0]  }
0x32: {  	v30 =	vld [tilespmem:$0x5BD0]  }
0x33: {  	v31 =	vld [tilespmem:$0x5FD0]  }
0x34: {  	v1 =	vld [tilespmem:$0x60E0]  }
0x35: {  	v32 =	vld [tilespmem:$0x5BE0]  }
0x36: {  	v33 =	vld [tilespmem:$0x5FE0]  }
0x37: {  	v34 =	vld [tilespmem:$0x5BF0]  }
0x38: {  	v35 =	vld [tilespmem:$0x5FF0]  }
0x39: {  	[tilespmem:$0x1FFB0] =	vst v1;
	v1 =	vld [tilespmem:$0x60F0]  }
0x3a: {  	v36 =	vld [tilespmem:$0x5C00]  }
0x3b: {  	v37 =	vld [tilespmem:$0x6000]  }
0x3c: {  	v38 =	vld [tilespmem:$0x5C10]  }
0x3d: {  	v39 =	vld [tilespmem:$0x6010]  }
0x3e: {  	[tilespmem:$0x1FFC0] =	vst v1;
	v1 =	vld [tilespmem:$0x6100]  }
0x3f: {  	v40 =	vld [tilespmem:$0x5C20]  }
0x40: {  	v41 =	vld [tilespmem:$0x6020]  }
0x41: {  	v42 =	vld [tilespmem:$0x5C30]  }
0x42: {  	v43 =	vld [tilespmem:$0x6030]  }
0x43: {  	[tilespmem:$0x1FFE0] =	vst v1;
	v1 =	vld [tilespmem:$0x5D10]  }
0x44: {  	v44 =	vld [tilespmem:$0x5C40]  }
0x45: {  	v45 =	vld [tilespmem:$0x6040]  }
0x46: {  	v46 =	vld [tilespmem:$0x5C50]  }
0x47: {  	v47 =	vld [tilespmem:$0x6050]  }
0x48: {  	[tilespmem:$0x1FFD0] =	vst v1;
	v1 =	vld [tilespmem:$0x6110]  }
0x49: {  	v48 =	vld [tilespmem:$0x5C60]  }
0x4a: {  	v49 =	vld [tilespmem:$0x6060]  }
0x4b: {  	v50 =	vld [tilespmem:$0x5C70]  }
0x4c: {  	v51 =	vld [tilespmem:$0x6070];
	v0 =	vmul.u32 $0x3E8, v0  }
0x4d: {  	v52 =	vld [tilespmem:$0x5C80];
	[tilespmem:$0x1FFF0] =	vst v1;
	v1 =	vmul.u32 $0x3E8, v6  }
0x4e: {  	v53 =	vld [tilespmem:$0x6080];
	v8 =	vmul.u32 $0x3E8, v8;
	v0 =	vadd.s32 v2, v0  }
0x4f: {  	v54 =	vld [tilespmem:$0x5C90];
	[tilespmem:$0x6300] =	vst v0;
	v0 =	vadd.s32 v7, v1;
	v1 =	vmul.u32 $0x3E8, v10  }
0x50: {  	v55 =	vld [tilespmem:$0x6090];
	[tilespmem:$0x6310] =	vst v0;
	v0 =	vadd.s32 v9, v8;
	v8 =	vmul.u32 $0x3E8, v12  }
0x51: {  	v56 =	vld [tilespmem:$0x5CA0];
	[tilespmem:$0x6320] =	vst v0;
	v0 =	vadd.s32 v11, v1;
	v1 =	vmul.u32 $0x3E8, v14  }
0x52: {  	v57 =	vld [tilespmem:$0x60A0];
	[tilespmem:$0x6330] =	vst v0;
	v0 =	vadd.s32 v13, v8;
	v8 =	vmul.u32 $0x3E8, v16  }
0x53: {  	v58 =	vld [tilespmem:$0x5CB0];
	[tilespmem:$0x6340] =	vst v0;
	v0 =	vadd.s32 v15, v1;
	v1 =	vmul.u32 $0x3E8, v18  }
0x54: {  	v59 =	vld [tilespmem:$0x60B0];
	[tilespmem:$0x6350] =	vst v0;
	v0 =	vadd.s32 v17, v8;
	v8 =	vmul.u32 $0x3E8, v20  }
0x55: {  	v60 =	vld [tilespmem:$0x5CC0];
	[tilespmem:$0x6360] =	vst v0;
	v0 =	vadd.s32 v19, v1;
	v1 =	vmul.u32 $0x3E8, v22  }
0x56: {  	v61 =	vld [tilespmem:$0x60C0];
	[tilespmem:$0x6370] =	vst v0;
	v0 =	vadd.s32 v21, v8;
	v8 =	vmul.u32 $0x3E8, v24  }
0x57: {  	v62 =	vld [tilespmem:$0x5CD0];
	[tilespmem:$0x6380] =	vst v0;
	v0 =	vadd.s32 v23, v1;
	v1 =	vmul.u32 $0x3E8, v26  }
0x58: {  	v63 =	vld [tilespmem:$0x60D0];
	[tilespmem:$0x6390] =	vst v0;
	v0 =	vadd.s32 v25, v8;
	v8 =	vmul.u32 $0x3E8, v28  }
0x59: {  	v3 =	vld [tilespmem:$0x5CE0];
	[tilespmem:$0x63A0] =	vst v0;
	v0 =	vadd.s32 v27, v1;
	v1 =	vmul.u32 $0x3E8, v30  }
0x5a: {  	v4 =	vld [tilespmem:$0x5CF0];
	[tilespmem:$0x63B0] =	vst v0;
	v0 =	vadd.s32 v29, v8;
	v8 =	vmul.u32 $0x3E8, v32  }
0x5b: {  	v5 =	vld [tilespmem:$0x5D00];
	[tilespmem:$0x63C0] =	vst v0;
	v0 =	vadd.s32 v31, v1;
	v1 =	vmul.u32 $0x3E8, v34  }
0x5c: {  	v2 =	vld [tilespmem:$0x6120];
	[tilespmem:$0x63D0] =	vst v0;
	v0 =	vadd.s32 v33, v8;
	v8 =	vmul.u32 $0x3E8, v36  }
0x5d: {  	v6 =	vld [tilespmem:$0x5D20];
	[tilespmem:$0x63E0] =	vst v0;
	v0 =	vadd.s32 v35, v1;
	v1 =	vmul.u32 $0x3E8, v38  }
0x5e: {  	v10 =	vld [tilespmem:$0x5D30];
	[tilespmem:$0x63F0] =	vst v0;
	v0 =	vadd.s32 v37, v8;
	v8 =	vmul.u32 $0x3E8, v40  }
0x5f: {  	v7 =	vld [tilespmem:$0x6130];
	[tilespmem:$0x6400] =	vst v0;
	v0 =	vadd.s32 v39, v1;
	v1 =	vmul.u32 $0x3E8, v42  }
0x60: {  	v9 =	vld [tilespmem:$0x5D40];
	[tilespmem:$0x6410] =	vst v0;
	v0 =	vadd.s32 v41, v8;
	v8 =	vmul.u32 $0x3E8, v44  }
0x61: {  	v12 =	vld [tilespmem:$0x5D50];
	[tilespmem:$0x6420] =	vst v0;
	v0 =	vadd.s32 v43, v1;
	v1 =	vmul.u32 $0x3E8, v46  }
0x62: {  	v11 =	vld [tilespmem:$0x6140];
	[tilespmem:$0x6430] =	vst v0;
	v0 =	vadd.s32 v45, v8;
	v8 =	vmul.u32 $0x3E8, v48  }
0x63: {  	v14 =	vld [tilespmem:$0x5D60];
	[tilespmem:$0x6440] =	vst v0;
	v0 =	vadd.s32 v47, v1;
	v1 =	vmul.u32 $0x3E8, v50  }
0x64: {  	v13 =	vld [tilespmem:$0x6150];
	[tilespmem:$0x6450] =	vst v0;
	v0 =	vadd.s32 v49, v8;
	v8 =	vmul.u32 $0x3E8, v52  }
0x65: {  	v16 =	vld [tilespmem:$0x5D70];
	[tilespmem:$0x6460] =	vst v0;
	v0 =	vadd.s32 v51, v1;
	v1 =	vmul.u32 $0x3E8, v54  }
0x66: {  	v15 =	vld [tilespmem:$0x6160];
	[tilespmem:$0x6470] =	vst v0;
	v0 =	vadd.s32 v53, v8;
	v8 =	vmul.u32 $0x3E8, v56  }
0x67: {  	v18 =	vld [tilespmem:$0x5D80];
	[tilespmem:$0x6480] =	vst v0;
	v0 =	vadd.s32 v55, v1;
	v1 =	vmul.u32 $0x3E8, v58  }
0x68: {  	v17 =	vld [tilespmem:$0x6170];
	[tilespmem:$0x6490] =	vst v0;
	v0 =	vadd.s32 v57, v8;
	v8 =	vmul.u32 $0x3E8, v60  }
0x69: {  	v20 =	vld [tilespmem:$0x5D90];
	[tilespmem:$0x64A0] =	vst v0;
	v0 =	vadd.s32 v59, v1;
	v1 =	vmul.u32 $0x3E8, v62  }
0x6a: {  	v19 =	vld [tilespmem:$0x6180];
	[tilespmem:$0x64B0] =	vst v0;
	v0 =	vadd.s32 v61, v8  }
0x6b: {  	v22 =	vld [tilespmem:$0x5DA0];
	[tilespmem:$0x64C0] =	vst v0;
	v0 =	vadd.s32 v63, v1  }
0x6c: {  	[tilespmem:$0x64D0] =	vst v0;
	v0 =	vld [tilespmem:$0x1FFB0]  }
0x6d: {  	v21 =	vld [tilespmem:$0x6190]  }
0x6e: {  	v36 =	vld [tilespmem:$0x61A0]  }
0x6f: {  	v3 =	vmul.u32 $0x3E8, v3;
	v38 =	vld [tilespmem:$0x61B0]  }
0x70: {  	v37 =	vld [tilespmem:$0x5DB0]  }
0x71: {  	v40 =	vld [tilespmem:$0x61C0];
	v0 =	vadd.s32 v0, v3  }
0x72: {  	[tilespmem:$0x64E0] =	vst v0;
	v0 =	vld [tilespmem:$0x1FFC0]  }
0x73: {  	v39 =	vld [tilespmem:$0x5DC0]  }
0x74: {  	v42 =	vld [tilespmem:$0x61D0]  }
0x75: {  	v41 =	vld [tilespmem:$0x5DD0];
	v1 =	vmul.u32 $0x3E8, v4  }
0x76: {  	v44 =	vld [tilespmem:$0x61E0]  }
0x77: {  	v43 =	vld [tilespmem:$0x5DE0];
	v0 =	vadd.s32 v0, v1  }
0x78: {  	[tilespmem:$0x64F0] =	vst v0;
	v0 =	vld [tilespmem:$0x1FFE0]  }
0x79: {  	v46 =	vld [tilespmem:$0x61F0]  }
0x7a: {  	v45 =	vld [tilespmem:$0x5DF0]  }
0x7b: {  	v48 =	vld [tilespmem:$0x5E20];
	v3 =	vmul.u32 $0x3E8, v5  }
0x7c: {  	v1 =	vld [tilespmem:$0x1FFD0]  }
0x7d: {  	v47 =	vld [tilespmem:$0x5E00];
	v0 =	vadd.s32 v0, v3  }
0x7e: {  	[tilespmem:$0x6500] =	vst v0;
	v0 =	vld [tilespmem:$0x1FFF0]  }
0x7f: {  	v50 =	vld [tilespmem:$0x6240]  }
0x80: {  	v49 =	vld [tilespmem:$0x5E30]  }
0x81: {  	v52 =	vld [tilespmem:$0x6250];
	v1 =	vmul.u32 $0x3E8, v1  }
0x82: {  	v51 =	vld [tilespmem:$0x5E50];
	v3 =	vmul.u32 $0x3E8, v6  }
0x83: {  	v54 =	vld [tilespmem:$0x6260];
	v0 =	vadd.s32 v0, v1;
	v1 =	vmul.u32 $0x3E8, v10  }
0x84: {  	v53 =	vld [tilespmem:$0x5E60];
	[tilespmem:$0x6510] =	vst v0;
	v0 =	vadd.s32 v2, v3;
	v2 =	vmul.u32 $0x3E8, v9  }
0x85: {  	v56 =	vld [tilespmem:$0x6270];
	[tilespmem:$0x6520] =	vst v0;
	v0 =	vadd.s32 v7, v1;
	v1 =	vmul.u32 $0x3E8, v12  }
0x86: {  	v55 =	vld [tilespmem:$0x5E70];
	[tilespmem:$0x6530] =	vst v0;
	v0 =	vadd.s32 v11, v2;
	v2 =	vmul.u32 $0x3E8, v14  }
0x87: {  	v58 =	vld [tilespmem:$0x6280];
	[tilespmem:$0x6540] =	vst v0;
	v0 =	vadd.s32 v13, v1;
	v1 =	vmul.u32 $0x3E8, v16  }
0x88: {  	v57 =	vld [tilespmem:$0x5E80];
	[tilespmem:$0x6550] =	vst v0;
	v0 =	vadd.s32 v15, v2;
	v2 =	vmul.u32 $0x3E8, v18  }
0x89: {  	v60 =	vld [tilespmem:$0x6290];
	[tilespmem:$0x6560] =	vst v0;
	v0 =	vadd.s32 v17, v1;
	v1 =	vmul.u32 $0x3E8, v20  }
0x8a: {  	v59 =	vld [tilespmem:$0x5E90];
	[tilespmem:$0x6570] =	vst v0;
	v0 =	vadd.s32 v19, v2;
	v2 =	vmul.u32 $0x3E8, v22  }
0x8b: {  	v8 =	vld [tilespmem:$0x6200];
	[tilespmem:$0x6580] =	vst v0;
	v0 =	vadd.s32 v21, v1;
	v1 =	vmul.u32 $0x3E8, v37  }
0x8c: {  	v4 =	vld [tilespmem:$0x5E10];
	[tilespmem:$0x6590] =	vst v0;
	v0 =	vadd.s32 v36, v2;
	v2 =	vmul.u32 $0x3E8, v39  }
0x8d: {  	v5 =	vld [tilespmem:$0x6210];
	[tilespmem:$0x65A0] =	vst v0;
	v0 =	vadd.s32 v38, v1;
	v1 =	vmul.u32 $0x3E8, v41  }
0x8e: {  	v6 =	vld [tilespmem:$0x6220];
	[tilespmem:$0x65B0] =	vst v0;
	v0 =	vadd.s32 v40, v2;
	v2 =	vmul.u32 $0x3E8, v43  }
0x8f: {  	v7 =	vld [tilespmem:$0x5E40];
	[tilespmem:$0x65C0] =	vst v0;
	v0 =	vadd.s32 v42, v1;
	v1 =	vmul.u32 $0x3E8, v45  }
0x90: {  	v3 =	vld [tilespmem:$0x6230];
	[tilespmem:$0x65D0] =	vst v0;
	v0 =	vadd.s32 v44, v2;
	v2 =	vmul.u32 $0x3E8, v47  }
0x91: {  	v62 =	vld [tilespmem:$0x62D0];
	[tilespmem:$0x65E0] =	vst v0;
	v0 =	vadd.s32 v46, v1;
	v1 =	vmul.u32 $0x3E8, v4  }
0x92: {  	v61 =	vld [tilespmem:$0x5ED0];
	[tilespmem:$0x65F0] =	vst v0;
	v0 =	vadd.s32 v8, v2;
	v2 =	vmul.u32 $0x3E8, v48  }
0x93: {  	v63 =	vld [tilespmem:$0x5EE0];
	[tilespmem:$0x6600] =	vst v0;
	v0 =	vadd.s32 v5, v1;
	v1 =	vmul.u32 $0x3E8, v49  }
0x94: {  	v4 =	vld [tilespmem:$0x5EA0];
	[tilespmem:$0x6610] =	vst v0;
	v0 =	vadd.s32 v6, v2;
	v2 =	vmul.u32 $0x3E8, v7  }
0x95: {  	v8 =	vld [tilespmem:$0x62A0];
	[tilespmem:$0x6620] =	vst v0;
	v0 =	vadd.s32 v3, v1;
	v1 =	vmul.u32 $0x3E8, v51  }
0x96: {  	v5 =	vld [tilespmem:$0x5EB0];
	[tilespmem:$0x6630] =	vst v0;
	v0 =	vadd.s32 v50, v2;
	v2 =	vmul.u32 $0x3E8, v53  }
0x97: {  	v3 =	vld [tilespmem:$0x5EC0];
	[tilespmem:$0x6640] =	vst v0;
	v0 =	vadd.s32 v52, v1;
	v1 =	vmul.u32 $0x3E8, v55  }
0x98: {  	v6 =	vld [tilespmem:$0x62B0];
	[tilespmem:$0x6650] =	vst v0;
	v0 =	vadd.s32 v54, v2;
	v2 =	vmul.u32 $0x3E8, v57  }
0x99: {  	v7 =	vld [tilespmem:$0x62C0];
	[tilespmem:$0x6660] =	vst v0;
	v0 =	vadd.s32 v56, v1;
	v1 =	vmul.u32 $0x3E8, v59  }
0x9a: {  	[tilespmem:$0x6670] =	vst v0;
	v0 =	vadd.s32 v58, v2;
	v2 =	vmul.u32 $0x3E8, v4;
	v4 =	vld [tilespmem:$0x5EF0]  }
0x9b: {  	[tilespmem:$0x6680] =	vst v0;
	v0 =	vadd.s32 v60, v1;
	v1 =	vmul.u32 $0x3E8, v5;
	v5 =	vld [tilespmem:$0x62E0]  }
0x9c: {  	[tilespmem:$0x6690] =	vst v0;
	v0 =	vadd.s32 v8, v2;
	v2 =	vmul.u32 $0x3E8, v3;
	v3 =	vld [tilespmem:$0x62F0]  }
0x9d: {  	[tilespmem:$0x66A0] =	vst v0;
	v0 =	vadd.s32 v6, v1;
	v1 =	vmul.u32 $0x3E8, v61  }
0x9e: {  	[tilespmem:$0x66B0] =	vst v0;
	v0 =	vadd.s32 v7, v2;
	v2 =	vmul.u32 $0x3E8, v63  }
0x9f: {  	[tilespmem:$0x66C0] =	vst v0;
	v0 =	vadd.s32 v62, v1;
	v1 =	vmul.u32 $0x3E8, v4  }
0xa0: {  	[tilespmem:$0x66D0] =	vst v0;
	v0 =	vadd.s32 v5, v2  }
0xa1: {  	[tilespmem:$0x66E0] =	vst v0;
	v0 =	vadd.s32 v3, v1  }
0xa2: {  	s11 =	simm.s32 $0x80;
	s12 =	simm.s32 $0x6300;
	s13 =	simm.s32 $0x6700;
	[tilespmem:$0x66F0] =	vst v0  }
0xa3: {  	[tilespmem:s13], [sflag:$0x3] =	stream.indirect.gather [hbm4b:s5+s11], $0x1, s12, s11, $0xb8;
	[tilespmem:$0x6C00] =	vst v63  }
0xa4: {  	s14 =	simm.s32 $0x6380;
	s15 =	simm.s32 $0x6780;
	s17 =	simm.s32 $0x6400  }
0xa5: {  	[tilespmem:s15], [sflag:$0x3] =	stream.indirect.gather [hbm4b:s5+s11], $0x1, s14, s11, $0xb8;
	[tilespmem:$0x6C00] =	vst v63  }
0xa6: {  	s18 =	simm.s32 $0x6800;
	s19 =	simm.s32 $0x6480;
	s16 =	smul.u32 $0x34, s0  }
0xa7: {  	[tilespmem:s18], [sflag:$0x3] =	stream.indirect.gather [hbm4b:s5+s11], $0x1, s17, s11, $0xb8;
	[tilespmem:$0x6C00] =	vst v63  }
0xa8: {  	s20 =	simm.s32 $0x6880;
	s21 =	simm.s32 $0x6500;
	s7 =	sshrl.u32 s16, $0x8  }
0xa9: {  	[tilespmem:s20], [sflag:$0x3] =	stream.indirect.gather [hbm4b:s5+s11], $0x1, s19, s11, $0xb8;
	[tilespmem:$0x6C00] =	vst v63  }
0xaa: {  	s22 =	simm.s32 $0x6900;
	s23 =	simm.s32 $0x6580;
	s7 =	smul.u32 $0x5, s7  }
0xab: {  	[tilespmem:s22], [sflag:$0x3] =	stream.indirect.gather [hbm4b:s5+s11], $0x1, s21, s11, $0xb8;
	[tilespmem:$0x6C00] =	vst v63  }
0xac: {  	s24 =	simm.s32 $0x6980;
	s25 =	simm.s32 $0x6600;
	s7 =	ssub.s32 s0, s7  }
0xad: {  	[tilespmem:s24], [sflag:$0x3] =	stream.indirect.gather [hbm4b:s5+s11], $0x1, s23, s11, $0xb8;
	[tilespmem:$0x6C00] =	vst v63  }
0xae: {  	s26 =	simm.s32 $0x6A00;
	s28 =	simm.s32 $0x6680;
	s7 =	sand.u32 $0x57, s7  }
0xaf: {  	[tilespmem:s26], [sflag:$0x3] =	stream.indirect.gather [hbm4b:s5+s11], $0x1, s25, s11, $0xb8;
	[tilespmem:$0x6C00] =	vst v63  }
0xb0: {  	s29 =	simm.s32 $0x6A80;
	s30 =	simm.s32 $0x1;
	s7 =	sshll.u32 s7, $0x4  }
0xb1: {  	[tilespmem:s29], [sflag:$0x3] =	stream.indirect.gather [hbm4b:s5+s11], $0x1, s28, s11, $0xb8;
	[tilespmem:$0x6C00] =	vst v63  }
0xb2: {  	v0 =	vld [tilespmem:s7+$0x5A80];
	_ =	swait.ge [sflag:s30], $0x5A50  }
0xb3: {  	[sflag:s30] =	ssyncset.done $0x0  }
0xb4: {  	s31 =	simm.s32 $0x0;
	[sflag:s30] =	ssyncadd.s32 $0xFFFFA5B0  }
0xb5: {  	v3 =	vld [tilespmem:s31+$0x0]  }
0xb6: {  	v4 =	vld [tilespmem:s31+$0x10]  }
0xb7: {  	v5 =	vld [tilespmem:s31+$0x20]  }
0xb8: {  	v1 =	vld [tilespmem:s31+$0x30]  }
0xb9: {  	v6 =	vimm.f32 $-Inf;
	v2 =	vld [tilespmem:s31+$0x40]  }
0xba: {  	v6 =	vmax.f32 v6, v3;
	v3 =	vld [tilespmem:s31+$0x50]  }
0xbb: {  	s6 =	simm.s32 $0x80;
	v6 =	vmax.f32 v6, v4;
	v4 =	vld [tilespmem:s31+$0x60]  }
0xbc: {  	s5 =	sadd.s32 $0x1200, s4;
	s4 =	sadd.s32 $0x1400, s4;
	s7 =	simm.s32 $0x400;
	v6 =	vmax.f32 v6, v5;
	v5 =	vld [tilespmem:s31+$0x70]  }
.LBB2_1:
0xbd: {  	p0 =	sne.s32 s7, $0x16600;
	v7 =	vld [tilespmem:s6+$0x0];
	v1 =	vmax.f32 v6, v1  }
0xbe: {  	v6 =	vld [tilespmem:s6+$0x10];
	v1 =	vmax.f32 v1, v2  }
0xbf: {  	v8 =	vld [tilespmem:s6+$0x20];
	v2 =	vmax.f32 v1, v3  }
.Ltmp0:
0xc0: {  	v1 =	vld [tilespmem:s6+$0x30];
	v3 =	vmax.f32 v2, v4;
	(pc) =	sbr.rel @p0 .LBB2_1-.Ltmp0, $4  }
0xc1: {  	v2 =	vld [tilespmem:s6+$0x40];
	v3 =	vmax.f32 v3, v5  }
0xc2: {  	v4 =	vmax.f32 v3, v7;
	v3 =	vld [tilespmem:s6+$0x50]  }
0xc3: {  	v5 =	vmax.f32 v4, v6;
	v4 =	vld [tilespmem:s6+$0x60]  }
0xc4: {  	v6 =	vmax.f32 v5, v8;
	v5 =	vld [tilespmem:s6+$0x70];
	s6 =	sshra.s32 s7, $0x2;
	s7 =	sadd.s32 $0x200, s7  }
0xc5: {  	v7 =	vld [tilespmem:s6+$0x0];
	v1 =	vmax.f32 v6, v1  }
0xc6: {  	v6 =	vld [tilespmem:s6+$0x10];
	v1 =	vmax.f32 v1, v2  }
0xc7: {  	v2 =	vld [tilespmem:s6+$0x20];
	v1 =	vmax.f32 v1, v3  }
0xc8: {  	v3 =	vld [tilespmem:s6+$0x30];
	v1 =	vmax.f32 v1, v4  }
0xc9: {  	v4 =	vld [tilespmem:s6+$0x40];
	v1 =	vmax.f32 v1, v5  }
0xca: {  	v1 =	vmax.f32 v1, v7;
	v7 =	vld [tilespmem:s6+$0x50]  }
0xcb: {  	v8 =	vld [tilespmem:s6+$0x60];
	v1 =	vmax.f32 v1, v6  }
0xcc: {  	v1 =	vmax.f32 v1, v2;
	v2 =	vld [tilespmem:s6+$0x70]  }
0xcd: {  	v6 =	vld [tilespmem:$0x5A00];
	v1 =	vmax.f32 v1, v3  }
0xce: {  	v5 =	vld [tilespmem:$0x5A10];
	v1 =	vmax.f32 v1, v4  }
0xcf: {  	v4 =	vld [tilespmem:$0x5A20];
	v1 =	vmax.f32 v1, v7  }
0xd0: {  	v3 =	vld [tilespmem:$0x5A30];
	v7 =	vimm.s32 $0xFEDCBA98;
	v1 =	vmax.f32 v1, v8  }
0xd1: {  	v8 =	vimm.s32 $0x76543210;
	v7 =	vunpack.c.l.s4.s8 v7;
	v1 =	vmax.f32 v1, v2;
	v2 =	vld [tilespmem:$0x5A40]  }
0xd2: {  	v8 =	vunpack.c.l.s4.s8 v8;
	v1 =	vmax.f32 v1, v6  }
0xd3: {  	v7 =	vunpack.c.0.s8.s32 v7;
	v1 =	vmax.f32 v1, v5  }
0xd4: {  	v8 =	vunpack.c.0.s8.s32 v8;
	v1 =	vmax.f32 v1, v4  }
0xd5: {  	v7 =	vand.u32 $0xF, v7;
	v1 =	vmax.f32 v1, v3  }
0xd6: {  	v10 =	vimm.s32 $0xBA98FEDC;
	v7 =	vcombine.low v7, v8;
	v1 =	vmax.f32 v1, v2  }
0xd7: {  	p0 =	slt.u32 s0, $0x5;
	v8 =	vunpack.c.l.s4.s8 v10;
	v10 =	vimm.s32 $0x32107654;
	v9 =	vmax.f32 v1, v0  }
0xd8: {  	v1 =	vpsel p0, v9, v1;
	v9 =	vunpack.c.l.s4.s8 v10  }
0xd9: {  	v11 =	vimm.s32 $0x54761032;
	v8 =	vunpack.c.0.s8.s32 v8;
	v10 =	vimm.s32 $0xDCFE98BA  }
0xda: {  	v7 =	vperm.xlane v1, v7;
	v10 =	vunpack.c.l.s4.s8 v10;
	v9 =	vunpack.c.0.s8.s32 v9  }
0xdb: {  	v11 =	vunpack.c.l.s4.s8 v11  }
0xdc: {  	v1 =	vmax.f32 v1, v7;
	v7 =	vcombine.low v9, v8;
	v8 =	vunpack.c.0.s8.s32 v10  }
0xdd: {  	v9 =	vunpack.c.0.s8.s32 v11;
	v10 =	vimm.s32 $0xEFCDAB89;
	v11 =	vimm.s32 $0x67452301  }
0xde: {  	v10 =	vunpack.c.l.s4.s8 v10;
	v11 =	vunpack.c.l.s4.s8 v11;
	v7 =	vperm.xlane v1, v7  }
0xdf: {  	v8 =	vcombine.low v9, v8  }
0xe0: {  	v9 =	vunpack.c.0.s8.s32 v11;
	v1 =	vmax.f32 v1, v7;
	v7 =	vunpack.c.0.s8.s32 v10  }
0xe1: {  	s30 =	simm.s32 $0x0;
	v8 =	vperm.xlane v1, v8  }
0xe2: {  	v7 =	vcombine.low v9, v7;
	v9 =	vld [tilespmem:s30+$0x0]  }
0xe3: {  	v1 =	vmax.f32 v1, v8  }
0xe4: {  	v8 =	vld [tilespmem:s30+$0x10];
	v7 =	vperm.xlane v1, v7;
	_ =	sdelay $0x1  }
0xe5: {  	v1 =	vmax.f32 v1, v7;
	v7 =	vld [tilespmem:s30+$0x20]  }
0xe6: {  	v9 =	vsub.f32 v9, v1  }
0xe7: {  	v10 =	vld [tilespmem:s30+$0x30]  }
0xe8: {  	v8 =	vsub.f32 v8, v1;
	v9 =	vmul.f32 $1.442695020e+00, v9  }
0xe9: {  	v11 =	vld [tilespmem:s30+$0x40]  }
0xea: {  	v8 =	vmul.f32 $1.442695020e+00, v8;
	v7 =	vsub.f32 v7, v1;
	(erf) = vpow2.f32 v9;
	v9 =	vld [tilespmem:s30+$0x50];
	_ =	sdelay $0x1  }
0xeb: {  	v10 =	vsub.f32 v10, v1;
	(erf) = vpow2.f32 v8;
	v8 =	vld [tilespmem:s30+$0x60];
	v7 =	vmul.f32 $1.442695020e+00, v7;
	_ =	sdelay $0x1  }
0xec: {  	v11 =	vsub.f32 v11, v1;
	v10 =	vmul.f32 $1.442695020e+00, v10;
	(erf) = vpow2.f32 v7  }
0xed: {  	v7 =	vsub.f32 v9, v1  }
0xee: {  	v9 =	vmul.f32 $1.442695020e+00, v11;
	(erf) = vpow2.f32 v10;
	v10 =	vld [tilespmem:s30+$0x70]  }
0xef: {  	s31 =	simm.s32 $0x80;
	v8 =	vsub.f32 v8, v1;
	v7 =	vmul.f32 $1.442695020e+00, v7  }
0xf0: {  	v11 =	vld [tilespmem:s31+$0x0];
	(erf) = vpow2.f32 v9  }
0xf1: {  	v9 =	vimm.f32 $0.0e+00;
	v8 =	vmul.f32 $1.442695020e+00, v8;
	v12 =	vpop (erf)  }
0xf2: {  	v13 =	vld [tilespmem:s31+$0x10];
	(erf) = vpow2.f32 v7;
	v9 =	vadd.f32 v12, v9  }
0xf3: {  	v12 =	vld [tilespmem:s31+$0x20];
	(erf) = vpow2.f32 v8;
	v8 =	vsub.f32 v10, v1;
	v7 =	vpop (erf)  }
0xf4: {  	v7 =	vadd.f32 v7, v9  }
0xf5: {  	v11 =	vsub.f32 v11, v1;
	v8 =	vmul.f32 $1.442695020e+00, v8;
	v10 =	vpop (erf)  }
0xf6: {  	v9 =	vld [tilespmem:s31+$0x30];
	v7 =	vadd.f32 v10, v7  }
0xf7: {  	v11 =	vmul.f32 $1.442695020e+00, v11;
	v10 =	vsub.f32 v13, v1;
	v13 =	vld [tilespmem:s31+$0x40];
	v14 =	vpop (erf);
	(erf) = vpow2.f32 v8  }
0xf8: {  	v8 =	vsub.f32 v12, v1;
	v7 =	vadd.f32 v14, v7  }
0xf9: {  	(erf) = vpow2.f32 v11;
	v14 =	vld [tilespmem:s31+$0x50];
	v10 =	vmul.f32 $1.442695020e+00, v10;
	v12 =	vpop (erf)  }
0xfa: {  	v7 =	vadd.f32 v12, v7;
	v12 =	vmul.f32 $1.442695020e+00, v8  }
0xfb: {  	v11 =	vsub.f32 v9, v1;
	v9 =	vld [tilespmem:s31+$0x60];
	(erf) = vpow2.f32 v10  }
0xfc: {  	v8 =	vpop (erf);
	v13 =	vsub.f32 v13, v1  }
0xfd: {  	v15 =	vmul.f32 $1.442695020e+00, v11;
	v16 =	vadd.f32 v8, v7;
	v8 =	vld [tilespmem:s31+$0x70];
	(erf) = vpow2.f32 v12  }
0xfe: {  	s6 =	simm.s32 $0x100;
	v10 =	vsub.f32 v14, v1;
	v12 =	vpop (erf)  }
0xff: {  	s7 =	simm.s32 $0x600;
	v7 =	vld [tilespmem:s6+$0x0];
	v11 =	vmul.f32 $1.442695020e+00, v13;
	(erf) = vpow2.f32 v15;
	v12 =	vadd.f32 v12, v16  }
.LBB2_3:
0x100: {  	p1 =	sne.s32 s7, $0x16600;
	v9 =	vsub.f32 v9, v1;
	v13 =	vpop (erf)  }
0x101: {  	v15 =	vmul.f32 $1.442695020e+00, v10;
	v14 =	vld [tilespmem:s6+$0x10];
	(erf) = vpow2.f32 v11;
	v11 =	vadd.f32 v13, v12  }
0x102: {  	v8 =	vsub.f32 v8, v1;
	v12 =	vpop (erf)  }
0x103: {  	v9 =	vmul.f32 $1.442695020e+00, v9;
	v13 =	vld [tilespmem:s6+$0x20];
	v16 =	vadd.f32 v12, v11;
	(erf) = vpow2.f32 v15  }
0x104: {  	v7 =	vsub.f32 v7, v1;
	v10 =	vpop (erf)  }
0x105: {  	v8 =	vmul.f32 $1.442695020e+00, v8;
	v12 =	vld [tilespmem:s6+$0x30];
	v10 =	vadd.f32 v10, v16;
	(erf) = vpow2.f32 v9  }
0x106: {  	v9 =	vsub.f32 v14, v1;
	v11 =	vpop (erf)  }
0x107: {  	v7 =	vmul.f32 $1.442695020e+00, v7;
	v14 =	vld [tilespmem:s6+$0x40];
	v10 =	vadd.f32 v11, v10;
	(erf) = vpow2.f32 v8  }
0x108: {  	v8 =	vsub.f32 v13, v1;
	v11 =	vpop (erf)  }
0x109: {  	v16 =	vmul.f32 $1.442695020e+00, v9;
	v15 =	vld [tilespmem:s6+$0x50];
	(erf) = vpow2.f32 v7;
	v7 =	vadd.f32 v11, v10  }
0x10a: {  	v10 =	vsub.f32 v12, v1;
	v11 =	vpop (erf)  }
.Ltmp1:
0x10b: {  	v12 =	vmul.f32 $1.442695020e+00, v8;
	v9 =	vld [tilespmem:s6+$0x60];
	(erf) = vpow2.f32 v16;
	v7 =	vadd.f32 v11, v7;
	(pc) =	sbr.rel @p1 .LBB2_3-.Ltmp1, $4  }
0x10c: {  	v11 =	vsub.f32 v14, v1;
	v13 =	vpop (erf)  }
0x10d: {  	v14 =	vmul.f32 $1.442695020e+00, v10;
	v8 =	vld [tilespmem:s6+$0x70];
	(erf) = vpow2.f32 v12;
	v12 =	vadd.f32 v13, v7  }
0x10e: {  	s6 =	sshra.s32 s7, $0x2;
	v10 =	vsub.f32 v15, v1;
	v13 =	vpop (erf)  }
0x10f: {  	s7 =	sadd.s32 $0x200, s7;
	v11 =	vmul.f32 $1.442695020e+00, v11;
	v7 =	vld [tilespmem:s6+$0x0];
	(erf) = vpow2.f32 v14;
	v12 =	vadd.f32 v13, v12  }
0x110: {  	v9 =	vsub.f32 v9, v1;
	v13 =	vpop (erf)  }
0x111: {  	v14 =	vld [tilespmem:s6+$0x10];
	v10 =	vmul.f32 $1.442695020e+00, v10;
	(erf) = vpow2.f32 v11;
	v62 =	vadd.f32 v13, v12  }
0x112: {  	v8 =	vsub.f32 v8, v1;
	v63 =	vpop (erf)  }
0x113: {  	v16 =	vld [tilespmem:s6+$0x20];
	v9 =	vmul.f32 $1.442695020e+00, v9;
	(erf) = vpow2.f32 v10;
	v11 =	vadd.f32 v63, v62  }
0x114: {  	v7 =	vsub.f32 v7, v1;
	v17 =	vpop (erf)  }
0x115: {  	v18 =	vld [tilespmem:s6+$0x30];
	v8 =	vmul.f32 $1.442695020e+00, v8;
	(erf) = vpow2.f32 v9;
	v10 =	vadd.f32 v17, v11  }
0x116: {  	v19 =	vsub.f32 v14, v1;
	v20 =	vpop (erf)  }
0x117: {  	v21 =	vld [tilespmem:s6+$0x40];
	v7 =	vmul.f32 $1.442695020e+00, v7;
	(erf) = vpow2.f32 v8;
	v10 =	vadd.f32 v20, v10  }
0x118: {  	v22 =	vsub.f32 v16, v1;
	v23 =	vpop (erf)  }
0x119: {  	v24 =	vld [tilespmem:s6+$0x50];
	v9 =	vmul.f32 $1.442695020e+00, v19;
	(erf) = vpow2.f32 v7;
	v25 =	vadd.f32 v23, v10  }
0x11a: {  	v26 =	vsub.f32 v18, v1;
	v27 =	vpop (erf)  }
0x11b: {  	v30 =	vld [tilespmem:s6+$0x60];
	v8 =	vmul.f32 $1.442695020e+00, v22;
	(erf) = vpow2.f32 v9;
	v7 =	vadd.f32 v27, v25  }
0x11c: {  	v28 =	vsub.f32 v21, v1;
	v29 =	vpop (erf)  }
0x11d: {  	v33 =	vld [tilespmem:s6+$0x70];
	v10 =	vmul.f32 $1.442695020e+00, v26;
	(erf) = vpow2.f32 v8;
	v7 =	vadd.f32 v29, v7  }
0x11e: {  	v31 =	vsub.f32 v24, v1;
	v32 =	vpop (erf)  }
0x11f: {  	v9 =	vmul.f32 $1.442695020e+00, v28;
	(erf) = vpow2.f32 v10;
	v7 =	vadd.f32 v32, v7  }
0x120: {  	v35 =	vsub.f32 v30, v1;
	v34 =	vpop (erf)  }
0x121: {  	v8 =	vmul.f32 $1.442695020e+00, v31;
	(erf) = vpow2.f32 v9;
	v7 =	vadd.f32 v34, v7  }
0x122: {  	v37 =	vsub.f32 v33, v1;
	v36 =	vpop (erf)  }
0x123: {  	v9 =	vmul.f32 $1.442695020e+00, v35;
	(erf) = vpow2.f32 v8;
	v7 =	vadd.f32 v36, v7  }
0x124: {  	v6 =	vsub.f32 v6, v1;
	v38 =	vpop (erf)  }
0x125: {  	v8 =	vmul.f32 $1.442695020e+00, v37;
	(erf) = vpow2.f32 v9;
	v7 =	vadd.f32 v38, v7  }
0x126: {  	v5 =	vsub.f32 v5, v1;
	v39 =	vpop (erf)  }
0x127: {  	v6 =	vmul.f32 $1.442695020e+00, v6;
	(erf) = vpow2.f32 v8;
	v7 =	vadd.f32 v39, v7  }
0x128: {  	v4 =	vsub.f32 v4, v1;
	v40 =	vpop (erf)  }
0x129: {  	v5 =	vmul.f32 $1.442695020e+00, v5;
	(erf) = vpow2.f32 v6;
	v7 =	vadd.f32 v40, v7  }
0x12a: {  	v3 =	vsub.f32 v3, v1;
	v41 =	vpop (erf)  }
0x12b: {  	v4 =	vmul.f32 $1.442695020e+00, v4;
	(erf) = vpow2.f32 v5;
	v42 =	vadd.f32 v41, v7  }
0x12c: {  	v2 =	vsub.f32 v2, v1;
	v43 =	vpop (erf)  }
0x12d: {  	v3 =	vmul.f32 $1.442695020e+00, v3;
	(erf) = vpow2.f32 v4;
	v44 =	vadd.f32 v43, v42  }
0x12e: {  	v0 =	vsub.f32 v0, v1;
	v45 =	vpop (erf)  }
0x12f: {  	v2 =	vmul.f32 $1.442695020e+00, v2;
	(erf) = vpow2.f32 v3;
	v4 =	vadd.f32 v45, v44  }
0x130: {  	v0 =	vmul.f32 $1.442695020e+00, v0;
	v46 =	vpop (erf)  }
0x131: {  	(erf) = vpow2.f32 v2;
	v3 =	vadd.f32 v46, v4  }
0x132: {  	v47 =	vpop (erf);
	(erf) = vpow2.f32 v0  }
0x133: {  	v48 =	vadd.f32 v3, v47  }
0x134: {  	v49 =	vpop (erf)  }
0x135: {  	v0 =	vadd.f32 v48, v49  }
0x136: {  	v50 =	vpop (erf)  }
0x137: {  	v52 =	vimm.s32 $0xFEDCBA98;
	v0 =	vadd.f32 v0, v50  }
0x138: {  	v53 =	vimm.s32 $0x76543210;
	v3 =	vunpack.c.l.s4.s8 v52;
	v51 =	vpop (erf)  }
0x139: {  	v2 =	vunpack.c.l.s4.s8 v53;
	v0 =	vadd.f32 v0, v51  }
0x13a: {  	v3 =	vunpack.c.0.s8.s32 v3;
	v54 =	vpop (erf)  }
0x13b: {  	v2 =	vunpack.c.0.s8.s32 v2;
	v55 =	vpop (erf);
	v0 =	vadd.f32 v0, v54  }
0x13c: {  	v56 =	vimm.s32 $0xBA98FEDC;
	v3 =	vand.u32 $0xF, v3;
	v4 =	vpsel !p0, $0x0, v55  }
0x13d: {  	v57 =	vimm.s32 $0x32107654;
	v2 =	vcombine.low v3, v2;
	v0 =	vadd.f32 v0, v4  }
0x13e: {  	v3 =	vunpack.c.l.s4.s8 v56;
	v4 =	vunpack.c.l.s4.s8 v57  }
0x13f: {  	v2 =	vperm.xlane v0, v2  }
0x140: {  	v3 =	vunpack.c.0.s8.s32 v3;
	v4 =	vunpack.c.0.s8.s32 v4  }
0x141: {  	v59 =	vimm.s32 $0xDCFE98BA;
	v60 =	vimm.s32 $0x54761032;
	v0 =	vadd.f32 v2, v0  }
0x142: {  	v58 =	vcombine.low v4, v3;
	v3 =	vunpack.c.l.s4.s8 v59;
	v4 =	vunpack.c.l.s4.s8 v60  }
0x143: {  	v62 =	vimm.s32 $0x67452301  }
0x144: {  	v2 =	vperm.xlane v0, v58;
	v3 =	vunpack.c.0.s8.s32 v3;
	v4 =	vunpack.c.0.s8.s32 v4  }
0x145: {  	v61 =	vimm.s32 $0xEFCDAB89;
	v63 =	vunpack.c.l.s4.s8 v62  }
0x146: {  	v0 =	vadd.f32 v2, v0;
	v3 =	vcombine.low v4, v3;
	v2 =	vunpack.c.l.s4.s8 v61;
	_ =	sdelay $0x1  }
0x147: {  	v4 =	vunpack.c.0.s8.s32 v63;
	v3 =	vperm.xlane v0, v3;
	v2 =	vunpack.c.0.s8.s32 v2;
	_ =	sdelay $0x1  }
0x148: {  	v0 =	vadd.f32 v3, v0;
	v2 =	vcombine.low v4, v2;
	_ =	sdelay $0x1  }
0x149: {  	v2 =	vperm.xlane v0, v2;
	_ =	sdelay $0x1  }
0x14a: {  	v0 =	vadd.f32 v2, v0  }
0x14b: {  	s7 =	sshll.u32 s0, $0x4;
	[tilespmem:$0x6B00] =	vst v1;
	s13 =	simm.s32 $0x0  }
0x14c: {  	s8 =	simm.s32 $0x6B00;
	s14 =	simm.s32 $0x4;
	s12 =	sadd.s32 s5, s7;
	[tilespmem:$0x6B80] =	vst v0  }
0x14d: {  	[hbm4b:s12+s13] =	stream.linear.scatter [tilespmem:s8], [sflag:$0x4], $0x80, $0x38;
	[tilespmem:$0x6C00] =	vst v63  }
0x14e: {  	_ =	swait.ge [sflag:s14], $0x80  }
0x14f: {  	[sflag:s14] =	ssyncset.done $0x0  }
0x150: {  	s15 =	simm.s32 $0x6B80;
	s4 =	sadd.s32 s4, s7;
	[sflag:s14] =	ssyncadd.s32 $0xFFFFFF80  }
0x151: {  	[hbm4b:s4+s13] =	stream.linear.scatter [tilespmem:s15], [sflag:$0x4], $0x80, $0x38;
	[tilespmem:$0x6C00] =	vst v63  }
0x152: {  	_ =	swait.ge [sflag:s14], $0x80  }
0x153: {  	[sflag:s14] =	ssyncset.done $0x0  }
0x154: {  	s16 =	simm.s32 $0x3;
	[sflag:s14] =	ssyncadd.s32 $0xFFFFFF80  }
0x155: {  	_ =	swait.ge [sflag:s16], $0x80  }
0x156: {  	[sflag:s16] =	ssyncset.done $0x0  }
0x157: {  	s2 =	sadd.s32 s2, s3;
	s17 =	simm.s32 $0x6700;
	[sflag:s16] =	ssyncadd.s32 $0xFFFFFF80  }
0x158: {  	[hbm4b:s2+s13] =	stream.linear.scatter [tilespmem:s17], [sflag:$0x4], $0x80, $0x38;
	[tilespmem:$0x6C00] =	vst v63  }
0x159: {  	_ =	swait.ge [sflag:s14], $0x80  }
0x15a: {  	[sflag:s14] =	ssyncset.done $0x0  }
0x15b: {  	[sflag:s14] =	ssyncadd.s32 $0xFFFFFF80  }
0x15c: {  	_ =	swait.ge [sflag:s16], $0x80  }
0x15d: {  	[sflag:s16] =	ssyncset.done $0x0  }
0x15e: {  	s19 =	simm.s32 $0x6780;
	s18 =	sadd.s32 $0x10, s2;
	[sflag:s16] =	ssyncadd.s32 $0xFFFFFF80  }
0x15f: {  	[hbm4b:s18+s13] =	stream.linear.scatter [tilespmem:s19], [sflag:$0x4], $0x80, $0x38;
	[tilespmem:$0x6C00] =	vst v63  }
0x160: {  	_ =	swait.ge [sflag:s14], $0x80  }
0x161: {  	[sflag:s14] =	ssyncset.done $0x0  }
0x162: {  	[sflag:s14] =	ssyncadd.s32 $0xFFFFFF80  }
0x163: {  	_ =	swait.ge [sflag:s16], $0x80  }
0x164: {  	[sflag:s16] =	ssyncset.done $0x0  }
0x165: {  	s21 =	simm.s32 $0x6800;
	s20 =	sadd.s32 $0x20, s2;
	[sflag:s16] =	ssyncadd.s32 $0xFFFFFF80  }
0x166: {  	[hbm4b:s20+s13] =	stream.linear.scatter [tilespmem:s21], [sflag:$0x4], $0x80, $0x38;
	[tilespmem:$0x6C00] =	vst v63  }
0x167: {  	_ =	swait.ge [sflag:s14], $0x80  }
0x168: {  	[sflag:s14] =	ssyncset.done $0x0  }
0x169: {  	[sflag:s14] =	ssyncadd.s32 $0xFFFFFF80  }
0x16a: {  	_ =	swait.ge [sflag:s16], $0x80  }
0x16b: {  	[sflag:s16] =	ssyncset.done $0x0  }
0x16c: {  	s23 =	simm.s32 $0x6880;
	s22 =	sadd.s32 $0x30, s2;
	[sflag:s16] =	ssyncadd.s32 $0xFFFFFF80  }
0x16d: {  	[hbm4b:s22+s13] =	stream.linear.scatter [tilespmem:s23], [sflag:$0x4], $0x80, $0x38;
	[tilespmem:$0x6C00] =	vst v63  }
0x16e: {  	_ =	swait.ge [sflag:s14], $0x80  }
0x16f: {  	[sflag:s14] =	ssyncset.done $0x0  }
0x170: {  	[sflag:s14] =	ssyncadd.s32 $0xFFFFFF80  }
0x171: {  	_ =	swait.ge [sflag:s16], $0x80  }
0x172: {  	[sflag:s16] =	ssyncset.done $0x0  }
0x173: {  	s25 =	simm.s32 $0x6900;
	s24 =	sadd.s32 $0x40, s2;
	[sflag:s16] =	ssyncadd.s32 $0xFFFFFF80  }
0x174: {  	[hbm4b:s24+s13] =	stream.linear.scatter [tilespmem:s25], [sflag:$0x4], $0x80, $0x38;
	[tilespmem:$0x6C00] =	vst v63  }
0x175: {  	_ =	swait.ge [sflag:s14], $0x80  }
0x176: {  	[sflag:s14] =	ssyncset.done $0x0  }
0x177: {  	[sflag:s14] =	ssyncadd.s32 $0xFFFFFF80  }
0x178: {  	_ =	swait.ge [sflag:s16], $0x80  }
0x179: {  	[sflag:s16] =	ssyncset.done $0x0  }
0x17a: {  	s28 =	simm.s32 $0x6980;
	s26 =	sadd.s32 $0x50, s2;
	[sflag:s16] =	ssyncadd.s32 $0xFFFFFF80  }
0x17b: {  	[hbm4b:s26+s13] =	stream.linear.scatter [tilespmem:s28], [sflag:$0x4], $0x80, $0x38;
	[tilespmem:$0x6C00] =	vst v63  }
0x17c: {  	_ =	swait.ge [sflag:s14], $0x80  }
0x17d: {  	[sflag:s14] =	ssyncset.done $0x0  }
0x17e: {  	[sflag:s14] =	ssyncadd.s32 $0xFFFFFF80  }
0x17f: {  	_ =	swait.ge [sflag:s16], $0x80  }
0x180: {  	[sflag:s16] =	ssyncset.done $0x0  }
0x181: {  	s30 =	simm.s32 $0x6A00;
	s29 =	sadd.s32 $0x60, s2;
	[sflag:s16] =	ssyncadd.s32 $0xFFFFFF80  }
0x182: {  	[hbm4b:s29+s13] =	stream.linear.scatter [tilespmem:s30], [sflag:$0x4], $0x80, $0x38;
	[tilespmem:$0x6C00] =	vst v63  }
0x183: {  	_ =	swait.ge [sflag:s14], $0x80  }
0x184: {  	[sflag:s14] =	ssyncset.done $0x0  }
0x185: {  	[sflag:s14] =	ssyncadd.s32 $0xFFFFFF80  }
0x186: {  	_ =	swait.ge [sflag:s16], $0x80  }
0x187: {  	[sflag:s16] =	ssyncset.done $0x0  }
0x188: {  	s31 =	simm.s32 $0x6A80;
	s2 =	sadd.s32 $0x70, s2;
	[sflag:s16] =	ssyncadd.s32 $0xFFFFFF80  }
0x189: {  	[hbm4b:s2+s13] =	stream.linear.scatter [tilespmem:s31], [sflag:$0x4], $0x80, $0x38;
	[tilespmem:$0x6C00] =	vst v63  }
0x18a: {  	_ =	swait.ge [sflag:s14], $0x80  }
0x18b: {  	[sflag:s14] =	ssyncset.done $0x0  }
0x18c: {  	[sflag:s14] =	ssyncadd.s32 $0xFFFFFF80  }
0x18d: {  	_ =	sfence.sel $0x180000  }
0x18e: {  	[bflag:$0x0] =	sbarrier.arrive $0xFFFF  }
0x18f: {  	p0 =	sne.s32 s0, $0x0;
	_ =	strace $0x90000047  }
0x190: {  	s0 =	sadd.s32 @!p0 $0x100000, s1;
	[bflag:$0x2] =	sbarrier.arrive $0xFFFF  }
0x191: {  	[sflag:s0] =	ssyncadd.tile.s32 @!p0 $0x1;
	_ =	shalt  }
.Lfunc_end2:
_tile_overlayer_lowered:
.L_overlay_start_2:
0x192: {  	(tag) =	ssettag $0x2  }
0x193: {  	s0 =	rddreg [dreg:$0x0];
	s2 =	stileid.u32  }
0x194: {  	s1 =	rddreg [dreg:$0x1];
	p0 =	sne.s32 s2, $0x0  }
0x195: {  	s3 =	rddreg [dreg:$0x2];
	[bflag:$0x3] =	sbarrier.arrive $0xFFFF;
	s2 =	simm.s32 @!p0 $0x1C04  }
0x196: {  	[timem:s3], [sflag:s2] =	dma.local @!p0 [hbm:s0], s1  }
0x197: {  	s0 =	simm.s32 @!p0 $0x4  }
0x198: {  	_ =	swait.ge @!p0 [sflag:s0], s1  }
0x199: {  	s1 =	ssub.s32 @!p0 $0x0, s1;
	[sflag:s0] =	ssyncset.done @!p0 $0x0  }
0x19a: {  	[sflag:s0] =	ssyncadd.s32 @!p0 s1  }
0x19b: {  	[bflag:$0x3] =	sbarrier.arrive $0xFFFF  }
0x19c: {  	_ =	shalt  }

</sc_bundles>
